<compile_context>
chip_gen: v7x
topology: tpu7x:2x2x1
jax: 0.10.2.dev20260603
libtpu: 0.0.44.dev20260713+nightly
codegen_flags: <defaults>
</compile_context>

<pallas_src>
import functools

import jax
import jax.numpy as jnp
from jax import lax
from jax.experimental import pallas as pl
from jax.experimental.pallas import tpu as pltpu
from jax.experimental.pallas import tpu_sc as plsc

VOCAB = 100000
D = 128
B = 1024
H = 200

NUM_CORES = 2
NUM_SUBCORES = 16
NW = NUM_CORES * NUM_SUBCORES
BPW = B // NW
NCHUNK = 2
CHL = H // NCHUNK
LANES = 16
NVREG = D // LANES


NBUF = 8
RUNROLL = 4


def _sc_body(x_hbm, table_hbm, out_hbm, idx_v, *rest):
    c = lax.axis_index("c")
    s = lax.axis_index("s")
    wid = s * NUM_CORES + c
    base = wid * BPW

    pltpu.sync_copy(x_hbm.at[pl.ds(base, BPW)], idx_v)

    bufs = rest[:NBUF]
    out_v = rest[NBUF]
    sems = rest[NBUF + 1:]

    SPG = NBUF // NCHUNK

    def issue(b, si, h):
        pltpu.async_copy(table_hbm.at[idx_v.at[si, h]], bufs[b], sems[b])

    def wait(b):
        pltpu.make_async_copy(
            table_hbm.at[idx_v.at[0, 0]], bufs[b], sems[b]).wait()

    def half_sum(b, acc):
        buf = bufs[b]

        @plsc.parallel_loop(0, CHL // RUNROLL, carry=acc)
        def row_body(r0, a):
            for u in range(RUNROLL):
                r = r0 * RUNROLL + u
                a = tuple(a[j] + buf[r, pl.ds(j * LANES, LANES)]
                          for j in range(NVREG))
            return a

        return row_body

    NG = BPW // SPG
    for b in range(NBUF):
        issue(b, b // NCHUNK, b % NCHUNK)

    def group_body(g, _):
        for p in range(SPG):
            si = g * SPG + p
            acc = tuple(jnp.zeros((LANES,), jnp.float32)
                        for _ in range(NVREG))
            for h in range(NCHUNK):
                b = p * NCHUNK + h
                wait(b)
                acc = half_sum(b, acc)

                @pl.when(g + 1 < NG)
                def _():
                    issue(b, (g + 1) * SPG + p, h)
            for j in range(NVREG):
                out_v[si, pl.ds(j * LANES, LANES)] = acc[j] * (1.0 / H)
        return 0

    lax.fori_loop(0, NG, group_body, 0)
    pltpu.sync_copy(out_v, out_hbm.at[pl.ds(base, BPW)])


@functools.partial(jax.jit, static_argnames=())
def kernel(x, table):
    mesh = plsc.VectorSubcoreMesh(core_axis_name="c", subcore_axis_name="s")
    f = pl.kernel(
        _sc_body,
        mesh=mesh,
        out_type=jax.ShapeDtypeStruct((B, D), jnp.float32),
        scratch_types=[
            pltpu.VMEM((BPW, NCHUNK, CHL), jnp.int32),
            *[pltpu.VMEM((CHL, D), jnp.float32) for _ in range(NBUF)],
            pltpu.VMEM((BPW, D), jnp.float32),
            *[pltpu.SemaphoreType.DMA for _ in range(NBUF)],
        ],
    )
    return f(x.astype(jnp.int32).reshape(B, NCHUNK, CHL), table)

# --- scband reference (transcript-rebuilt; emitter-appended) ---
"""Pipeline reference for scband-region-set2-vec-57071525429426 (READ-ONLY COPY).

The authoritative reference and input builder live on the scoring server;
editing this copy changes nothing except your own understanding.
"""

import jax, jax.numpy as jnp
import numpy as np

VOCAB = 100000
EMBED_DIM = 128
BATCH = 1024
HIST = 200

def setup_inputs(seed: int = 0) -> dict:
    key = jax.random.key(seed)
    k_idx, k_tab = jax.random.split(key)
    x = jax.random.randint(k_idx, (BATCH, HIST), 0, VOCAB, dtype=jnp.int64 if jax.config.jax_enable_x64 else jnp.int32)
    table = jax.random.normal(k_tab, (VOCAB, EMBED_DIM), dtype=jnp.float32) * 0.02
    return {"x": x, "table": table}

def reference(x, table):
    # Region2Vec: embedding lookup over region vocabulary
    emb = jnp.take(table, x, axis=0)          # [B, L, D]
    # MeanPooling: torch.mean(x, dim=1)
    out = jnp.mean(emb, axis=1)               # [B, D]
    return out

if __name__ == "__main__":
    import jax
    _d = setup_inputs()
    print(jax.jit(kernel)(*tuple(_d.values())))

</pallas_src>

<mosaic_0001>
#map = affine_map<(d0, d1) -> (0, 0, 0)>
#map1 = affine_map<(d0, d1) -> (0, 0)>
module attributes {stable_mosaic.version = 14 : i64} {
  func.func @_sc_body(%arg0: i32, %arg1: i32, %arg2: memref<1024x2x100xi32, #tpu.memory_space<hbm>>, %arg3: memref<100000x128xf32, #tpu.memory_space<hbm>>, %arg4: memref<1024x128xf32, #tpu.memory_space<hbm>>, %arg5: memref<32x2x100xi32, #tpu.memory_space<vmem>>, %arg6: memref<100x128xf32, #tpu.memory_space<vmem>>, %arg7: memref<100x128xf32, #tpu.memory_space<vmem>>, %arg8: memref<100x128xf32, #tpu.memory_space<vmem>>, %arg9: memref<100x128xf32, #tpu.memory_space<vmem>>, %arg10: memref<100x128xf32, #tpu.memory_space<vmem>>, %arg11: memref<100x128xf32, #tpu.memory_space<vmem>>, %arg12: memref<100x128xf32, #tpu.memory_space<vmem>>, %arg13: memref<100x128xf32, #tpu.memory_space<vmem>>, %arg14: memref<32x128xf32, #tpu.memory_space<vmem>>, %arg15: memref<!tpu.dma_semaphore, #tpu.memory_space<semaphore_mem>>, %arg16: memref<!tpu.dma_semaphore, #tpu.memory_space<semaphore_mem>>, %arg17: memref<!tpu.dma_semaphore, #tpu.memory_space<semaphore_mem>>, %arg18: memref<!tpu.dma_semaphore, #tpu.memory_space<semaphore_mem>>, %arg19: memref<!tpu.dma_semaphore, #tpu.memory_space<semaphore_mem>>, %arg20: memref<!tpu.dma_semaphore, #tpu.memory_space<semaphore_mem>>, %arg21: memref<!tpu.dma_semaphore, #tpu.memory_space<semaphore_mem>>, %arg22: memref<!tpu.dma_semaphore, #tpu.memory_space<semaphore_mem>>) attributes {dimension_semantics = [#tpu.dimension_semantics<core_parallel>, #tpu.dimension_semantics<subcore_parallel>], iteration_bounds = array<i64: 2, 16>, scalar_prefetch = 0 : i64, scratch_operands = 18 : i64, tpu.core_type = #tpu.core_type<sc_vector_subcore>, window_params = [{transform_indices = #map}, {transform_indices = #map1}, {transform_indices = #map1}]} {
    %mul3A = arith.constant 2 : i32
    %mul3A_0 = arith.muli %arg1, %mul3A : i32
    %add3A = arith.addi %mul3A_0, %arg0 : i32
    %mul3A_1 = arith.constant 32 : i32
    %mul3A_2 = arith.muli %add3A, %mul3A_1 : i32
    "tpu.region"() ({
      %run_scoped3A = tpu.sem_alloc : memref<!tpu.dma_semaphore, #tpu.memory_space<semaphore_mem>>
      %dma_start3A_72 = arith.constant 0 : i32
      %dma_start3A_73 = arith.constant 0 : i32
      %dma_start3A_74 = tpu.memref_slice %arg2[%mul3A_2, %dma_start3A_72, %dma_start3A_73] : memref<1024x2x100xi32, #tpu.memory_space<hbm>> -> memref<32x2x100xi32, #tpu.memory_space<hbm>>
      %dma_start3A_75 = arith.constant 0 : i32
      %dma_start3A_76 = arith.constant 0 : i32
      %dma_start3A_77 = tpu.memref_slice %arg2[%mul3A_2, %dma_start3A_75, %dma_start3A_76] : memref<1024x2x100xi32, #tpu.memory_space<hbm>> -> memref<32x2x100xi32, #tpu.memory_space<hbm>>
      tpu.enqueue_dma source(%dma_start3A_77 : memref<32x2x100xi32, #tpu.memory_space<hbm>>) target(%arg5 : memref<32x2x100xi32, #tpu.memory_space<vmem>>) target_semaphore(%run_scoped3A : memref<!tpu.dma_semaphore, #tpu.memory_space<semaphore_mem>>)
      %dma_wait3A = arith.constant 0 : i32
      %dma_wait3A_78 = arith.constant 0 : i32
      %dma_wait3A_79 = tpu.memref_slice %arg2[%mul3A_2, %dma_wait3A, %dma_wait3A_78] : memref<1024x2x100xi32, #tpu.memory_space<hbm>> -> memref<32x2x100xi32, #tpu.memory_space<hbm>>
      %dma_wait3A_80 = arith.constant 0 : i32
      %dma_wait3A_81 = arith.constant 0 : i32
      %dma_wait3A_82 = tpu.memref_slice %arg2[%mul3A_2, %dma_wait3A_80, %dma_wait3A_81] : memref<1024x2x100xi32, #tpu.memory_space<hbm>> -> memref<32x2x100xi32, #tpu.memory_space<hbm>>
      tpu.wait_dma2 semaphore(%run_scoped3A : memref<!tpu.dma_semaphore, #tpu.memory_space<semaphore_mem>>) src(%dma_wait3A_82 : memref<32x2x100xi32, #tpu.memory_space<hbm>>) dst(%arg5 : memref<32x2x100xi32, #tpu.memory_space<vmem>>)
      tpu.yield
    }) : () -> ()
    %dma_start3A = arith.constant 0 : i32
    %dma_start3A_3 = arith.constant 0 : i32
    %dma_start3A_4 = arith.constant 0 : i32
    %dma_start3A_5 = tpu.memref_slice %arg5[%dma_start3A, %dma_start3A_3, %dma_start3A_4] : memref<32x2x100xi32, #tpu.memory_space<vmem>> -> memref<1x1x100xi32, #tpu.memory_space<vmem>>
    %dma_start3A_6 = tpu.memref_squeeze %dma_start3A_5 : memref<1x1x100xi32, #tpu.memory_space<vmem>> -> memref<100xi32, #tpu.memory_space<vmem>>
    %dma_start3A_7 = arith.constant 0 : i32
    %dma_start3A_8 = arith.constant 0 : i32
    %dma_start3A_9 = tpu.memref_slice %arg3[%dma_start3A_7, %dma_start3A_8] : memref<100000x128xf32, #tpu.memory_space<hbm>> -> memref<100000x128xf32, #tpu.memory_space<hbm>>
    tpu.enqueue_indirect_dma source(%dma_start3A_9 : memref<100000x128xf32, #tpu.memory_space<hbm>>) target(%arg6 : memref<100x128xf32, #tpu.memory_space<vmem>>) offsets(%dma_start3A_6 : memref<100xi32, #tpu.memory_space<vmem>>) semaphore(%arg15 : memref<!tpu.dma_semaphore, #tpu.memory_space<semaphore_mem>>)
    %dma_start3A_10 = arith.constant 0 : i32
    %dma_start3A_11 = arith.constant 1 : i32
    %dma_start3A_12 = arith.constant 0 : i32
    %dma_start3A_13 = tpu.memref_slice %arg5[%dma_start3A_10, %dma_start3A_11, %dma_start3A_12] : memref<32x2x100xi32, #tpu.memory_space<vmem>> -> memref<1x1x100xi32, #tpu.memory_space<vmem>>
    %dma_start3A_14 = tpu.memref_squeeze %dma_start3A_13 : memref<1x1x100xi32, #tpu.memory_space<vmem>> -> memref<100xi32, #tpu.memory_space<vmem>>
    %dma_start3A_15 = arith.constant 0 : i32
    %dma_start3A_16 = arith.constant 0 : i32
    %dma_start3A_17 = tpu.memref_slice %arg3[%dma_start3A_15, %dma_start3A_16] : memref<100000x128xf32, #tpu.memory_space<hbm>> -> memref<100000x128xf32, #tpu.memory_space<hbm>>
    tpu.enqueue_indirect_dma source(%dma_start3A_17 : memref<100000x128xf32, #tpu.memory_space<hbm>>) target(%arg7 : memref<100x128xf32, #tpu.memory_space<vmem>>) offsets(%dma_start3A_14 : memref<100xi32, #tpu.memory_space<vmem>>) semaphore(%arg16 : memref<!tpu.dma_semaphore, #tpu.memory_space<semaphore_mem>>)
    %dma_start3A_18 = arith.constant 1 : i32
    %dma_start3A_19 = arith.constant 0 : i32
    %dma_start3A_20 = arith.constant 0 : i32
    %dma_start3A_21 = tpu.memref_slice %arg5[%dma_start3A_18, %dma_start3A_19, %dma_start3A_20] : memref<32x2x100xi32, #tpu.memory_space<vmem>> -> memref<1x1x100xi32, #tpu.memory_space<vmem>>
    %dma_start3A_22 = tpu.memref_squeeze %dma_start3A_21 : memref<1x1x100xi32, #tpu.memory_space<vmem>> -> memref<100xi32, #tpu.memory_space<vmem>>
    %dma_start3A_23 = arith.constant 0 : i32
    %dma_start3A_24 = arith.constant 0 : i32
    %dma_start3A_25 = tpu.memref_slice %arg3[%dma_start3A_23, %dma_start3A_24] : memref<100000x128xf32, #tpu.memory_space<hbm>> -> memref<100000x128xf32, #tpu.memory_space<hbm>>
    tpu.enqueue_indirect_dma source(%dma_start3A_25 : memref<100000x128xf32, #tpu.memory_space<hbm>>) target(%arg8 : memref<100x128xf32, #tpu.memory_space<vmem>>) offsets(%dma_start3A_22 : memref<100xi32, #tpu.memory_space<vmem>>) semaphore(%arg17 : memref<!tpu.dma_semaphore, #tpu.memory_space<semaphore_mem>>)
    %dma_start3A_26 = arith.constant 1 : i32
    %dma_start3A_27 = arith.constant 1 : i32
    %dma_start3A_28 = arith.constant 0 : i32
    %dma_start3A_29 = tpu.memref_slice %arg5[%dma_start3A_26, %dma_start3A_27, %dma_start3A_28] : memref<32x2x100xi32, #tpu.memory_space<vmem>> -> memref<1x1x100xi32, #tpu.memory_space<vmem>>
    %dma_start3A_30 = tpu.memref_squeeze %dma_start3A_29 : memref<1x1x100xi32, #tpu.memory_space<vmem>> -> memref<100xi32, #tpu.memory_space<vmem>>
    %dma_start3A_31 = arith.constant 0 : i32
    %dma_start3A_32 = arith.constant 0 : i32
    %dma_start3A_33 = tpu.memref_slice %arg3[%dma_start3A_31, %dma_start3A_32] : memref<100000x128xf32, #tpu.memory_space<hbm>> -> memref<100000x128xf32, #tpu.memory_space<hbm>>
    tpu.enqueue_indirect_dma source(%dma_start3A_33 : memref<100000x128xf32, #tpu.memory_space<hbm>>) target(%arg9 : memref<100x128xf32, #tpu.memory_space<vmem>>) offsets(%dma_start3A_30 : memref<100xi32, #tpu.memory_space<vmem>>) semaphore(%arg18 : memref<!tpu.dma_semaphore, #tpu.memory_space<semaphore_mem>>)
    %dma_start3A_34 = arith.constant 2 : i32
    %dma_start3A_35 = arith.constant 0 : i32
    %dma_start3A_36 = arith.constant 0 : i32
    %dma_start3A_37 = tpu.memref_slice %arg5[%dma_start3A_34, %dma_start3A_35, %dma_start3A_36] : memref<32x2x100xi32, #tpu.memory_space<vmem>> -> memref<1x1x100xi32, #tpu.memory_space<vmem>>
    %dma_start3A_38 = tpu.memref_squeeze %dma_start3A_37 : memref<1x1x100xi32, #tpu.memory_space<vmem>> -> memref<100xi32, #tpu.memory_space<vmem>>
    %dma_start3A_39 = arith.constant 0 : i32
    %dma_start3A_40 = arith.constant 0 : i32
    %dma_start3A_41 = tpu.memref_slice %arg3[%dma_start3A_39, %dma_start3A_40] : memref<100000x128xf32, #tpu.memory_space<hbm>> -> memref<100000x128xf32, #tpu.memory_space<hbm>>
    tpu.enqueue_indirect_dma source(%dma_start3A_41 : memref<100000x128xf32, #tpu.memory_space<hbm>>) target(%arg10 : memref<100x128xf32, #tpu.memory_space<vmem>>) offsets(%dma_start3A_38 : memref<100xi32, #tpu.memory_space<vmem>>) semaphore(%arg19 : memref<!tpu.dma_semaphore, #tpu.memory_space<semaphore_mem>>)
    %dma_start3A_42 = arith.constant 2 : i32
    %dma_start3A_43 = arith.constant 1 : i32
    %dma_start3A_44 = arith.constant 0 : i32
    %dma_start3A_45 = tpu.memref_slice %arg5[%dma_start3A_42, %dma_start3A_43, %dma_start3A_44] : memref<32x2x100xi32, #tpu.memory_space<vmem>> -> memref<1x1x100xi32, #tpu.memory_space<vmem>>
    %dma_start3A_46 = tpu.memref_squeeze %dma_start3A_45 : memref<1x1x100xi32, #tpu.memory_space<vmem>> -> memref<100xi32, #tpu.memory_space<vmem>>
    %dma_start3A_47 = arith.constant 0 : i32
    %dma_start3A_48 = arith.constant 0 : i32
    %dma_start3A_49 = tpu.memref_slice %arg3[%dma_start3A_47, %dma_start3A_48] : memref<100000x128xf32, #tpu.memory_space<hbm>> -> memref<100000x128xf32, #tpu.memory_space<hbm>>
    tpu.enqueue_indirect_dma source(%dma_start3A_49 : memref<100000x128xf32, #tpu.memory_space<hbm>>) target(%arg11 : memref<100x128xf32, #tpu.memory_space<vmem>>) offsets(%dma_start3A_46 : memref<100xi32, #tpu.memory_space<vmem>>) semaphore(%arg20 : memref<!tpu.dma_semaphore, #tpu.memory_space<semaphore_mem>>)
    %dma_start3A_50 = arith.constant 3 : i32
    %dma_start3A_51 = arith.constant 0 : i32
    %dma_start3A_52 = arith.constant 0 : i32
    %dma_start3A_53 = tpu.memref_slice %arg5[%dma_start3A_50, %dma_start3A_51, %dma_start3A_52] : memref<32x2x100xi32, #tpu.memory_space<vmem>> -> memref<1x1x100xi32, #tpu.memory_space<vmem>>
    %dma_start3A_54 = tpu.memref_squeeze %dma_start3A_53 : memref<1x1x100xi32, #tpu.memory_space<vmem>> -> memref<100xi32, #tpu.memory_space<vmem>>
    %dma_start3A_55 = arith.constant 0 : i32
    %dma_start3A_56 = arith.constant 0 : i32
    %dma_start3A_57 = tpu.memref_slice %arg3[%dma_start3A_55, %dma_start3A_56] : memref<100000x128xf32, #tpu.memory_space<hbm>> -> memref<100000x128xf32, #tpu.memory_space<hbm>>
    tpu.enqueue_indirect_dma source(%dma_start3A_57 : memref<100000x128xf32, #tpu.memory_space<hbm>>) target(%arg12 : memref<100x128xf32, #tpu.memory_space<vmem>>) offsets(%dma_start3A_54 : memref<100xi32, #tpu.memory_space<vmem>>) semaphore(%arg21 : memref<!tpu.dma_semaphore, #tpu.memory_space<semaphore_mem>>)
    %dma_start3A_58 = arith.constant 3 : i32
    %dma_start3A_59 = arith.constant 1 : i32
    %dma_start3A_60 = arith.constant 0 : i32
    %dma_start3A_61 = tpu.memref_slice %arg5[%dma_start3A_58, %dma_start3A_59, %dma_start3A_60] : memref<32x2x100xi32, #tpu.memory_space<vmem>> -> memref<1x1x100xi32, #tpu.memory_space<vmem>>
    %dma_start3A_62 = tpu.memref_squeeze %dma_start3A_61 : memref<1x1x100xi32, #tpu.memory_space<vmem>> -> memref<100xi32, #tpu.memory_space<vmem>>
    %dma_start3A_63 = arith.constant 0 : i32
    %dma_start3A_64 = arith.constant 0 : i32
    %dma_start3A_65 = tpu.memref_slice %arg3[%dma_start3A_63, %dma_start3A_64] : memref<100000x128xf32, #tpu.memory_space<hbm>> -> memref<100000x128xf32, #tpu.memory_space<hbm>>
    tpu.enqueue_indirect_dma source(%dma_start3A_65 : memref<100000x128xf32, #tpu.memory_space<hbm>>) target(%arg13 : memref<100x128xf32, #tpu.memory_space<vmem>>) offsets(%dma_start3A_62 : memref<100xi32, #tpu.memory_space<vmem>>) semaphore(%arg22 : memref<!tpu.dma_semaphore, #tpu.memory_space<semaphore_mem>>)
    %scan3A = arith.constant 0 : i32
    %scan3A_66 = arith.constant 0 : i32
    %scan3A_67 = arith.constant 8 : i32
    %scan3A_68 = arith.addi %scan3A_66, %scan3A_67 : i32
    %scan3A_69 = arith.constant 1 : i32
    %scan3A_70 = scf.for %scan3A_72 = %scan3A_66 to %scan3A_68 step %scan3A_69 iter_args(%scan3A_73 = %scan3A) -> (i32)  : i32 {
      %mul3A_74 = arith.constant 4 : i32
      %mul3A_75 = arith.muli %scan3A_72, %mul3A_74 : i32
      %add3A_76 = arith.constant 0 : i32
      %add3A_77 = arith.addi %mul3A_75, %add3A_76 : i32
      %broadcast_in_dim3A = arith.constant 0.000000e+00 : f32
      %broadcast_in_dim3A_78 = vector.broadcast %broadcast_in_dim3A : f32 to vector<16xf32>
      %broadcast_in_dim3A_79 = arith.constant 0.000000e+00 : f32
      %broadcast_in_dim3A_80 = vector.broadcast %broadcast_in_dim3A_79 : f32 to vector<16xf32>
      %broadcast_in_dim3A_81 = arith.constant 0.000000e+00 : f32
      %broadcast_in_dim3A_82 = vector.broadcast %broadcast_in_dim3A_81 : f32 to vector<16xf32>
      %broadcast_in_dim3A_83 = arith.constant 0.000000e+00 : f32
      %broadcast_in_dim3A_84 = vector.broadcast %broadcast_in_dim3A_83 : f32 to vector<16xf32>
      %broadcast_in_dim3A_85 = arith.constant 0.000000e+00 : f32
      %broadcast_in_dim3A_86 = vector.broadcast %broadcast_in_dim3A_85 : f32 to vector<16xf32>
      %broadcast_in_dim3A_87 = arith.constant 0.000000e+00 : f32
      %broadcast_in_dim3A_88 = vector.broadcast %broadcast_in_dim3A_87 : f32 to vector<16xf32>
      %broadcast_in_dim3A_89 = arith.constant 0.000000e+00 : f32
      %broadcast_in_dim3A_90 = vector.broadcast %broadcast_in_dim3A_89 : f32 to vector<16xf32>
      %broadcast_in_dim3A_91 = arith.constant 0.000000e+00 : f32
      %broadcast_in_dim3A_92 = vector.broadcast %broadcast_in_dim3A_91 : f32 to vector<16xf32>
      %dma_wait3A = arith.constant 0 : i32
      %dma_wait3A_93 = arith.constant 0 : i32
      %dma_wait3A_94 = arith.constant 0 : i32
      %dma_wait3A_95 = tpu.memref_slice %arg5[%dma_wait3A, %dma_wait3A_93, %dma_wait3A_94] : memref<32x2x100xi32, #tpu.memory_space<vmem>> -> memref<1x1x100xi32, #tpu.memory_space<vmem>>
      %dma_wait3A_96 = tpu.memref_squeeze %dma_wait3A_95 : memref<1x1x100xi32, #tpu.memory_space<vmem>> -> memref<100xi32, #tpu.memory_space<vmem>>
      %dma_wait3A_97 = arith.constant 0 : i32
      %dma_wait3A_98 = arith.constant 0 : i32
      %dma_wait3A_99 = tpu.memref_slice %arg3[%dma_wait3A_97, %dma_wait3A_98] : memref<100000x128xf32, #tpu.memory_space<hbm>> -> memref<100000x128xf32, #tpu.memory_space<hbm>>
      tpu.wait_indirect_dma semaphore(%arg15 : memref<!tpu.dma_semaphore, #tpu.memory_space<semaphore_mem>>) src(%dma_wait3A_99 : memref<100000x128xf32, #tpu.memory_space<hbm>>) dst(%arg6 : memref<100x128xf32, #tpu.memory_space<vmem>>)
      %parallel_loop3A = arith.constant 0 : i32
      %parallel_loop3A_100 = arith.constant 25 : i32
      %parallel_loop3A_101 = arith.constant 1 : i32
      %parallel_loop3A_102:8 = scf.for %parallel_loop3A_556 = %parallel_loop3A to %parallel_loop3A_100 step %parallel_loop3A_101 iter_args(%parallel_loop3A_557 = %broadcast_in_dim3A_78, %parallel_loop3A_558 = %broadcast_in_dim3A_80, %parallel_loop3A_559 = %broadcast_in_dim3A_82, %parallel_loop3A_560 = %broadcast_in_dim3A_84, %parallel_loop3A_561 = %broadcast_in_dim3A_86, %parallel_loop3A_562 = %broadcast_in_dim3A_88, %parallel_loop3A_563 = %broadcast_in_dim3A_90, %parallel_loop3A_564 = %broadcast_in_dim3A_92) -> (vector<16xf32>, vector<16xf32>, vector<16xf32>, vector<16xf32>, vector<16xf32>, vector<16xf32>, vector<16xf32>, vector<16xf32>)  : i32 {
        %parallel_loop3A_565 = arith.constant 4 : i32
        %parallel_loop3A_566 = arith.muli %parallel_loop3A_556, %parallel_loop3A_565 : i32
        %parallel_loop3A_567 = arith.constant 0 : i32
        %parallel_loop3A_568 = arith.addi %parallel_loop3A_566, %parallel_loop3A_567 : i32
        %parallel_loop3A_569 = arith.index_cast %parallel_loop3A_568 : i32 to index
        %parallel_loop3A_570 = arith.constant 0 : index
        %parallel_loop3A_571 = tpu.vector_load %arg6[%parallel_loop3A_569, %parallel_loop3A_570] {strides = array<i32>} : memref<100x128xf32, #tpu.memory_space<vmem>>, vector<1x16xf32>,
        %parallel_loop3A_572 = vector.shape_cast %parallel_loop3A_571 : vector<1x16xf32> to vector<16xf32>
        %parallel_loop3A_573 = arith.addf %parallel_loop3A_557, %parallel_loop3A_572 : vector<16xf32>
        %parallel_loop3A_574 = arith.index_cast %parallel_loop3A_568 : i32 to index
        %parallel_loop3A_575 = arith.constant 16 : index
        %parallel_loop3A_576 = tpu.vector_load %arg6[%parallel_loop3A_574, %parallel_loop3A_575] {strides = array<i32>} : memref<100x128xf32, #tpu.memory_space<vmem>>, vector<1x16xf32>,
        %parallel_loop3A_577 = vector.shape_cast %parallel_loop3A_576 : vector<1x16xf32> to vector<16xf32>
        %parallel_loop3A_578 = arith.addf %parallel_loop3A_558, %parallel_loop3A_577 : vector<16xf32>
        %parallel_loop3A_579 = arith.index_cast %parallel_loop3A_568 : i32 to index
        %parallel_loop3A_580 = arith.constant 32 : index
        %parallel_loop3A_581 = tpu.vector_load %arg6[%parallel_loop3A_579, %parallel_loop3A_580] {strides = array<i32>} : memref<100x128xf32, #tpu.memory_space<vmem>>, vector<1x16xf32>,
        %parallel_loop3A_582 = vector.shape_cast %parallel_loop3A_581 : vector<1x16xf32> to vector<16xf32>
        %parallel_loop3A_583 = arith.addf %parallel_loop3A_559, %parallel_loop3A_582 : vector<16xf32>
        %parallel_loop3A_584 = arith.index_cast %parallel_loop3A_568 : i32 to index
        %parallel_loop3A_585 = arith.constant 48 : index
        %parallel_loop3A_586 = tpu.vector_load %arg6[%parallel_loop3A_584, %parallel_loop3A_585] {strides = array<i32>} : memref<100x128xf32, #tpu.memory_space<vmem>>, vector<1x16xf32>,
        %parallel_loop3A_587 = vector.shape_cast %parallel_loop3A_586 : vector<1x16xf32> to vector<16xf32>
        %parallel_loop3A_588 = arith.addf %parallel_loop3A_560, %parallel_loop3A_587 : vector<16xf32>
        %parallel_loop3A_589 = arith.index_cast %parallel_loop3A_568 : i32 to index
        %parallel_loop3A_590 = arith.constant 64 : index
        %parallel_loop3A_591 = tpu.vector_load %arg6[%parallel_loop3A_589, %parallel_loop3A_590] {strides = array<i32>} : memref<100x128xf32, #tpu.memory_space<vmem>>, vector<1x16xf32>,
        %parallel_loop3A_592 = vector.shape_cast %parallel_loop3A_591 : vector<1x16xf32> to vector<16xf32>
        %parallel_loop3A_593 = arith.addf %parallel_loop3A_561, %parallel_loop3A_592 : vector<16xf32>
        %parallel_loop3A_594 = arith.index_cast %parallel_loop3A_568 : i32 to index
        %parallel_loop3A_595 = arith.constant 80 : index
        %parallel_loop3A_596 = tpu.vector_load %arg6[%parallel_loop3A_594, %parallel_loop3A_595] {strides = array<i32>} : memref<100x128xf32, #tpu.memory_space<vmem>>, vector<1x16xf32>,
        %parallel_loop3A_597 = vector.shape_cast %parallel_loop3A_596 : vector<1x16xf32> to vector<16xf32>
        %parallel_loop3A_598 = arith.addf %parallel_loop3A_562, %parallel_loop3A_597 : vector<16xf32>
        %parallel_loop3A_599 = arith.index_cast %parallel_loop3A_568 : i32 to index
        %parallel_loop3A_600 = arith.constant 96 : index
        %parallel_loop3A_601 = tpu.vector_load %arg6[%parallel_loop3A_599, %parallel_loop3A_600] {strides = array<i32>} : memref<100x128xf32, #tpu.memory_space<vmem>>, vector<1x16xf32>,
        %parallel_loop3A_602 = vector.shape_cast %parallel_loop3A_601 : vector<1x16xf32> to vector<16xf32>
        %parallel_loop3A_603 = arith.addf %parallel_loop3A_563, %parallel_loop3A_602 : vector<16xf32>
        %parallel_loop3A_604 = arith.index_cast %parallel_loop3A_568 : i32 to index
        %parallel_loop3A_605 = arith.constant 112 : index
        %parallel_loop3A_606 = tpu.vector_load %arg6[%parallel_loop3A_604, %parallel_loop3A_605] {strides = array<i32>} : memref<100x128xf32, #tpu.memory_space<vmem>>, vector<1x16xf32>,
        %parallel_loop3A_607 = vector.shape_cast %parallel_loop3A_606 : vector<1x16xf32> to vector<16xf32>
        %parallel_loop3A_608 = arith.addf %parallel_loop3A_564, %parallel_loop3A_607 : vector<16xf32>
        %parallel_loop3A_609 = arith.constant 4 : i32
        %parallel_loop3A_610 = arith.muli %parallel_loop3A_556, %parallel_loop3A_609 : i32
        %parallel_loop3A_611 = arith.constant 1 : i32
        %parallel_loop3A_612 = arith.addi %parallel_loop3A_610, %parallel_loop3A_611 : i32
        %parallel_loop3A_613 = arith.index_cast %parallel_loop3A_612 : i32 to index
        %parallel_loop3A_614 = arith.constant 0 : index
        %parallel_loop3A_615 = tpu.vector_load %arg6[%parallel_loop3A_613, %parallel_loop3A_614] {strides = array<i32>} : memref<100x128xf32, #tpu.memory_space<vmem>>, vector<1x16xf32>,
        %parallel_loop3A_616 = vector.shape_cast %parallel_loop3A_615 : vector<1x16xf32> to vector<16xf32>
        %parallel_loop3A_617 = arith.addf %parallel_loop3A_573, %parallel_loop3A_616 : vector<16xf32>
        %parallel_loop3A_618 = arith.index_cast %parallel_loop3A_612 : i32 to index
        %parallel_loop3A_619 = arith.constant 16 : index
        %parallel_loop3A_620 = tpu.vector_load %arg6[%parallel_loop3A_618, %parallel_loop3A_619] {strides = array<i32>} : memref<100x128xf32, #tpu.memory_space<vmem>>, vector<1x16xf32>,
        %parallel_loop3A_621 = vector.shape_cast %parallel_loop3A_620 : vector<1x16xf32> to vector<16xf32>
        %parallel_loop3A_622 = arith.addf %parallel_loop3A_578, %parallel_loop3A_621 : vector<16xf32>
        %parallel_loop3A_623 = arith.index_cast %parallel_loop3A_612 : i32 to index
        %parallel_loop3A_624 = arith.constant 32 : index
        %parallel_loop3A_625 = tpu.vector_load %arg6[%parallel_loop3A_623, %parallel_loop3A_624] {strides = array<i32>} : memref<100x128xf32, #tpu.memory_space<vmem>>, vector<1x16xf32>,
        %parallel_loop3A_626 = vector.shape_cast %parallel_loop3A_625 : vector<1x16xf32> to vector<16xf32>
        %parallel_loop3A_627 = arith.addf %parallel_loop3A_583, %parallel_loop3A_626 : vector<16xf32>
        %parallel_loop3A_628 = arith.index_cast %parallel_loop3A_612 : i32 to index
        %parallel_loop3A_629 = arith.constant 48 : index
        %parallel_loop3A_630 = tpu.vector_load %arg6[%parallel_loop3A_628, %parallel_loop3A_629] {strides = array<i32>} : memref<100x128xf32, #tpu.memory_space<vmem>>, vector<1x16xf32>,
        %parallel_loop3A_631 = vector.shape_cast %parallel_loop3A_630 : vector<1x16xf32> to vector<16xf32>
        %parallel_loop3A_632 = arith.addf %parallel_loop3A_588, %parallel_loop3A_631 : vector<16xf32>
        %parallel_loop3A_633 = arith.index_cast %parallel_loop3A_612 : i32 to index
        %parallel_loop3A_634 = arith.constant 64 : index
        %parallel_loop3A_635 = tpu.vector_load %arg6[%parallel_loop3A_633, %parallel_loop3A_634] {strides = array<i32>} : memref<100x128xf32, #tpu.memory_space<vmem>>, vector<1x16xf32>,
        %parallel_loop3A_636 = vector.shape_cast %parallel_loop3A_635 : vector<1x16xf32> to vector<16xf32>
        %parallel_loop3A_637 = arith.addf %parallel_loop3A_593, %parallel_loop3A_636 : vector<16xf32>
        %parallel_loop3A_638 = arith.index_cast %parallel_loop3A_612 : i32 to index
        %parallel_loop3A_639 = arith.constant 80 : index
        %parallel_loop3A_640 = tpu.vector_load %arg6[%parallel_loop3A_638, %parallel_loop3A_639] {strides = array<i32>} : memref<100x128xf32, #tpu.memory_space<vmem>>, vector<1x16xf32>,
        %parallel_loop3A_641 = vector.shape_cast %parallel_loop3A_640 : vector<1x16xf32> to vector<16xf32>
        %parallel_loop3A_642 = arith.addf %parallel_loop3A_598, %parallel_loop3A_641 : vector<16xf32>
        %parallel_loop3A_643 = arith.index_cast %parallel_loop3A_612 : i32 to index
        %parallel_loop3A_644 = arith.constant 96 : index
        %parallel_loop3A_645 = tpu.vector_load %arg6[%parallel_loop3A_643, %parallel_loop3A_644] {strides = array<i32>} : memref<100x128xf32, #tpu.memory_space<vmem>>, vector<1x16xf32>,
        %parallel_loop3A_646 = vector.shape_cast %parallel_loop3A_645 : vector<1x16xf32> to vector<16xf32>
        %parallel_loop3A_647 = arith.addf %parallel_loop3A_603, %parallel_loop3A_646 : vector<16xf32>
        %parallel_loop3A_648 = arith.index_cast %parallel_loop3A_612 : i32 to index
        %parallel_loop3A_649 = arith.constant 112 : index
        %parallel_loop3A_650 = tpu.vector_load %arg6[%parallel_loop3A_648, %parallel_loop3A_649] {strides = array<i32>} : memref<100x128xf32, #tpu.memory_space<vmem>>, vector<1x16xf32>,
        %parallel_loop3A_651 = vector.shape_cast %parallel_loop3A_650 : vector<1x16xf32> to vector<16xf32>
        %parallel_loop3A_652 = arith.addf %parallel_loop3A_608, %parallel_loop3A_651 : vector<16xf32>
        %parallel_loop3A_653 = arith.constant 4 : i32
        %parallel_loop3A_654 = arith.muli %parallel_loop3A_556, %parallel_loop3A_653 : i32
        %parallel_loop3A_655 = arith.constant 2 : i32
        %parallel_loop3A_656 = arith.addi %parallel_loop3A_654, %parallel_loop3A_655 : i32
        %parallel_loop3A_657 = arith.index_cast %parallel_loop3A_656 : i32 to index
        %parallel_loop3A_658 = arith.constant 0 : index
        %parallel_loop3A_659 = tpu.vector_load %arg6[%parallel_loop3A_657, %parallel_loop3A_658] {strides = array<i32>} : memref<100x128xf32, #tpu.memory_space<vmem>>, vector<1x16xf32>,
        %parallel_loop3A_660 = vector.shape_cast %parallel_loop3A_659 : vector<1x16xf32> to vector<16xf32>
        %parallel_loop3A_661 = arith.addf %parallel_loop3A_617, %parallel_loop3A_660 : vector<16xf32>
        %parallel_loop3A_662 = arith.index_cast %parallel_loop3A_656 : i32 to index
        %parallel_loop3A_663 = arith.constant 16 : index
        %parallel_loop3A_664 = tpu.vector_load %arg6[%parallel_loop3A_662, %parallel_loop3A_663] {strides = array<i32>} : memref<100x128xf32, #tpu.memory_space<vmem>>, vector<1x16xf32>,
        %parallel_loop3A_665 = vector.shape_cast %parallel_loop3A_664 : vector<1x16xf32> to vector<16xf32>
        %parallel_loop3A_666 = arith.addf %parallel_loop3A_622, %parallel_loop3A_665 : vector<16xf32>
        %parallel_loop3A_667 = arith.index_cast %parallel_loop3A_656 : i32 to index
        %parallel_loop3A_668 = arith.constant 32 : index
        %parallel_loop3A_669 = tpu.vector_load %arg6[%parallel_loop3A_667, %parallel_loop3A_668] {strides = array<i32>} : memref<100x128xf32, #tpu.memory_space<vmem>>, vector<1x16xf32>,
        %parallel_loop3A_670 = vector.shape_cast %parallel_loop3A_669 : vector<1x16xf32> to vector<16xf32>
        %parallel_loop3A_671 = arith.addf %parallel_loop3A_627, %parallel_loop3A_670 : vector<16xf32>
        %parallel_loop3A_672 = arith.index_cast %parallel_loop3A_656 : i32 to index
        %parallel_loop3A_673 = arith.constant 48 : index
        %parallel_loop3A_674 = tpu.vector_load %arg6[%parallel_loop3A_672, %parallel_loop3A_673] {strides = array<i32>} : memref<100x128xf32, #tpu.memory_space<vmem>>, vector<1x16xf32>,
        %parallel_loop3A_675 = vector.shape_cast %parallel_loop3A_674 : vector<1x16xf32> to vector<16xf32>
        %parallel_loop3A_676 = arith.addf %parallel_loop3A_632, %parallel_loop3A_675 : vector<16xf32>
        %parallel_loop3A_677 = arith.index_cast %parallel_loop3A_656 : i32 to index
        %parallel_loop3A_678 = arith.constant 64 : index
        %parallel_loop3A_679 = tpu.vector_load %arg6[%parallel_loop3A_677, %parallel_loop3A_678] {strides = array<i32>} : memref<100x128xf32, #tpu.memory_space<vmem>>, vector<1x16xf32>,
        %parallel_loop3A_680 = vector.shape_cast %parallel_loop3A_679 : vector<1x16xf32> to vector<16xf32>
        %parallel_loop3A_681 = arith.addf %parallel_loop3A_637, %parallel_loop3A_680 : vector<16xf32>
        %parallel_loop3A_682 = arith.index_cast %parallel_loop3A_656 : i32 to index
        %parallel_loop3A_683 = arith.constant 80 : index
        %parallel_loop3A_684 = tpu.vector_load %arg6[%parallel_loop3A_682, %parallel_loop3A_683] {strides = array<i32>} : memref<100x128xf32, #tpu.memory_space<vmem>>, vector<1x16xf32>,
        %parallel_loop3A_685 = vector.shape_cast %parallel_loop3A_684 : vector<1x16xf32> to vector<16xf32>
        %parallel_loop3A_686 = arith.addf %parallel_loop3A_642, %parallel_loop3A_685 : vector<16xf32>
        %parallel_loop3A_687 = arith.index_cast %parallel_loop3A_656 : i32 to index
        %parallel_loop3A_688 = arith.constant 96 : index
        %parallel_loop3A_689 = tpu.vector_load %arg6[%parallel_loop3A_687, %parallel_loop3A_688] {strides = array<i32>} : memref<100x128xf32, #tpu.memory_space<vmem>>, vector<1x16xf32>,
        %parallel_loop3A_690 = vector.shape_cast %parallel_loop3A_689 : vector<1x16xf32> to vector<16xf32>
        %parallel_loop3A_691 = arith.addf %parallel_loop3A_647, %parallel_loop3A_690 : vector<16xf32>
        %parallel_loop3A_692 = arith.index_cast %parallel_loop3A_656 : i32 to index
        %parallel_loop3A_693 = arith.constant 112 : index
        %parallel_loop3A_694 = tpu.vector_load %arg6[%parallel_loop3A_692, %parallel_loop3A_693] {strides = array<i32>} : memref<100x128xf32, #tpu.memory_space<vmem>>, vector<1x16xf32>,
        %parallel_loop3A_695 = vector.shape_cast %parallel_loop3A_694 : vector<1x16xf32> to vector<16xf32>
        %parallel_loop3A_696 = arith.addf %parallel_loop3A_652, %parallel_loop3A_695 : vector<16xf32>
        %parallel_loop3A_697 = arith.constant 4 : i32
        %parallel_loop3A_698 = arith.muli %parallel_loop3A_556, %parallel_loop3A_697 : i32
        %parallel_loop3A_699 = arith.constant 3 : i32
        %parallel_loop3A_700 = arith.addi %parallel_loop3A_698, %parallel_loop3A_699 : i32
        %parallel_loop3A_701 = arith.index_cast %parallel_loop3A_700 : i32 to index
        %parallel_loop3A_702 = arith.constant 0 : index
        %parallel_loop3A_703 = tpu.vector_load %arg6[%parallel_loop3A_701, %parallel_loop3A_702] {strides = array<i32>} : memref<100x128xf32, #tpu.memory_space<vmem>>, vector<1x16xf32>,
        %parallel_loop3A_704 = vector.shape_cast %parallel_loop3A_703 : vector<1x16xf32> to vector<16xf32>
        %parallel_loop3A_705 = arith.addf %parallel_loop3A_661, %parallel_loop3A_704 : vector<16xf32>
        %parallel_loop3A_706 = arith.index_cast %parallel_loop3A_700 : i32 to index
        %parallel_loop3A_707 = arith.constant 16 : index
        %parallel_loop3A_708 = tpu.vector_load %arg6[%parallel_loop3A_706, %parallel_loop3A_707] {strides = array<i32>} : memref<100x128xf32, #tpu.memory_space<vmem>>, vector<1x16xf32>,
        %parallel_loop3A_709 = vector.shape_cast %parallel_loop3A_708 : vector<1x16xf32> to vector<16xf32>
        %parallel_loop3A_710 = arith.addf %parallel_loop3A_666, %parallel_loop3A_709 : vector<16xf32>
        %parallel_loop3A_711 = arith.index_cast %parallel_loop3A_700 : i32 to index
        %parallel_loop3A_712 = arith.constant 32 : index
        %parallel_loop3A_713 = tpu.vector_load %arg6[%parallel_loop3A_711, %parallel_loop3A_712] {strides = array<i32>} : memref<100x128xf32, #tpu.memory_space<vmem>>, vector<1x16xf32>,
        %parallel_loop3A_714 = vector.shape_cast %parallel_loop3A_713 : vector<1x16xf32> to vector<16xf32>
        %parallel_loop3A_715 = arith.addf %parallel_loop3A_671, %parallel_loop3A_714 : vector<16xf32>
        %parallel_loop3A_716 = arith.index_cast %parallel_loop3A_700 : i32 to index
        %parallel_loop3A_717 = arith.constant 48 : index
        %parallel_loop3A_718 = tpu.vector_load %arg6[%parallel_loop3A_716, %parallel_loop3A_717] {strides = array<i32>} : memref<100x128xf32, #tpu.memory_space<vmem>>, vector<1x16xf32>,
        %parallel_loop3A_719 = vector.shape_cast %parallel_loop3A_718 : vector<1x16xf32> to vector<16xf32>
        %parallel_loop3A_720 = arith.addf %parallel_loop3A_676, %parallel_loop3A_719 : vector<16xf32>
        %parallel_loop3A_721 = arith.index_cast %parallel_loop3A_700 : i32 to index
        %parallel_loop3A_722 = arith.constant 64 : index
        %parallel_loop3A_723 = tpu.vector_load %arg6[%parallel_loop3A_721, %parallel_loop3A_722] {strides = array<i32>} : memref<100x128xf32, #tpu.memory_space<vmem>>, vector<1x16xf32>,
        %parallel_loop3A_724 = vector.shape_cast %parallel_loop3A_723 : vector<1x16xf32> to vector<16xf32>
        %parallel_loop3A_725 = arith.addf %parallel_loop3A_681, %parallel_loop3A_724 : vector<16xf32>
        %parallel_loop3A_726 = arith.index_cast %parallel_loop3A_700 : i32 to index
        %parallel_loop3A_727 = arith.constant 80 : index
        %parallel_loop3A_728 = tpu.vector_load %arg6[%parallel_loop3A_726, %parallel_loop3A_727] {strides = array<i32>} : memref<100x128xf32, #tpu.memory_space<vmem>>, vector<1x16xf32>,
        %parallel_loop3A_729 = vector.shape_cast %parallel_loop3A_728 : vector<1x16xf32> to vector<16xf32>
        %parallel_loop3A_730 = arith.addf %parallel_loop3A_686, %parallel_loop3A_729 : vector<16xf32>
        %parallel_loop3A_731 = arith.index_cast %parallel_loop3A_700 : i32 to index
        %parallel_loop3A_732 = arith.constant 96 : index
        %parallel_loop3A_733 = tpu.vector_load %arg6[%parallel_loop3A_731, %parallel_loop3A_732] {strides = array<i32>} : memref<100x128xf32, #tpu.memory_space<vmem>>, vector<1x16xf32>,
        %parallel_loop3A_734 = vector.shape_cast %parallel_loop3A_733 : vector<1x16xf32> to vector<16xf32>
        %parallel_loop3A_735 = arith.addf %parallel_loop3A_691, %parallel_loop3A_734 : vector<16xf32>
        %parallel_loop3A_736 = arith.index_cast %parallel_loop3A_700 : i32 to index
        %parallel_loop3A_737 = arith.constant 112 : index
        %parallel_loop3A_738 = tpu.vector_load %arg6[%parallel_loop3A_736, %parallel_loop3A_737] {strides = array<i32>} : memref<100x128xf32, #tpu.memory_space<vmem>>, vector<1x16xf32>,
        %parallel_loop3A_739 = vector.shape_cast %parallel_loop3A_738 : vector<1x16xf32> to vector<16xf32>
        %parallel_loop3A_740 = arith.addf %parallel_loop3A_696, %parallel_loop3A_739 : vector<16xf32>
        scf.yield %parallel_loop3A_705, %parallel_loop3A_710, %parallel_loop3A_715, %parallel_loop3A_720, %parallel_loop3A_725, %parallel_loop3A_730, %parallel_loop3A_735, %parallel_loop3A_740 : vector<16xf32>, vector<16xf32>, vector<16xf32>, vector<16xf32>, vector<16xf32>, vector<16xf32>, vector<16xf32>, vector<16xf32>
      } {sc.loop_unroll_factor = 1 : i64, sc.parallel_access}
      %add3A_103 = arith.constant 1 : i32
      %add3A_104 = arith.addi %scan3A_72, %add3A_103 : i32
      %lt3A = arith.constant 8 : i32
      %lt3A_105 = arith.cmpi slt, %add3A_104, %lt3A : i32
      %convert_element_type3A = arith.extui %lt3A_105 : i1 to i32
      %cond3A = arith.constant 0 : i32
      %cond3A_106 = arith.cmpi ne, %convert_element_type3A, %cond3A : i32
      scf.if %cond3A_106 {
        %add3A_556 = arith.constant 1 : i32
        %add3A_557 = arith.addi %scan3A_72, %add3A_556 : i32
        %mul3A_558 = arith.constant 4 : i32
        %mul3A_559 = arith.muli %add3A_557, %mul3A_558 : i32
        %add3A_560 = arith.constant 0 : i32
        %add3A_561 = arith.addi %mul3A_559, %add3A_560 : i32
        %dma_start3A_562 = arith.constant 0 : i32
        %dma_start3A_563 = arith.constant 0 : i32
        %dma_start3A_564 = tpu.memref_slice %arg5[%add3A_561, %dma_start3A_562, %dma_start3A_563] : memref<32x2x100xi32, #tpu.memory_space<vmem>> -> memref<1x1x100xi32, #tpu.memory_space<vmem>>
        %dma_start3A_565 = tpu.memref_squeeze %dma_start3A_564 : memref<1x1x100xi32, #tpu.memory_space<vmem>> -> memref<100xi32, #tpu.memory_space<vmem>>
        %dma_start3A_566 = arith.constant 0 : i32
        %dma_start3A_567 = arith.constant 0 : i32
        %dma_start3A_568 = tpu.memref_slice %arg3[%dma_start3A_566, %dma_start3A_567] : memref<100000x128xf32, #tpu.memory_space<hbm>> -> memref<100000x128xf32, #tpu.memory_space<hbm>>
        tpu.enqueue_indirect_dma source(%dma_start3A_568 : memref<100000x128xf32, #tpu.memory_space<hbm>>) target(%arg6 : memref<100x128xf32, #tpu.memory_space<vmem>>) offsets(%dma_start3A_565 : memref<100xi32, #tpu.memory_space<vmem>>) semaphore(%arg15 : memref<!tpu.dma_semaphore, #tpu.memory_space<semaphore_mem>>)
      } else {
      }
      %dma_wait3A_107 = arith.constant 0 : i32
      %dma_wait3A_108 = arith.constant 0 : i32
      %dma_wait3A_109 = arith.constant 0 : i32
      %dma_wait3A_110 = tpu.memref_slice %arg5[%dma_wait3A_107, %dma_wait3A_108, %dma_wait3A_109] : memref<32x2x100xi32, #tpu.memory_space<vmem>> -> memref<1x1x100xi32, #tpu.memory_space<vmem>>
      %dma_wait3A_111 = tpu.memref_squeeze %dma_wait3A_110 : memref<1x1x100xi32, #tpu.memory_space<vmem>> -> memref<100xi32, #tpu.memory_space<vmem>>
      %dma_wait3A_112 = arith.constant 0 : i32
      %dma_wait3A_113 = arith.constant 0 : i32
      %dma_wait3A_114 = tpu.memref_slice %arg3[%dma_wait3A_112, %dma_wait3A_113] : memref<100000x128xf32, #tpu.memory_space<hbm>> -> memref<100000x128xf32, #tpu.memory_space<hbm>>
      tpu.wait_indirect_dma semaphore(%arg16 : memref<!tpu.dma_semaphore, #tpu.memory_space<semaphore_mem>>) src(%dma_wait3A_114 : memref<100000x128xf32, #tpu.memory_space<hbm>>) dst(%arg7 : memref<100x128xf32, #tpu.memory_space<vmem>>)
      %parallel_loop3A_115 = arith.constant 0 : i32
      %parallel_loop3A_116 = arith.constant 25 : i32
      %parallel_loop3A_117 = arith.constant 1 : i32
      %parallel_loop3A_118:8 = scf.for %parallel_loop3A_556 = %parallel_loop3A_115 to %parallel_loop3A_116 step %parallel_loop3A_117 iter_args(%parallel_loop3A_557 = %parallel_loop3A_102#0, %parallel_loop3A_558 = %parallel_loop3A_102#1, %parallel_loop3A_559 = %parallel_loop3A_102#2, %parallel_loop3A_560 = %parallel_loop3A_102#3, %parallel_loop3A_561 = %parallel_loop3A_102#4, %parallel_loop3A_562 = %parallel_loop3A_102#5, %parallel_loop3A_563 = %parallel_loop3A_102#6, %parallel_loop3A_564 = %parallel_loop3A_102#7) -> (vector<16xf32>, vector<16xf32>, vector<16xf32>, vector<16xf32>, vector<16xf32>, vector<16xf32>, vector<16xf32>, vector<16xf32>)  : i32 {
        %parallel_loop3A_565 = arith.constant 4 : i32
        %parallel_loop3A_566 = arith.muli %parallel_loop3A_556, %parallel_loop3A_565 : i32
        %parallel_loop3A_567 = arith.constant 0 : i32
        %parallel_loop3A_568 = arith.addi %parallel_loop3A_566, %parallel_loop3A_567 : i32
        %parallel_loop3A_569 = arith.index_cast %parallel_loop3A_568 : i32 to index
        %parallel_loop3A_570 = arith.constant 0 : index
        %parallel_loop3A_571 = tpu.vector_load %arg7[%parallel_loop3A_569, %parallel_loop3A_570] {strides = array<i32>} : memref<100x128xf32, #tpu.memory_space<vmem>>, vector<1x16xf32>,
        %parallel_loop3A_572 = vector.shape_cast %parallel_loop3A_571 : vector<1x16xf32> to vector<16xf32>
        %parallel_loop3A_573 = arith.addf %parallel_loop3A_557, %parallel_loop3A_572 : vector<16xf32>
        %parallel_loop3A_574 = arith.index_cast %parallel_loop3A_568 : i32 to index
        %parallel_loop3A_575 = arith.constant 16 : index
        %parallel_loop3A_576 = tpu.vector_load %arg7[%parallel_loop3A_574, %parallel_loop3A_575] {strides = array<i32>} : memref<100x128xf32, #tpu.memory_space<vmem>>, vector<1x16xf32>,
        %parallel_loop3A_577 = vector.shape_cast %parallel_loop3A_576 : vector<1x16xf32> to vector<16xf32>
        %parallel_loop3A_578 = arith.addf %parallel_loop3A_558, %parallel_loop3A_577 : vector<16xf32>
        %parallel_loop3A_579 = arith.index_cast %parallel_loop3A_568 : i32 to index
        %parallel_loop3A_580 = arith.constant 32 : index
        %parallel_loop3A_581 = tpu.vector_load %arg7[%parallel_loop3A_579, %parallel_loop3A_580] {strides = array<i32>} : memref<100x128xf32, #tpu.memory_space<vmem>>, vector<1x16xf32>,
        %parallel_loop3A_582 = vector.shape_cast %parallel_loop3A_581 : vector<1x16xf32> to vector<16xf32>
        %parallel_loop3A_583 = arith.addf %parallel_loop3A_559, %parallel_loop3A_582 : vector<16xf32>
        %parallel_loop3A_584 = arith.index_cast %parallel_loop3A_568 : i32 to index
        %parallel_loop3A_585 = arith.constant 48 : index
        %parallel_loop3A_586 = tpu.vector_load %arg7[%parallel_loop3A_584, %parallel_loop3A_585] {strides = array<i32>} : memref<100x128xf32, #tpu.memory_space<vmem>>, vector<1x16xf32>,
        %parallel_loop3A_587 = vector.shape_cast %parallel_loop3A_586 : vector<1x16xf32> to vector<16xf32>
        %parallel_loop3A_588 = arith.addf %parallel_loop3A_560, %parallel_loop3A_587 : vector<16xf32>
        %parallel_loop3A_589 = arith.index_cast %parallel_loop3A_568 : i32 to index
        %parallel_loop3A_590 = arith.constant 64 : index
        %parallel_loop3A_591 = tpu.vector_load %arg7[%parallel_loop3A_589, %parallel_loop3A_590] {strides = array<i32>} : memref<100x128xf32, #tpu.memory_space<vmem>>, vector<1x16xf32>,
        %parallel_loop3A_592 = vector.shape_cast %parallel_loop3A_591 : vector<1x16xf32> to vector<16xf32>
        %parallel_loop3A_593 = arith.addf %parallel_loop3A_561, %parallel_loop3A_592 : vector<16xf32>
        %parallel_loop3A_594 = arith.index_cast %parallel_loop3A_568 : i32 to index
        %parallel_loop3A_595 = arith.constant 80 : index
        %parallel_loop3A_596 = tpu.vector_load %arg7[%parallel_loop3A_594, %parallel_loop3A_595] {strides = array<i32>} : memref<100x128xf32, #tpu.memory_space<vmem>>, vector<1x16xf32>,
        %parallel_loop3A_597 = vector.shape_cast %parallel_loop3A_596 : vector<1x16xf32> to vector<16xf32>
        %parallel_loop3A_598 = arith.addf %parallel_loop3A_562, %parallel_loop3A_597 : vector<16xf32>
        %parallel_loop3A_599 = arith.index_cast %parallel_loop3A_568 : i32 to index
        %parallel_loop3A_600 = arith.constant 96 : index
        %parallel_loop3A_601 = tpu.vector_load %arg7[%parallel_loop3A_599, %parallel_loop3A_600] {strides = array<i32>} : memref<100x128xf32, #tpu.memory_space<vmem>>, vector<1x16xf32>,
        %parallel_loop3A_602 = vector.shape_cast %parallel_loop3A_601 : vector<1x16xf32> to vector<16xf32>
        %parallel_loop3A_603 = arith.addf %parallel_loop3A_563, %parallel_loop3A_602 : vector<16xf32>
        %parallel_loop3A_604 = arith.index_cast %parallel_loop3A_568 : i32 to index
        %parallel_loop3A_605 = arith.constant 112 : index
        %parallel_loop3A_606 = tpu.vector_load %arg7[%parallel_loop3A_604, %parallel_loop3A_605] {strides = array<i32>} : memref<100x128xf32, #tpu.memory_space<vmem>>, vector<1x16xf32>,
        %parallel_loop3A_607 = vector.shape_cast %parallel_loop3A_606 : vector<1x16xf32> to vector<16xf32>
        %parallel_loop3A_608 = arith.addf %parallel_loop3A_564, %parallel_loop3A_607 : vector<16xf32>
        %parallel_loop3A_609 = arith.constant 4 : i32
        %parallel_loop3A_610 = arith.muli %parallel_loop3A_556, %parallel_loop3A_609 : i32
        %parallel_loop3A_611 = arith.constant 1 : i32
        %parallel_loop3A_612 = arith.addi %parallel_loop3A_610, %parallel_loop3A_611 : i32
        %parallel_loop3A_613 = arith.index_cast %parallel_loop3A_612 : i32 to index
        %parallel_loop3A_614 = arith.constant 0 : index
        %parallel_loop3A_615 = tpu.vector_load %arg7[%parallel_loop3A_613, %parallel_loop3A_614] {strides = array<i32>} : memref<100x128xf32, #tpu.memory_space<vmem>>, vector<1x16xf32>,
        %parallel_loop3A_616 = vector.shape_cast %parallel_loop3A_615 : vector<1x16xf32> to vector<16xf32>
        %parallel_loop3A_617 = arith.addf %parallel_loop3A_573, %parallel_loop3A_616 : vector<16xf32>
        %parallel_loop3A_618 = arith.index_cast %parallel_loop3A_612 : i32 to index
        %parallel_loop3A_619 = arith.constant 16 : index
        %parallel_loop3A_620 = tpu.vector_load %arg7[%parallel_loop3A_618, %parallel_loop3A_619] {strides = array<i32>} : memref<100x128xf32, #tpu.memory_space<vmem>>, vector<1x16xf32>,
        %parallel_loop3A_621 = vector.shape_cast %parallel_loop3A_620 : vector<1x16xf32> to vector<16xf32>
        %parallel_loop3A_622 = arith.addf %parallel_loop3A_578, %parallel_loop3A_621 : vector<16xf32>
        %parallel_loop3A_623 = arith.index_cast %parallel_loop3A_612 : i32 to index
        %parallel_loop3A_624 = arith.constant 32 : index
        %parallel_loop3A_625 = tpu.vector_load %arg7[%parallel_loop3A_623, %parallel_loop3A_624] {strides = array<i32>} : memref<100x128xf32, #tpu.memory_space<vmem>>, vector<1x16xf32>,
        %parallel_loop3A_626 = vector.shape_cast %parallel_loop3A_625 : vector<1x16xf32> to vector<16xf32>
        %parallel_loop3A_627 = arith.addf %parallel_loop3A_583, %parallel_loop3A_626 : vector<16xf32>
        %parallel_loop3A_628 = arith.index_cast %parallel_loop3A_612 : i32 to index
        %parallel_loop3A_629 = arith.constant 48 : index
        %parallel_loop3A_630 = tpu.vector_load %arg7[%parallel_loop3A_628, %parallel_loop3A_629] {strides = array<i32>} : memref<100x128xf32, #tpu.memory_space<vmem>>, vector<1x16xf32>,
        %parallel_loop3A_631 = vector.shape_cast %parallel_loop3A_630 : vector<1x16xf32> to vector<16xf32>
        %parallel_loop3A_632 = arith.addf %parallel_loop3A_588, %parallel_loop3A_631 : vector<16xf32>
        %parallel_loop3A_633 = arith.index_cast %parallel_loop3A_612 : i32 to index
        %parallel_loop3A_634 = arith.constant 64 : index
        %parallel_loop3A_635 = tpu.vector_load %arg7[%parallel_loop3A_633, %parallel_loop3A_634] {strides = array<i32>} : memref<100x128xf32, #tpu.memory_space<vmem>>, vector<1x16xf32>,
        %parallel_loop3A_636 = vector.shape_cast %parallel_loop3A_635 : vector<1x16xf32> to vector<16xf32>
        %parallel_loop3A_637 = arith.addf %parallel_loop3A_593, %parallel_loop3A_636 : vector<16xf32>
        %parallel_loop3A_638 = arith.index_cast %parallel_loop3A_612 : i32 to index
        %parallel_loop3A_639 = arith.constant 80 : index
        %parallel_loop3A_640 = tpu.vector_load %arg7[%parallel_loop3A_638, %parallel_loop3A_639] {strides = array<i32>} : memref<100x128xf32, #tpu.memory_space<vmem>>, vector<1x16xf32>,
        %parallel_loop3A_641 = vector.shape_cast %parallel_loop3A_640 : vector<1x16xf32> to vector<16xf32>
        %parallel_loop3A_642 = arith.addf %parallel_loop3A_598, %parallel_loop3A_641 : vector<16xf32>
        %parallel_loop3A_643 = arith.index_cast %parallel_loop3A_612 : i32 to index
        %parallel_loop3A_644 = arith.constant 96 : index
        %parallel_loop3A_645 = tpu.vector_load %arg7[%parallel_loop3A_643, %parallel_loop3A_644] {strides = array<i32>} : memref<100x128xf32, #tpu.memory_space<vmem>>, vector<1x16xf32>,
        %parallel_loop3A_646 = vector.shape_cast %parallel_loop3A_645 : vector<1x16xf32> to vector<16xf32>
        %parallel_loop3A_647 = arith.addf %parallel_loop3A_603, %parallel_loop3A_646 : vector<16xf32>
        %parallel_loop3A_648 = arith.index_cast %parallel_loop3A_612 : i32 to index
        %parallel_loop3A_649 = arith.constant 112 : index
        %parallel_loop3A_650 = tpu.vector_load %arg7[%parallel_loop3A_648, %parallel_loop3A_649] {strides = array<i32>} : memref<100x128xf32, #tpu.memory_space<vmem>>, vector<1x16xf32>,
        %parallel_loop3A_651 = vector.shape_cast %parallel_loop3A_650 : vector<1x16xf32> to vector<16xf32>
        %parallel_loop3A_652 = arith.addf %parallel_loop3A_608, %parallel_loop3A_651 : vector<16xf32>
        %parallel_loop3A_653 = arith.constant 4 : i32
        %parallel_loop3A_654 = arith.muli %parallel_loop3A_556, %parallel_loop3A_653 : i32
        %parallel_loop3A_655 = arith.constant 2 : i32
        %parallel_loop3A_656 = arith.addi %parallel_loop3A_654, %parallel_loop3A_655 : i32
        %parallel_loop3A_657 = arith.index_cast %parallel_loop3A_656 : i32 to index
        %parallel_loop3A_658 = arith.constant 0 : index
        %parallel_loop3A_659 = tpu.vector_load %arg7[%parallel_loop3A_657, %parallel_loop3A_658] {strides = array<i32>} : memref<100x128xf32, #tpu.memory_space<vmem>>, vector<1x16xf32>,
        %parallel_loop3A_660 = vector.shape_cast %parallel_loop3A_659 : vector<1x16xf32> to vector<16xf32>
        %parallel_loop3A_661 = arith.addf %parallel_loop3A_617, %parallel_loop3A_660 : vector<16xf32>
        %parallel_loop3A_662 = arith.index_cast %parallel_loop3A_656 : i32 to index
        %parallel_loop3A_663 = arith.constant 16 : index
        %parallel_loop3A_664 = tpu.vector_load %arg7[%parallel_loop3A_662, %parallel_loop3A_663] {strides = array<i32>} : memref<100x128xf32, #tpu.memory_space<vmem>>, vector<1x16xf32>,
        %parallel_loop3A_665 = vector.shape_cast %parallel_loop3A_664 : vector<1x16xf32> to vector<16xf32>
        %parallel_loop3A_666 = arith.addf %parallel_loop3A_622, %parallel_loop3A_665 : vector<16xf32>
        %parallel_loop3A_667 = arith.index_cast %parallel_loop3A_656 : i32 to index
        %parallel_loop3A_668 = arith.constant 32 : index
        %parallel_loop3A_669 = tpu.vector_load %arg7[%parallel_loop3A_667, %parallel_loop3A_668] {strides = array<i32>} : memref<100x128xf32, #tpu.memory_space<vmem>>, vector<1x16xf32>,
        %parallel_loop3A_670 = vector.shape_cast %parallel_loop3A_669 : vector<1x16xf32> to vector<16xf32>
        %parallel_loop3A_671 = arith.addf %parallel_loop3A_627, %parallel_loop3A_670 : vector<16xf32>
        %parallel_loop3A_672 = arith.index_cast %parallel_loop3A_656 : i32 to index
        %parallel_loop3A_673 = arith.constant 48 : index
        %parallel_loop3A_674 = tpu.vector_load %arg7[%parallel_loop3A_672, %parallel_loop3A_673] {strides = array<i32>} : memref<100x128xf32, #tpu.memory_space<vmem>>, vector<1x16xf32>,
        %parallel_loop3A_675 = vector.shape_cast %parallel_loop3A_674 : vector<1x16xf32> to vector<16xf32>
        %parallel_loop3A_676 = arith.addf %parallel_loop3A_632, %parallel_loop3A_675 : vector<16xf32>
        %parallel_loop3A_677 = arith.index_cast %parallel_loop3A_656 : i32 to index
        %parallel_loop3A_678 = arith.constant 64 : index
        %parallel_loop3A_679 = tpu.vector_load %arg7[%parallel_loop3A_677, %parallel_loop3A_678] {strides = array<i32>} : memref<100x128xf32, #tpu.memory_space<vmem>>, vector<1x16xf32>,
        %parallel_loop3A_680 = vector.shape_cast %parallel_loop3A_679 : vector<1x16xf32> to vector<16xf32>
        %parallel_loop3A_681 = arith.addf %parallel_loop3A_637, %parallel_loop3A_680 : vector<16xf32>
        %parallel_loop3A_682 = arith.index_cast %parallel_loop3A_656 : i32 to index
        %parallel_loop3A_683 = arith.constant 80 : index
        %parallel_loop3A_684 = tpu.vector_load %arg7[%parallel_loop3A_682, %parallel_loop3A_683] {strides = array<i32>} : memref<100x128xf32, #tpu.memory_space<vmem>>, vector<1x16xf32>,
        %parallel_loop3A_685 = vector.shape_cast %parallel_loop3A_684 : vector<1x16xf32> to vector<16xf32>
        %parallel_loop3A_686 = arith.addf %parallel_loop3A_642, %parallel_loop3A_685 : vector<16xf32>
        %parallel_loop3A_687 = arith.index_cast %parallel_loop3A_656 : i32 to index
        %parallel_loop3A_688 = arith.constant 96 : index
        %parallel_loop3A_689 = tpu.vector_load %arg7[%parallel_loop3A_687, %parallel_loop3A_688] {strides = array<i32>} : memref<100x128xf32, #tpu.memory_space<vmem>>, vector<1x16xf32>,
        %parallel_loop3A_690 = vector.shape_cast %parallel_loop3A_689 : vector<1x16xf32> to vector<16xf32>
        %parallel_loop3A_691 = arith.addf %parallel_loop3A_647, %parallel_loop3A_690 : vector<16xf32>
        %parallel_loop3A_692 = arith.index_cast %parallel_loop3A_656 : i32 to index
        %parallel_loop3A_693 = arith.constant 112 : index
        %parallel_loop3A_694 = tpu.vector_load %arg7[%parallel_loop3A_692, %parallel_loop3A_693] {strides = array<i32>} : memref<100x128xf32, #tpu.memory_space<vmem>>, vector<1x16xf32>,
        %parallel_loop3A_695 = vector.shape_cast %parallel_loop3A_694 : vector<1x16xf32> to vector<16xf32>
        %parallel_loop3A_696 = arith.addf %parallel_loop3A_652, %parallel_loop3A_695 : vector<16xf32>
        %parallel_loop3A_697 = arith.constant 4 : i32
        %parallel_loop3A_698 = arith.muli %parallel_loop3A_556, %parallel_loop3A_697 : i32
        %parallel_loop3A_699 = arith.constant 3 : i32
        %parallel_loop3A_700 = arith.addi %parallel_loop3A_698, %parallel_loop3A_699 : i32
        %parallel_loop3A_701 = arith.index_cast %parallel_loop3A_700 : i32 to index
        %parallel_loop3A_702 = arith.constant 0 : index
        %parallel_loop3A_703 = tpu.vector_load %arg7[%parallel_loop3A_701, %parallel_loop3A_702] {strides = array<i32>} : memref<100x128xf32, #tpu.memory_space<vmem>>, vector<1x16xf32>,
        %parallel_loop3A_704 = vector.shape_cast %parallel_loop3A_703 : vector<1x16xf32> to vector<16xf32>
        %parallel_loop3A_705 = arith.addf %parallel_loop3A_661, %parallel_loop3A_704 : vector<16xf32>
        %parallel_loop3A_706 = arith.index_cast %parallel_loop3A_700 : i32 to index
        %parallel_loop3A_707 = arith.constant 16 : index
        %parallel_loop3A_708 = tpu.vector_load %arg7[%parallel_loop3A_706, %parallel_loop3A_707] {strides = array<i32>} : memref<100x128xf32, #tpu.memory_space<vmem>>, vector<1x16xf32>,
        %parallel_loop3A_709 = vector.shape_cast %parallel_loop3A_708 : vector<1x16xf32> to vector<16xf32>
        %parallel_loop3A_710 = arith.addf %parallel_loop3A_666, %parallel_loop3A_709 : vector<16xf32>
        %parallel_loop3A_711 = arith.index_cast %parallel_loop3A_700 : i32 to index
        %parallel_loop3A_712 = arith.constant 32 : index
        %parallel_loop3A_713 = tpu.vector_load %arg7[%parallel_loop3A_711, %parallel_loop3A_712] {strides = array<i32>} : memref<100x128xf32, #tpu.memory_space<vmem>>, vector<1x16xf32>,
        %parallel_loop3A_714 = vector.shape_cast %parallel_loop3A_713 : vector<1x16xf32> to vector<16xf32>
        %parallel_loop3A_715 = arith.addf %parallel_loop3A_671, %parallel_loop3A_714 : vector<16xf32>
        %parallel_loop3A_716 = arith.index_cast %parallel_loop3A_700 : i32 to index
        %parallel_loop3A_717 = arith.constant 48 : index
        %parallel_loop3A_718 = tpu.vector_load %arg7[%parallel_loop3A_716, %parallel_loop3A_717] {strides = array<i32>} : memref<100x128xf32, #tpu.memory_space<vmem>>, vector<1x16xf32>,
        %parallel_loop3A_719 = vector.shape_cast %parallel_loop3A_718 : vector<1x16xf32> to vector<16xf32>
        %parallel_loop3A_720 = arith.addf %parallel_loop3A_676, %parallel_loop3A_719 : vector<16xf32>
        %parallel_loop3A_721 = arith.index_cast %parallel_loop3A_700 : i32 to index
        %parallel_loop3A_722 = arith.constant 64 : index
        %parallel_loop3A_723 = tpu.vector_load %arg7[%parallel_loop3A_721, %parallel_loop3A_722] {strides = array<i32>} : memref<100x128xf32, #tpu.memory_space<vmem>>, vector<1x16xf32>,
        %parallel_loop3A_724 = vector.shape_cast %parallel_loop3A_723 : vector<1x16xf32> to vector<16xf32>
        %parallel_loop3A_725 = arith.addf %parallel_loop3A_681, %parallel_loop3A_724 : vector<16xf32>
        %parallel_loop3A_726 = arith.index_cast %parallel_loop3A_700 : i32 to index
        %parallel_loop3A_727 = arith.constant 80 : index
        %parallel_loop3A_728 = tpu.vector_load %arg7[%parallel_loop3A_726, %parallel_loop3A_727] {strides = array<i32>} : memref<100x128xf32, #tpu.memory_space<vmem>>, vector<1x16xf32>,
        %parallel_loop3A_729 = vector.shape_cast %parallel_loop3A_728 : vector<1x16xf32> to vector<16xf32>
        %parallel_loop3A_730 = arith.addf %parallel_loop3A_686, %parallel_loop3A_729 : vector<16xf32>
        %parallel_loop3A_731 = arith.index_cast %parallel_loop3A_700 : i32 to index
        %parallel_loop3A_732 = arith.constant 96 : index
        %parallel_loop3A_733 = tpu.vector_load %arg7[%parallel_loop3A_731, %parallel_loop3A_732] {strides = array<i32>} : memref<100x128xf32, #tpu.memory_space<vmem>>, vector<1x16xf32>,
        %parallel_loop3A_734 = vector.shape_cast %parallel_loop3A_733 : vector<1x16xf32> to vector<16xf32>
        %parallel_loop3A_735 = arith.addf %parallel_loop3A_691, %parallel_loop3A_734 : vector<16xf32>
        %parallel_loop3A_736 = arith.index_cast %parallel_loop3A_700 : i32 to index
        %parallel_loop3A_737 = arith.constant 112 : index
        %parallel_loop3A_738 = tpu.vector_load %arg7[%parallel_loop3A_736, %parallel_loop3A_737] {strides = array<i32>} : memref<100x128xf32, #tpu.memory_space<vmem>>, vector<1x16xf32>,
        %parallel_loop3A_739 = vector.shape_cast %parallel_loop3A_738 : vector<1x16xf32> to vector<16xf32>
        %parallel_loop3A_740 = arith.addf %parallel_loop3A_696, %parallel_loop3A_739 : vector<16xf32>
        scf.yield %parallel_loop3A_705, %parallel_loop3A_710, %parallel_loop3A_715, %parallel_loop3A_720, %parallel_loop3A_725, %parallel_loop3A_730, %parallel_loop3A_735, %parallel_loop3A_740 : vector<16xf32>, vector<16xf32>, vector<16xf32>, vector<16xf32>, vector<16xf32>, vector<16xf32>, vector<16xf32>, vector<16xf32>
      } {sc.loop_unroll_factor = 1 : i64, sc.parallel_access}
      %add3A_119 = arith.constant 1 : i32
      %add3A_120 = arith.addi %scan3A_72, %add3A_119 : i32
      %lt3A_121 = arith.constant 8 : i32
      %lt3A_122 = arith.cmpi slt, %add3A_120, %lt3A_121 : i32
      %convert_element_type3A_123 = arith.extui %lt3A_122 : i1 to i32
      %cond3A_124 = arith.constant 0 : i32
      %cond3A_125 = arith.cmpi ne, %convert_element_type3A_123, %cond3A_124 : i32
      scf.if %cond3A_125 {
        %add3A_556 = arith.constant 1 : i32
        %add3A_557 = arith.addi %scan3A_72, %add3A_556 : i32
        %mul3A_558 = arith.constant 4 : i32
        %mul3A_559 = arith.muli %add3A_557, %mul3A_558 : i32
        %add3A_560 = arith.constant 0 : i32
        %add3A_561 = arith.addi %mul3A_559, %add3A_560 : i32
        %dma_start3A_562 = arith.constant 1 : i32
        %dma_start3A_563 = arith.constant 0 : i32
        %dma_start3A_564 = tpu.memref_slice %arg5[%add3A_561, %dma_start3A_562, %dma_start3A_563] : memref<32x2x100xi32, #tpu.memory_space<vmem>> -> memref<1x1x100xi32, #tpu.memory_space<vmem>>
        %dma_start3A_565 = tpu.memref_squeeze %dma_start3A_564 : memref<1x1x100xi32, #tpu.memory_space<vmem>> -> memref<100xi32, #tpu.memory_space<vmem>>
        %dma_start3A_566 = arith.constant 0 : i32
        %dma_start3A_567 = arith.constant 0 : i32
        %dma_start3A_568 = tpu.memref_slice %arg3[%dma_start3A_566, %dma_start3A_567] : memref<100000x128xf32, #tpu.memory_space<hbm>> -> memref<100000x128xf32, #tpu.memory_space<hbm>>
        tpu.enqueue_indirect_dma source(%dma_start3A_568 : memref<100000x128xf32, #tpu.memory_space<hbm>>) target(%arg7 : memref<100x128xf32, #tpu.memory_space<vmem>>) offsets(%dma_start3A_565 : memref<100xi32, #tpu.memory_space<vmem>>) semaphore(%arg16 : memref<!tpu.dma_semaphore, #tpu.memory_space<semaphore_mem>>)
      } else {
      }
      %mul3A_126 = arith.constant 5.000000e-03 : f32
      %mul3A_127 = vector.broadcast %mul3A_126 : f32 to vector<16xf32>
      %mul3A_128 = arith.mulf %parallel_loop3A_118#0, %mul3A_127 : vector<16xf32>
      %swap3A = arith.index_cast %add3A_77 : i32 to index
      %swap3A_129 = arith.constant 0 : index
      %swap3A_130 = tpu.vector_load %arg14[%swap3A, %swap3A_129] {strides = array<i32>} : memref<32x128xf32, #tpu.memory_space<vmem>>, vector<1x16xf32>,
      %swap3A_131 = vector.shape_cast %swap3A_130 : vector<1x16xf32> to vector<16xf32>
      %swap3A_132 = vector.shape_cast %mul3A_128 : vector<16xf32> to vector<1x16xf32>
      tpu.vector_store %arg14[%swap3A, %swap3A_129], %swap3A_132 {strides = array<i32>} : memref<32x128xf32, #tpu.memory_space<vmem>>, vector<1x16xf32>,
      %mul3A_133 = arith.constant 5.000000e-03 : f32
      %mul3A_134 = vector.broadcast %mul3A_133 : f32 to vector<16xf32>
      %mul3A_135 = arith.mulf %parallel_loop3A_118#1, %mul3A_134 : vector<16xf32>
      %swap3A_136 = arith.index_cast %add3A_77 : i32 to index
      %swap3A_137 = arith.constant 16 : index
      %swap3A_138 = tpu.vector_load %arg14[%swap3A_136, %swap3A_137] {strides = array<i32>} : memref<32x128xf32, #tpu.memory_space<vmem>>, vector<1x16xf32>,
      %swap3A_139 = vector.shape_cast %swap3A_138 : vector<1x16xf32> to vector<16xf32>
      %swap3A_140 = vector.shape_cast %mul3A_135 : vector<16xf32> to vector<1x16xf32>
      tpu.vector_store %arg14[%swap3A_136, %swap3A_137], %swap3A_140 {strides = array<i32>} : memref<32x128xf32, #tpu.memory_space<vmem>>, vector<1x16xf32>,
      %mul3A_141 = arith.constant 5.000000e-03 : f32
      %mul3A_142 = vector.broadcast %mul3A_141 : f32 to vector<16xf32>
      %mul3A_143 = arith.mulf %parallel_loop3A_118#2, %mul3A_142 : vector<16xf32>
      %swap3A_144 = arith.index_cast %add3A_77 : i32 to index
      %swap3A_145 = arith.constant 32 : index
      %swap3A_146 = tpu.vector_load %arg14[%swap3A_144, %swap3A_145] {strides = array<i32>} : memref<32x128xf32, #tpu.memory_space<vmem>>, vector<1x16xf32>,
      %swap3A_147 = vector.shape_cast %swap3A_146 : vector<1x16xf32> to vector<16xf32>
      %swap3A_148 = vector.shape_cast %mul3A_143 : vector<16xf32> to vector<1x16xf32>
      tpu.vector_store %arg14[%swap3A_144, %swap3A_145], %swap3A_148 {strides = array<i32>} : memref<32x128xf32, #tpu.memory_space<vmem>>, vector<1x16xf32>,
      %mul3A_149 = arith.constant 5.000000e-03 : f32
      %mul3A_150 = vector.broadcast %mul3A_149 : f32 to vector<16xf32>
      %mul3A_151 = arith.mulf %parallel_loop3A_118#3, %mul3A_150 : vector<16xf32>
      %swap3A_152 = arith.index_cast %add3A_77 : i32 to index
      %swap3A_153 = arith.constant 48 : index
      %swap3A_154 = tpu.vector_load %arg14[%swap3A_152, %swap3A_153] {strides = array<i32>} : memref<32x128xf32, #tpu.memory_space<vmem>>, vector<1x16xf32>,
      %swap3A_155 = vector.shape_cast %swap3A_154 : vector<1x16xf32> to vector<16xf32>
      %swap3A_156 = vector.shape_cast %mul3A_151 : vector<16xf32> to vector<1x16xf32>
      tpu.vector_store %arg14[%swap3A_152, %swap3A_153], %swap3A_156 {strides = array<i32>} : memref<32x128xf32, #tpu.memory_space<vmem>>, vector<1x16xf32>,
      %mul3A_157 = arith.constant 5.000000e-03 : f32
      %mul3A_158 = vector.broadcast %mul3A_157 : f32 to vector<16xf32>
      %mul3A_159 = arith.mulf %parallel_loop3A_118#4, %mul3A_158 : vector<16xf32>
      %swap3A_160 = arith.index_cast %add3A_77 : i32 to index
      %swap3A_161 = arith.constant 64 : index
      %swap3A_162 = tpu.vector_load %arg14[%swap3A_160, %swap3A_161] {strides = array<i32>} : memref<32x128xf32, #tpu.memory_space<vmem>>, vector<1x16xf32>,
      %swap3A_163 = vector.shape_cast %swap3A_162 : vector<1x16xf32> to vector<16xf32>
      %swap3A_164 = vector.shape_cast %mul3A_159 : vector<16xf32> to vector<1x16xf32>
      tpu.vector_store %arg14[%swap3A_160, %swap3A_161], %swap3A_164 {strides = array<i32>} : memref<32x128xf32, #tpu.memory_space<vmem>>, vector<1x16xf32>,
      %mul3A_165 = arith.constant 5.000000e-03 : f32
      %mul3A_166 = vector.broadcast %mul3A_165 : f32 to vector<16xf32>
      %mul3A_167 = arith.mulf %parallel_loop3A_118#5, %mul3A_166 : vector<16xf32>
      %swap3A_168 = arith.index_cast %add3A_77 : i32 to index
      %swap3A_169 = arith.constant 80 : index
      %swap3A_170 = tpu.vector_load %arg14[%swap3A_168, %swap3A_169] {strides = array<i32>} : memref<32x128xf32, #tpu.memory_space<vmem>>, vector<1x16xf32>,
      %swap3A_171 = vector.shape_cast %swap3A_170 : vector<1x16xf32> to vector<16xf32>
      %swap3A_172 = vector.shape_cast %mul3A_167 : vector<16xf32> to vector<1x16xf32>
      tpu.vector_store %arg14[%swap3A_168, %swap3A_169], %swap3A_172 {strides = array<i32>} : memref<32x128xf32, #tpu.memory_space<vmem>>, vector<1x16xf32>,
      %mul3A_173 = arith.constant 5.000000e-03 : f32
      %mul3A_174 = vector.broadcast %mul3A_173 : f32 to vector<16xf32>
      %mul3A_175 = arith.mulf %parallel_loop3A_118#6, %mul3A_174 : vector<16xf32>
      %swap3A_176 = arith.index_cast %add3A_77 : i32 to index
      %swap3A_177 = arith.constant 96 : index
      %swap3A_178 = tpu.vector_load %arg14[%swap3A_176, %swap3A_177] {strides = array<i32>} : memref<32x128xf32, #tpu.memory_space<vmem>>, vector<1x16xf32>,
      %swap3A_179 = vector.shape_cast %swap3A_178 : vector<1x16xf32> to vector<16xf32>
      %swap3A_180 = vector.shape_cast %mul3A_175 : vector<16xf32> to vector<1x16xf32>
      tpu.vector_store %arg14[%swap3A_176, %swap3A_177], %swap3A_180 {strides = array<i32>} : memref<32x128xf32, #tpu.memory_space<vmem>>, vector<1x16xf32>,
      %mul3A_181 = arith.constant 5.000000e-03 : f32
      %mul3A_182 = vector.broadcast %mul3A_181 : f32 to vector<16xf32>
      %mul3A_183 = arith.mulf %parallel_loop3A_118#7, %mul3A_182 : vector<16xf32>
      %swap3A_184 = arith.index_cast %add3A_77 : i32 to index
      %swap3A_185 = arith.constant 112 : index
      %swap3A_186 = tpu.vector_load %arg14[%swap3A_184, %swap3A_185] {strides = array<i32>} : memref<32x128xf32, #tpu.memory_space<vmem>>, vector<1x16xf32>,
      %swap3A_187 = vector.shape_cast %swap3A_186 : vector<1x16xf32> to vector<16xf32>
      %swap3A_188 = vector.shape_cast %mul3A_183 : vector<16xf32> to vector<1x16xf32>
      tpu.vector_store %arg14[%swap3A_184, %swap3A_185], %swap3A_188 {strides = array<i32>} : memref<32x128xf32, #tpu.memory_space<vmem>>, vector<1x16xf32>,
      %mul3A_189 = arith.constant 4 : i32
      %mul3A_190 = arith.muli %scan3A_72, %mul3A_189 : i32
      %add3A_191 = arith.constant 1 : i32
      %add3A_192 = arith.addi %mul3A_190, %add3A_191 : i32
      %broadcast_in_dim3A_193 = arith.constant 0.000000e+00 : f32
      %broadcast_in_dim3A_194 = vector.broadcast %broadcast_in_dim3A_193 : f32 to vector<16xf32>
      %broadcast_in_dim3A_195 = arith.constant 0.000000e+00 : f32
      %broadcast_in_dim3A_196 = vector.broadcast %broadcast_in_dim3A_195 : f32 to vector<16xf32>
      %broadcast_in_dim3A_197 = arith.constant 0.000000e+00 : f32
      %broadcast_in_dim3A_198 = vector.broadcast %broadcast_in_dim3A_197 : f32 to vector<16xf32>
      %broadcast_in_dim3A_199 = arith.constant 0.000000e+00 : f32
      %broadcast_in_dim3A_200 = vector.broadcast %broadcast_in_dim3A_199 : f32 to vector<16xf32>
      %broadcast_in_dim3A_201 = arith.constant 0.000000e+00 : f32
      %broadcast_in_dim3A_202 = vector.broadcast %broadcast_in_dim3A_201 : f32 to vector<16xf32>
      %broadcast_in_dim3A_203 = arith.constant 0.000000e+00 : f32
      %broadcast_in_dim3A_204 = vector.broadcast %broadcast_in_dim3A_203 : f32 to vector<16xf32>
      %broadcast_in_dim3A_205 = arith.constant 0.000000e+00 : f32
      %broadcast_in_dim3A_206 = vector.broadcast %broadcast_in_dim3A_205 : f32 to vector<16xf32>
      %broadcast_in_dim3A_207 = arith.constant 0.000000e+00 : f32
      %broadcast_in_dim3A_208 = vector.broadcast %broadcast_in_dim3A_207 : f32 to vector<16xf32>
      %dma_wait3A_209 = arith.constant 0 : i32
      %dma_wait3A_210 = arith.constant 0 : i32
      %dma_wait3A_211 = arith.constant 0 : i32
      %dma_wait3A_212 = tpu.memref_slice %arg5[%dma_wait3A_209, %dma_wait3A_210, %dma_wait3A_211] : memref<32x2x100xi32, #tpu.memory_space<vmem>> -> memref<1x1x100xi32, #tpu.memory_space<vmem>>
      %dma_wait3A_213 = tpu.memref_squeeze %dma_wait3A_212 : memref<1x1x100xi32, #tpu.memory_space<vmem>> -> memref<100xi32, #tpu.memory_space<vmem>>
      %dma_wait3A_214 = arith.constant 0 : i32
      %dma_wait3A_215 = arith.constant 0 : i32
      %dma_wait3A_216 = tpu.memref_slice %arg3[%dma_wait3A_214, %dma_wait3A_215] : memref<100000x128xf32, #tpu.memory_space<hbm>> -> memref<100000x128xf32, #tpu.memory_space<hbm>>
      tpu.wait_indirect_dma semaphore(%arg17 : memref<!tpu.dma_semaphore, #tpu.memory_space<semaphore_mem>>) src(%dma_wait3A_216 : memref<100000x128xf32, #tpu.memory_space<hbm>>) dst(%arg8 : memref<100x128xf32, #tpu.memory_space<vmem>>)
      %parallel_loop3A_217 = arith.constant 0 : i32
      %parallel_loop3A_218 = arith.constant 25 : i32
      %parallel_loop3A_219 = arith.constant 1 : i32
      %parallel_loop3A_220:8 = scf.for %parallel_loop3A_556 = %parallel_loop3A_217 to %parallel_loop3A_218 step %parallel_loop3A_219 iter_args(%parallel_loop3A_557 = %broadcast_in_dim3A_194, %parallel_loop3A_558 = %broadcast_in_dim3A_196, %parallel_loop3A_559 = %broadcast_in_dim3A_198, %parallel_loop3A_560 = %broadcast_in_dim3A_200, %parallel_loop3A_561 = %broadcast_in_dim3A_202, %parallel_loop3A_562 = %broadcast_in_dim3A_204, %parallel_loop3A_563 = %broadcast_in_dim3A_206, %parallel_loop3A_564 = %broadcast_in_dim3A_208) -> (vector<16xf32>, vector<16xf32>, vector<16xf32>, vector<16xf32>, vector<16xf32>, vector<16xf32>, vector<16xf32>, vector<16xf32>)  : i32 {
        %parallel_loop3A_565 = arith.constant 4 : i32
        %parallel_loop3A_566 = arith.muli %parallel_loop3A_556, %parallel_loop3A_565 : i32
        %parallel_loop3A_567 = arith.constant 0 : i32
        %parallel_loop3A_568 = arith.addi %parallel_loop3A_566, %parallel_loop3A_567 : i32
        %parallel_loop3A_569 = arith.index_cast %parallel_loop3A_568 : i32 to index
        %parallel_loop3A_570 = arith.constant 0 : index
        %parallel_loop3A_571 = tpu.vector_load %arg8[%parallel_loop3A_569, %parallel_loop3A_570] {strides = array<i32>} : memref<100x128xf32, #tpu.memory_space<vmem>>, vector<1x16xf32>,
        %parallel_loop3A_572 = vector.shape_cast %parallel_loop3A_571 : vector<1x16xf32> to vector<16xf32>
        %parallel_loop3A_573 = arith.addf %parallel_loop3A_557, %parallel_loop3A_572 : vector<16xf32>
        %parallel_loop3A_574 = arith.index_cast %parallel_loop3A_568 : i32 to index
        %parallel_loop3A_575 = arith.constant 16 : index
        %parallel_loop3A_576 = tpu.vector_load %arg8[%parallel_loop3A_574, %parallel_loop3A_575] {strides = array<i32>} : memref<100x128xf32, #tpu.memory_space<vmem>>, vector<1x16xf32>,
        %parallel_loop3A_577 = vector.shape_cast %parallel_loop3A_576 : vector<1x16xf32> to vector<16xf32>
        %parallel_loop3A_578 = arith.addf %parallel_loop3A_558, %parallel_loop3A_577 : vector<16xf32>
        %parallel_loop3A_579 = arith.index_cast %parallel_loop3A_568 : i32 to index
        %parallel_loop3A_580 = arith.constant 32 : index
        %parallel_loop3A_581 = tpu.vector_load %arg8[%parallel_loop3A_579, %parallel_loop3A_580] {strides = array<i32>} : memref<100x128xf32, #tpu.memory_space<vmem>>, vector<1x16xf32>,
        %parallel_loop3A_582 = vector.shape_cast %parallel_loop3A_581 : vector<1x16xf32> to vector<16xf32>
        %parallel_loop3A_583 = arith.addf %parallel_loop3A_559, %parallel_loop3A_582 : vector<16xf32>
        %parallel_loop3A_584 = arith.index_cast %parallel_loop3A_568 : i32 to index
        %parallel_loop3A_585 = arith.constant 48 : index
        %parallel_loop3A_586 = tpu.vector_load %arg8[%parallel_loop3A_584, %parallel_loop3A_585] {strides = array<i32>} : memref<100x128xf32, #tpu.memory_space<vmem>>, vector<1x16xf32>,
        %parallel_loop3A_587 = vector.shape_cast %parallel_loop3A_586 : vector<1x16xf32> to vector<16xf32>
        %parallel_loop3A_588 = arith.addf %parallel_loop3A_560, %parallel_loop3A_587 : vector<16xf32>
        %parallel_loop3A_589 = arith.index_cast %parallel_loop3A_568 : i32 to index
        %parallel_loop3A_590 = arith.constant 64 : index
        %parallel_loop3A_591 = tpu.vector_load %arg8[%parallel_loop3A_589, %parallel_loop3A_590] {strides = array<i32>} : memref<100x128xf32, #tpu.memory_space<vmem>>, vector<1x16xf32>,
        %parallel_loop3A_592 = vector.shape_cast %parallel_loop3A_591 : vector<1x16xf32> to vector<16xf32>
        %parallel_loop3A_593 = arith.addf %parallel_loop3A_561, %parallel_loop3A_592 : vector<16xf32>
        %parallel_loop3A_594 = arith.index_cast %parallel_loop3A_568 : i32 to index
        %parallel_loop3A_595 = arith.constant 80 : index
        %parallel_loop3A_596 = tpu.vector_load %arg8[%parallel_loop3A_594, %parallel_loop3A_595] {strides = array<i32>} : memref<100x128xf32, #tpu.memory_space<vmem>>, vector<1x16xf32>,
        %parallel_loop3A_597 = vector.shape_cast %parallel_loop3A_596 : vector<1x16xf32> to vector<16xf32>
        %parallel_loop3A_598 = arith.addf %parallel_loop3A_562, %parallel_loop3A_597 : vector<16xf32>
        %parallel_loop3A_599 = arith.index_cast %parallel_loop3A_568 : i32 to index
        %parallel_loop3A_600 = arith.constant 96 : index
        %parallel_loop3A_601 = tpu.vector_load %arg8[%parallel_loop3A_599, %parallel_loop3A_600] {strides = array<i32>} : memref<100x128xf32, #tpu.memory_space<vmem>>, vector<1x16xf32>,
        %parallel_loop3A_602 = vector.shape_cast %parallel_loop3A_601 : vector<1x16xf32> to vector<16xf32>
        %parallel_loop3A_603 = arith.addf %parallel_loop3A_563, %parallel_loop3A_602 : vector<16xf32>
        %parallel_loop3A_604 = arith.index_cast %parallel_loop3A_568 : i32 to index
        %parallel_loop3A_605 = arith.constant 112 : index
        %parallel_loop3A_606 = tpu.vector_load %arg8[%parallel_loop3A_604, %parallel_loop3A_605] {strides = array<i32>} : memref<100x128xf32, #tpu.memory_space<vmem>>, vector<1x16xf32>,
        %parallel_loop3A_607 = vector.shape_cast %parallel_loop3A_606 : vector<1x16xf32> to vector<16xf32>
        %parallel_loop3A_608 = arith.addf %parallel_loop3A_564, %parallel_loop3A_607 : vector<16xf32>
        %parallel_loop3A_609 = arith.constant 4 : i32
        %parallel_loop3A_610 = arith.muli %parallel_loop3A_556, %parallel_loop3A_609 : i32
        %parallel_loop3A_611 = arith.constant 1 : i32
        %parallel_loop3A_612 = arith.addi %parallel_loop3A_610, %parallel_loop3A_611 : i32
        %parallel_loop3A_613 = arith.index_cast %parallel_loop3A_612 : i32 to index
        %parallel_loop3A_614 = arith.constant 0 : index
        %parallel_loop3A_615 = tpu.vector_load %arg8[%parallel_loop3A_613, %parallel_loop3A_614] {strides = array<i32>} : memref<100x128xf32, #tpu.memory_space<vmem>>, vector<1x16xf32>,
        %parallel_loop3A_616 = vector.shape_cast %parallel_loop3A_615 : vector<1x16xf32> to vector<16xf32>
        %parallel_loop3A_617 = arith.addf %parallel_loop3A_573, %parallel_loop3A_616 : vector<16xf32>
        %parallel_loop3A_618 = arith.index_cast %parallel_loop3A_612 : i32 to index
        %parallel_loop3A_619 = arith.constant 16 : index
        %parallel_loop3A_620 = tpu.vector_load %arg8[%parallel_loop3A_618, %parallel_loop3A_619] {strides = array<i32>} : memref<100x128xf32, #tpu.memory_space<vmem>>, vector<1x16xf32>,
        %parallel_loop3A_621 = vector.shape_cast %parallel_loop3A_620 : vector<1x16xf32> to vector<16xf32>
        %parallel_loop3A_622 = arith.addf %parallel_loop3A_578, %parallel_loop3A_621 : vector<16xf32>
        %parallel_loop3A_623 = arith.index_cast %parallel_loop3A_612 : i32 to index
        %parallel_loop3A_624 = arith.constant 32 : index
        %parallel_loop3A_625 = tpu.vector_load %arg8[%parallel_loop3A_623, %parallel_loop3A_624] {strides = array<i32>} : memref<100x128xf32, #tpu.memory_space<vmem>>, vector<1x16xf32>,
        %parallel_loop3A_626 = vector.shape_cast %parallel_loop3A_625 : vector<1x16xf32> to vector<16xf32>
        %parallel_loop3A_627 = arith.addf %parallel_loop3A_583, %parallel_loop3A_626 : vector<16xf32>
        %parallel_loop3A_628 = arith.index_cast %parallel_loop3A_612 : i32 to index
        %parallel_loop3A_629 = arith.constant 48 : index
        %parallel_loop3A_630 = tpu.vector_load %arg8[%parallel_loop3A_628, %parallel_loop3A_629] {strides = array<i32>} : memref<100x128xf32, #tpu.memory_space<vmem>>, vector<1x16xf32>,
        %parallel_loop3A_631 = vector.shape_cast %parallel_loop3A_630 : vector<1x16xf32> to vector<16xf32>
        %parallel_loop3A_632 = arith.addf %parallel_loop3A_588, %parallel_loop3A_631 : vector<16xf32>
        %parallel_loop3A_633 = arith.index_cast %parallel_loop3A_612 : i32 to index
        %parallel_loop3A_634 = arith.constant 64 : index
        %parallel_loop3A_635 = tpu.vector_load %arg8[%parallel_loop3A_633, %parallel_loop3A_634] {strides = array<i32>} : memref<100x128xf32, #tpu.memory_space<vmem>>, vector<1x16xf32>,
        %parallel_loop3A_636 = vector.shape_cast %parallel_loop3A_635 : vector<1x16xf32> to vector<16xf32>
        %parallel_loop3A_637 = arith.addf %parallel_loop3A_593, %parallel_loop3A_636 : vector<16xf32>
        %parallel_loop3A_638 = arith.index_cast %parallel_loop3A_612 : i32 to index
        %parallel_loop3A_639 = arith.constant 80 : index
        %parallel_loop3A_640 = tpu.vector_load %arg8[%parallel_loop3A_638, %parallel_loop3A_639] {strides = array<i32>} : memref<100x128xf32, #tpu.memory_space<vmem>>, vector<1x16xf32>,
        %parallel_loop3A_641 = vector.shape_cast %parallel_loop3A_640 : vector<1x16xf32> to vector<16xf32>
        %parallel_loop3A_642 = arith.addf %parallel_loop3A_598, %parallel_loop3A_641 : vector<16xf32>
        %parallel_loop3A_643 = arith.index_cast %parallel_loop3A_612 : i32 to index
        %parallel_loop3A_644 = arith.constant 96 : index
        %parallel_loop3A_645 = tpu.vector_load %arg8[%parallel_loop3A_643, %parallel_loop3A_644] {strides = array<i32>} : memref<100x128xf32, #tpu.memory_space<vmem>>, vector<1x16xf32>,
        %parallel_loop3A_646 = vector.shape_cast %parallel_loop3A_645 : vector<1x16xf32> to vector<16xf32>
        %parallel_loop3A_647 = arith.addf %parallel_loop3A_603, %parallel_loop3A_646 : vector<16xf32>
        %parallel_loop3A_648 = arith.index_cast %parallel_loop3A_612 : i32 to index
        %parallel_loop3A_649 = arith.constant 112 : index
        %parallel_loop3A_650 = tpu.vector_load %arg8[%parallel_loop3A_648, %parallel_loop3A_649] {strides = array<i32>} : memref<100x128xf32, #tpu.memory_space<vmem>>, vector<1x16xf32>,
        %parallel_loop3A_651 = vector.shape_cast %parallel_loop3A_650 : vector<1x16xf32> to vector<16xf32>
        %parallel_loop3A_652 = arith.addf %parallel_loop3A_608, %parallel_loop3A_651 : vector<16xf32>
        %parallel_loop3A_653 = arith.constant 4 : i32
        %parallel_loop3A_654 = arith.muli %parallel_loop3A_556, %parallel_loop3A_653 : i32
        %parallel_loop3A_655 = arith.constant 2 : i32
        %parallel_loop3A_656 = arith.addi %parallel_loop3A_654, %parallel_loop3A_655 : i32
        %parallel_loop3A_657 = arith.index_cast %parallel_loop3A_656 : i32 to index
        %parallel_loop3A_658 = arith.constant 0 : index
        %parallel_loop3A_659 = tpu.vector_load %arg8[%parallel_loop3A_657, %parallel_loop3A_658] {strides = array<i32>} : memref<100x128xf32, #tpu.memory_space<vmem>>, vector<1x16xf32>,
        %parallel_loop3A_660 = vector.shape_cast %parallel_loop3A_659 : vector<1x16xf32> to vector<16xf32>
        %parallel_loop3A_661 = arith.addf %parallel_loop3A_617, %parallel_loop3A_660 : vector<16xf32>
        %parallel_loop3A_662 = arith.index_cast %parallel_loop3A_656 : i32 to index
        %parallel_loop3A_663 = arith.constant 16 : index
        %parallel_loop3A_664 = tpu.vector_load %arg8[%parallel_loop3A_662, %parallel_loop3A_663] {strides = array<i32>} : memref<100x128xf32, #tpu.memory_space<vmem>>, vector<1x16xf32>,
        %parallel_loop3A_665 = vector.shape_cast %parallel_loop3A_664 : vector<1x16xf32> to vector<16xf32>
        %parallel_loop3A_666 = arith.addf %parallel_loop3A_622, %parallel_loop3A_665 : vector<16xf32>
        %parallel_loop3A_667 = arith.index_cast %parallel_loop3A_656 : i32 to index
        %parallel_loop3A_668 = arith.constant 32 : index
        %parallel_loop3A_669 = tpu.vector_load %arg8[%parallel_loop3A_667, %parallel_loop3A_668] {strides = array<i32>} : memref<100x128xf32, #tpu.memory_space<vmem>>, vector<1x16xf32>,
        %parallel_loop3A_670 = vector.shape_cast %parallel_loop3A_669 : vector<1x16xf32> to vector<16xf32>
        %parallel_loop3A_671 = arith.addf %parallel_loop3A_627, %parallel_loop3A_670 : vector<16xf32>
        %parallel_loop3A_672 = arith.index_cast %parallel_loop3A_656 : i32 to index
        %parallel_loop3A_673 = arith.constant 48 : index
        %parallel_loop3A_674 = tpu.vector_load %arg8[%parallel_loop3A_672, %parallel_loop3A_673] {strides = array<i32>} : memref<100x128xf32, #tpu.memory_space<vmem>>, vector<1x16xf32>,
        %parallel_loop3A_675 = vector.shape_cast %parallel_loop3A_674 : vector<1x16xf32> to vector<16xf32>
        %parallel_loop3A_676 = arith.addf %parallel_loop3A_632, %parallel_loop3A_675 : vector<16xf32>
        %parallel_loop3A_677 = arith.index_cast %parallel_loop3A_656 : i32 to index
        %parallel_loop3A_678 = arith.constant 64 : index
        %parallel_loop3A_679 = tpu.vector_load %arg8[%parallel_loop3A_677, %parallel_loop3A_678] {strides = array<i32>} : memref<100x128xf32, #tpu.memory_space<vmem>>, vector<1x16xf32>,
        %parallel_loop3A_680 = vector.shape_cast %parallel_loop3A_679 : vector<1x16xf32> to vector<16xf32>
        %parallel_loop3A_681 = arith.addf %parallel_loop3A_637, %parallel_loop3A_680 : vector<16xf32>
        %parallel_loop3A_682 = arith.index_cast %parallel_loop3A_656 : i32 to index
        %parallel_loop3A_683 = arith.constant 80 : index
        %parallel_loop3A_684 = tpu.vector_load %arg8[%parallel_loop3A_682, %parallel_loop3A_683] {strides = array<i32>} : memref<100x128xf32, #tpu.memory_space<vmem>>, vector<1x16xf32>,
        %parallel_loop3A_685 = vector.shape_cast %parallel_loop3A_684 : vector<1x16xf32> to vector<16xf32>
        %parallel_loop3A_686 = arith.addf %parallel_loop3A_642, %parallel_loop3A_685 : vector<16xf32>
        %parallel_loop3A_687 = arith.index_cast %parallel_loop3A_656 : i32 to index
        %parallel_loop3A_688 = arith.constant 96 : index
        %parallel_loop3A_689 = tpu.vector_load %arg8[%parallel_loop3A_687, %parallel_loop3A_688] {strides = array<i32>} : memref<100x128xf32, #tpu.memory_space<vmem>>, vector<1x16xf32>,
        %parallel_loop3A_690 = vector.shape_cast %parallel_loop3A_689 : vector<1x16xf32> to vector<16xf32>
        %parallel_loop3A_691 = arith.addf %parallel_loop3A_647, %parallel_loop3A_690 : vector<16xf32>
        %parallel_loop3A_692 = arith.index_cast %parallel_loop3A_656 : i32 to index
        %parallel_loop3A_693 = arith.constant 112 : index
        %parallel_loop3A_694 = tpu.vector_load %arg8[%parallel_loop3A_692, %parallel_loop3A_693] {strides = array<i32>} : memref<100x128xf32, #tpu.memory_space<vmem>>, vector<1x16xf32>,
        %parallel_loop3A_695 = vector.shape_cast %parallel_loop3A_694 : vector<1x16xf32> to vector<16xf32>
        %parallel_loop3A_696 = arith.addf %parallel_loop3A_652, %parallel_loop3A_695 : vector<16xf32>
        %parallel_loop3A_697 = arith.constant 4 : i32
        %parallel_loop3A_698 = arith.muli %parallel_loop3A_556, %parallel_loop3A_697 : i32
        %parallel_loop3A_699 = arith.constant 3 : i32
        %parallel_loop3A_700 = arith.addi %parallel_loop3A_698, %parallel_loop3A_699 : i32
        %parallel_loop3A_701 = arith.index_cast %parallel_loop3A_700 : i32 to index
        %parallel_loop3A_702 = arith.constant 0 : index
        %parallel_loop3A_703 = tpu.vector_load %arg8[%parallel_loop3A_701, %parallel_loop3A_702] {strides = array<i32>} : memref<100x128xf32, #tpu.memory_space<vmem>>, vector<1x16xf32>,
        %parallel_loop3A_704 = vector.shape_cast %parallel_loop3A_703 : vector<1x16xf32> to vector<16xf32>
        %parallel_loop3A_705 = arith.addf %parallel_loop3A_661, %parallel_loop3A_704 : vector<16xf32>
        %parallel_loop3A_706 = arith.index_cast %parallel_loop3A_700 : i32 to index
        %parallel_loop3A_707 = arith.constant 16 : index
        %parallel_loop3A_708 = tpu.vector_load %arg8[%parallel_loop3A_706, %parallel_loop3A_707] {strides = array<i32>} : memref<100x128xf32, #tpu.memory_space<vmem>>, vector<1x16xf32>,
        %parallel_loop3A_709 = vector.shape_cast %parallel_loop3A_708 : vector<1x16xf32> to vector<16xf32>
        %parallel_loop3A_710 = arith.addf %parallel_loop3A_666, %parallel_loop3A_709 : vector<16xf32>
        %parallel_loop3A_711 = arith.index_cast %parallel_loop3A_700 : i32 to index
        %parallel_loop3A_712 = arith.constant 32 : index
        %parallel_loop3A_713 = tpu.vector_load %arg8[%parallel_loop3A_711, %parallel_loop3A_712] {strides = array<i32>} : memref<100x128xf32, #tpu.memory_space<vmem>>, vector<1x16xf32>,
        %parallel_loop3A_714 = vector.shape_cast %parallel_loop3A_713 : vector<1x16xf32> to vector<16xf32>
        %parallel_loop3A_715 = arith.addf %parallel_loop3A_671, %parallel_loop3A_714 : vector<16xf32>
        %parallel_loop3A_716 = arith.index_cast %parallel_loop3A_700 : i32 to index
        %parallel_loop3A_717 = arith.constant 48 : index
        %parallel_loop3A_718 = tpu.vector_load %arg8[%parallel_loop3A_716, %parallel_loop3A_717] {strides = array<i32>} : memref<100x128xf32, #tpu.memory_space<vmem>>, vector<1x16xf32>,
        %parallel_loop3A_719 = vector.shape_cast %parallel_loop3A_718 : vector<1x16xf32> to vector<16xf32>
        %parallel_loop3A_720 = arith.addf %parallel_loop3A_676, %parallel_loop3A_719 : vector<16xf32>
        %parallel_loop3A_721 = arith.index_cast %parallel_loop3A_700 : i32 to index
        %parallel_loop3A_722 = arith.constant 64 : index
        %parallel_loop3A_723 = tpu.vector_load %arg8[%parallel_loop3A_721, %parallel_loop3A_722] {strides = array<i32>} : memref<100x128xf32, #tpu.memory_space<vmem>>, vector<1x16xf32>,
        %parallel_loop3A_724 = vector.shape_cast %parallel_loop3A_723 : vector<1x16xf32> to vector<16xf32>
        %parallel_loop3A_725 = arith.addf %parallel_loop3A_681, %parallel_loop3A_724 : vector<16xf32>
        %parallel_loop3A_726 = arith.index_cast %parallel_loop3A_700 : i32 to index
        %parallel_loop3A_727 = arith.constant 80 : index
        %parallel_loop3A_728 = tpu.vector_load %arg8[%parallel_loop3A_726, %parallel_loop3A_727] {strides = array<i32>} : memref<100x128xf32, #tpu.memory_space<vmem>>, vector<1x16xf32>,
        %parallel_loop3A_729 = vector.shape_cast %parallel_loop3A_728 : vector<1x16xf32> to vector<16xf32>
        %parallel_loop3A_730 = arith.addf %parallel_loop3A_686, %parallel_loop3A_729 : vector<16xf32>
        %parallel_loop3A_731 = arith.index_cast %parallel_loop3A_700 : i32 to index
        %parallel_loop3A_732 = arith.constant 96 : index
        %parallel_loop3A_733 = tpu.vector_load %arg8[%parallel_loop3A_731, %parallel_loop3A_732] {strides = array<i32>} : memref<100x128xf32, #tpu.memory_space<vmem>>, vector<1x16xf32>,
        %parallel_loop3A_734 = vector.shape_cast %parallel_loop3A_733 : vector<1x16xf32> to vector<16xf32>
        %parallel_loop3A_735 = arith.addf %parallel_loop3A_691, %parallel_loop3A_734 : vector<16xf32>
        %parallel_loop3A_736 = arith.index_cast %parallel_loop3A_700 : i32 to index
        %parallel_loop3A_737 = arith.constant 112 : index
        %parallel_loop3A_738 = tpu.vector_load %arg8[%parallel_loop3A_736, %parallel_loop3A_737] {strides = array<i32>} : memref<100x128xf32, #tpu.memory_space<vmem>>, vector<1x16xf32>,
        %parallel_loop3A_739 = vector.shape_cast %parallel_loop3A_738 : vector<1x16xf32> to vector<16xf32>
        %parallel_loop3A_740 = arith.addf %parallel_loop3A_696, %parallel_loop3A_739 : vector<16xf32>
        scf.yield %parallel_loop3A_705, %parallel_loop3A_710, %parallel_loop3A_715, %parallel_loop3A_720, %parallel_loop3A_725, %parallel_loop3A_730, %parallel_loop3A_735, %parallel_loop3A_740 : vector<16xf32>, vector<16xf32>, vector<16xf32>, vector<16xf32>, vector<16xf32>, vector<16xf32>, vector<16xf32>, vector<16xf32>
      } {sc.loop_unroll_factor = 1 : i64, sc.parallel_access}
      %add3A_221 = arith.constant 1 : i32
      %add3A_222 = arith.addi %scan3A_72, %add3A_221 : i32
      %lt3A_223 = arith.constant 8 : i32
      %lt3A_224 = arith.cmpi slt, %add3A_222, %lt3A_223 : i32
      %convert_element_type3A_225 = arith.extui %lt3A_224 : i1 to i32
      %cond3A_226 = arith.constant 0 : i32
      %cond3A_227 = arith.cmpi ne, %convert_element_type3A_225, %cond3A_226 : i32
      scf.if %cond3A_227 {
        %add3A_556 = arith.constant 1 : i32
        %add3A_557 = arith.addi %scan3A_72, %add3A_556 : i32
        %mul3A_558 = arith.constant 4 : i32
        %mul3A_559 = arith.muli %add3A_557, %mul3A_558 : i32
        %add3A_560 = arith.constant 1 : i32
        %add3A_561 = arith.addi %mul3A_559, %add3A_560 : i32
        %dma_start3A_562 = arith.constant 0 : i32
        %dma_start3A_563 = arith.constant 0 : i32
        %dma_start3A_564 = tpu.memref_slice %arg5[%add3A_561, %dma_start3A_562, %dma_start3A_563] : memref<32x2x100xi32, #tpu.memory_space<vmem>> -> memref<1x1x100xi32, #tpu.memory_space<vmem>>
        %dma_start3A_565 = tpu.memref_squeeze %dma_start3A_564 : memref<1x1x100xi32, #tpu.memory_space<vmem>> -> memref<100xi32, #tpu.memory_space<vmem>>
        %dma_start3A_566 = arith.constant 0 : i32
        %dma_start3A_567 = arith.constant 0 : i32
        %dma_start3A_568 = tpu.memref_slice %arg3[%dma_start3A_566, %dma_start3A_567] : memref<100000x128xf32, #tpu.memory_space<hbm>> -> memref<100000x128xf32, #tpu.memory_space<hbm>>
        tpu.enqueue_indirect_dma source(%dma_start3A_568 : memref<100000x128xf32, #tpu.memory_space<hbm>>) target(%arg8 : memref<100x128xf32, #tpu.memory_space<vmem>>) offsets(%dma_start3A_565 : memref<100xi32, #tpu.memory_space<vmem>>) semaphore(%arg17 : memref<!tpu.dma_semaphore, #tpu.memory_space<semaphore_mem>>)
      } else {
      }
      %dma_wait3A_228 = arith.constant 0 : i32
      %dma_wait3A_229 = arith.constant 0 : i32
      %dma_wait3A_230 = arith.constant 0 : i32
      %dma_wait3A_231 = tpu.memref_slice %arg5[%dma_wait3A_228, %dma_wait3A_229, %dma_wait3A_230] : memref<32x2x100xi32, #tpu.memory_space<vmem>> -> memref<1x1x100xi32, #tpu.memory_space<vmem>>
      %dma_wait3A_232 = tpu.memref_squeeze %dma_wait3A_231 : memref<1x1x100xi32, #tpu.memory_space<vmem>> -> memref<100xi32, #tpu.memory_space<vmem>>
      %dma_wait3A_233 = arith.constant 0 : i32
      %dma_wait3A_234 = arith.constant 0 : i32
      %dma_wait3A_235 = tpu.memref_slice %arg3[%dma_wait3A_233, %dma_wait3A_234] : memref<100000x128xf32, #tpu.memory_space<hbm>> -> memref<100000x128xf32, #tpu.memory_space<hbm>>
      tpu.wait_indirect_dma semaphore(%arg18 : memref<!tpu.dma_semaphore, #tpu.memory_space<semaphore_mem>>) src(%dma_wait3A_235 : memref<100000x128xf32, #tpu.memory_space<hbm>>) dst(%arg9 : memref<100x128xf32, #tpu.memory_space<vmem>>)
      %parallel_loop3A_236 = arith.constant 0 : i32
      %parallel_loop3A_237 = arith.constant 25 : i32
      %parallel_loop3A_238 = arith.constant 1 : i32
      %parallel_loop3A_239:8 = scf.for %parallel_loop3A_556 = %parallel_loop3A_236 to %parallel_loop3A_237 step %parallel_loop3A_238 iter_args(%parallel_loop3A_557 = %parallel_loop3A_220#0, %parallel_loop3A_558 = %parallel_loop3A_220#1, %parallel_loop3A_559 = %parallel_loop3A_220#2, %parallel_loop3A_560 = %parallel_loop3A_220#3, %parallel_loop3A_561 = %parallel_loop3A_220#4, %parallel_loop3A_562 = %parallel_loop3A_220#5, %parallel_loop3A_563 = %parallel_loop3A_220#6, %parallel_loop3A_564 = %parallel_loop3A_220#7) -> (vector<16xf32>, vector<16xf32>, vector<16xf32>, vector<16xf32>, vector<16xf32>, vector<16xf32>, vector<16xf32>, vector<16xf32>)  : i32 {
        %parallel_loop3A_565 = arith.constant 4 : i32
        %parallel_loop3A_566 = arith.muli %parallel_loop3A_556, %parallel_loop3A_565 : i32
        %parallel_loop3A_567 = arith.constant 0 : i32
        %parallel_loop3A_568 = arith.addi %parallel_loop3A_566, %parallel_loop3A_567 : i32
        %parallel_loop3A_569 = arith.index_cast %parallel_loop3A_568 : i32 to index
        %parallel_loop3A_570 = arith.constant 0 : index
        %parallel_loop3A_571 = tpu.vector_load %arg9[%parallel_loop3A_569, %parallel_loop3A_570] {strides = array<i32>} : memref<100x128xf32, #tpu.memory_space<vmem>>, vector<1x16xf32>,
        %parallel_loop3A_572 = vector.shape_cast %parallel_loop3A_571 : vector<1x16xf32> to vector<16xf32>
        %parallel_loop3A_573 = arith.addf %parallel_loop3A_557, %parallel_loop3A_572 : vector<16xf32>
        %parallel_loop3A_574 = arith.index_cast %parallel_loop3A_568 : i32 to index
        %parallel_loop3A_575 = arith.constant 16 : index
        %parallel_loop3A_576 = tpu.vector_load %arg9[%parallel_loop3A_574, %parallel_loop3A_575] {strides = array<i32>} : memref<100x128xf32, #tpu.memory_space<vmem>>, vector<1x16xf32>,
        %parallel_loop3A_577 = vector.shape_cast %parallel_loop3A_576 : vector<1x16xf32> to vector<16xf32>
        %parallel_loop3A_578 = arith.addf %parallel_loop3A_558, %parallel_loop3A_577 : vector<16xf32>
        %parallel_loop3A_579 = arith.index_cast %parallel_loop3A_568 : i32 to index
        %parallel_loop3A_580 = arith.constant 32 : index
        %parallel_loop3A_581 = tpu.vector_load %arg9[%parallel_loop3A_579, %parallel_loop3A_580] {strides = array<i32>} : memref<100x128xf32, #tpu.memory_space<vmem>>, vector<1x16xf32>,
        %parallel_loop3A_582 = vector.shape_cast %parallel_loop3A_581 : vector<1x16xf32> to vector<16xf32>
        %parallel_loop3A_583 = arith.addf %parallel_loop3A_559, %parallel_loop3A_582 : vector<16xf32>
        %parallel_loop3A_584 = arith.index_cast %parallel_loop3A_568 : i32 to index
        %parallel_loop3A_585 = arith.constant 48 : index
        %parallel_loop3A_586 = tpu.vector_load %arg9[%parallel_loop3A_584, %parallel_loop3A_585] {strides = array<i32>} : memref<100x128xf32, #tpu.memory_space<vmem>>, vector<1x16xf32>,
        %parallel_loop3A_587 = vector.shape_cast %parallel_loop3A_586 : vector<1x16xf32> to vector<16xf32>
        %parallel_loop3A_588 = arith.addf %parallel_loop3A_560, %parallel_loop3A_587 : vector<16xf32>
        %parallel_loop3A_589 = arith.index_cast %parallel_loop3A_568 : i32 to index
        %parallel_loop3A_590 = arith.constant 64 : index
        %parallel_loop3A_591 = tpu.vector_load %arg9[%parallel_loop3A_589, %parallel_loop3A_590] {strides = array<i32>} : memref<100x128xf32, #tpu.memory_space<vmem>>, vector<1x16xf32>,
        %parallel_loop3A_592 = vector.shape_cast %parallel_loop3A_591 : vector<1x16xf32> to vector<16xf32>
        %parallel_loop3A_593 = arith.addf %parallel_loop3A_561, %parallel_loop3A_592 : vector<16xf32>
        %parallel_loop3A_594 = arith.index_cast %parallel_loop3A_568 : i32 to index
        %parallel_loop3A_595 = arith.constant 80 : index
        %parallel_loop3A_596 = tpu.vector_load %arg9[%parallel_loop3A_594, %parallel_loop3A_595] {strides = array<i32>} : memref<100x128xf32, #tpu.memory_space<vmem>>, vector<1x16xf32>,
        %parallel_loop3A_597 = vector.shape_cast %parallel_loop3A_596 : vector<1x16xf32> to vector<16xf32>
        %parallel_loop3A_598 = arith.addf %parallel_loop3A_562, %parallel_loop3A_597 : vector<16xf32>
        %parallel_loop3A_599 = arith.index_cast %parallel_loop3A_568 : i32 to index
        %parallel_loop3A_600 = arith.constant 96 : index
        %parallel_loop3A_601 = tpu.vector_load %arg9[%parallel_loop3A_599, %parallel_loop3A_600] {strides = array<i32>} : memref<100x128xf32, #tpu.memory_space<vmem>>, vector<1x16xf32>,
        %parallel_loop3A_602 = vector.shape_cast %parallel_loop3A_601 : vector<1x16xf32> to vector<16xf32>
        %parallel_loop3A_603 = arith.addf %parallel_loop3A_563, %parallel_loop3A_602 : vector<16xf32>
        %parallel_loop3A_604 = arith.index_cast %parallel_loop3A_568 : i32 to index
        %parallel_loop3A_605 = arith.constant 112 : index
        %parallel_loop3A_606 = tpu.vector_load %arg9[%parallel_loop3A_604, %parallel_loop3A_605] {strides = array<i32>} : memref<100x128xf32, #tpu.memory_space<vmem>>, vector<1x16xf32>,
        %parallel_loop3A_607 = vector.shape_cast %parallel_loop3A_606 : vector<1x16xf32> to vector<16xf32>
        %parallel_loop3A_608 = arith.addf %parallel_loop3A_564, %parallel_loop3A_607 : vector<16xf32>
        %parallel_loop3A_609 = arith.constant 4 : i32
        %parallel_loop3A_610 = arith.muli %parallel_loop3A_556, %parallel_loop3A_609 : i32
        %parallel_loop3A_611 = arith.constant 1 : i32
        %parallel_loop3A_612 = arith.addi %parallel_loop3A_610, %parallel_loop3A_611 : i32
        %parallel_loop3A_613 = arith.index_cast %parallel_loop3A_612 : i32 to index
        %parallel_loop3A_614 = arith.constant 0 : index
        %parallel_loop3A_615 = tpu.vector_load %arg9[%parallel_loop3A_613, %parallel_loop3A_614] {strides = array<i32>} : memref<100x128xf32, #tpu.memory_space<vmem>>, vector<1x16xf32>,
        %parallel_loop3A_616 = vector.shape_cast %parallel_loop3A_615 : vector<1x16xf32> to vector<16xf32>
        %parallel_loop3A_617 = arith.addf %parallel_loop3A_573, %parallel_loop3A_616 : vector<16xf32>
        %parallel_loop3A_618 = arith.index_cast %parallel_loop3A_612 : i32 to index
        %parallel_loop3A_619 = arith.constant 16 : index
        %parallel_loop3A_620 = tpu.vector_load %arg9[%parallel_loop3A_618, %parallel_loop3A_619] {strides = array<i32>} : memref<100x128xf32, #tpu.memory_space<vmem>>, vector<1x16xf32>,
        %parallel_loop3A_621 = vector.shape_cast %parallel_loop3A_620 : vector<1x16xf32> to vector<16xf32>
        %parallel_loop3A_622 = arith.addf %parallel_loop3A_578, %parallel_loop3A_621 : vector<16xf32>
        %parallel_loop3A_623 = arith.index_cast %parallel_loop3A_612 : i32 to index
        %parallel_loop3A_624 = arith.constant 32 : index
        %parallel_loop3A_625 = tpu.vector_load %arg9[%parallel_loop3A_623, %parallel_loop3A_624] {strides = array<i32>} : memref<100x128xf32, #tpu.memory_space<vmem>>, vector<1x16xf32>,
        %parallel_loop3A_626 = vector.shape_cast %parallel_loop3A_625 : vector<1x16xf32> to vector<16xf32>
        %parallel_loop3A_627 = arith.addf %parallel_loop3A_583, %parallel_loop3A_626 : vector<16xf32>
        %parallel_loop3A_628 = arith.index_cast %parallel_loop3A_612 : i32 to index
        %parallel_loop3A_629 = arith.constant 48 : index
        %parallel_loop3A_630 = tpu.vector_load %arg9[%parallel_loop3A_628, %parallel_loop3A_629] {strides = array<i32>} : memref<100x128xf32, #tpu.memory_space<vmem>>, vector<1x16xf32>,
        %parallel_loop3A_631 = vector.shape_cast %parallel_loop3A_630 : vector<1x16xf32> to vector<16xf32>
        %parallel_loop3A_632 = arith.addf %parallel_loop3A_588, %parallel_loop3A_631 : vector<16xf32>
        %parallel_loop3A_633 = arith.index_cast %parallel_loop3A_612 : i32 to index
        %parallel_loop3A_634 = arith.constant 64 : index
        %parallel_loop3A_635 = tpu.vector_load %arg9[%parallel_loop3A_633, %parallel_loop3A_634] {strides = array<i32>} : memref<100x128xf32, #tpu.memory_space<vmem>>, vector<1x16xf32>,
        %parallel_loop3A_636 = vector.shape_cast %parallel_loop3A_635 : vector<1x16xf32> to vector<16xf32>
        %parallel_loop3A_637 = arith.addf %parallel_loop3A_593, %parallel_loop3A_636 : vector<16xf32>
        %parallel_loop3A_638 = arith.index_cast %parallel_loop3A_612 : i32 to index
        %parallel_loop3A_639 = arith.constant 80 : index
        %parallel_loop3A_640 = tpu.vector_load %arg9[%parallel_loop3A_638, %parallel_loop3A_639] {strides = array<i32>} : memref<100x128xf32, #tpu.memory_space<vmem>>, vector<1x16xf32>,
        %parallel_loop3A_641 = vector.shape_cast %parallel_loop3A_640 : vector<1x16xf32> to vector<16xf32>
        %parallel_loop3A_642 = arith.addf %parallel_loop3A_598, %parallel_loop3A_641 : vector<16xf32>
        %parallel_loop3A_643 = arith.index_cast %parallel_loop3A_612 : i32 to index
        %parallel_loop3A_644 = arith.constant 96 : index
        %parallel_loop3A_645 = tpu.vector_load %arg9[%parallel_loop3A_643, %parallel_loop3A_644] {strides = array<i32>} : memref<100x128xf32, #tpu.memory_space<vmem>>, vector<1x16xf32>,
        %parallel_loop3A_646 = vector.shape_cast %parallel_loop3A_645 : vector<1x16xf32> to vector<16xf32>
        %parallel_loop3A_647 = arith.addf %parallel_loop3A_603, %parallel_loop3A_646 : vector<16xf32>
        %parallel_loop3A_648 = arith.index_cast %parallel_loop3A_612 : i32 to index
        %parallel_loop3A_649 = arith.constant 112 : index
        %parallel_loop3A_650 = tpu.vector_load %arg9[%parallel_loop3A_648, %parallel_loop3A_649] {strides = array<i32>} : memref<100x128xf32, #tpu.memory_space<vmem>>, vector<1x16xf32>,
        %parallel_loop3A_651 = vector.shape_cast %parallel_loop3A_650 : vector<1x16xf32> to vector<16xf32>
        %parallel_loop3A_652 = arith.addf %parallel_loop3A_608, %parallel_loop3A_651 : vector<16xf32>
        %parallel_loop3A_653 = arith.constant 4 : i32
        %parallel_loop3A_654 = arith.muli %parallel_loop3A_556, %parallel_loop3A_653 : i32
        %parallel_loop3A_655 = arith.constant 2 : i32
        %parallel_loop3A_656 = arith.addi %parallel_loop3A_654, %parallel_loop3A_655 : i32
        %parallel_loop3A_657 = arith.index_cast %parallel_loop3A_656 : i32 to index
        %parallel_loop3A_658 = arith.constant 0 : index
        %parallel_loop3A_659 = tpu.vector_load %arg9[%parallel_loop3A_657, %parallel_loop3A_658] {strides = array<i32>} : memref<100x128xf32, #tpu.memory_space<vmem>>, vector<1x16xf32>,
        %parallel_loop3A_660 = vector.shape_cast %parallel_loop3A_659 : vector<1x16xf32> to vector<16xf32>
        %parallel_loop3A_661 = arith.addf %parallel_loop3A_617, %parallel_loop3A_660 : vector<16xf32>
        %parallel_loop3A_662 = arith.index_cast %parallel_loop3A_656 : i32 to index
        %parallel_loop3A_663 = arith.constant 16 : index
        %parallel_loop3A_664 = tpu.vector_load %arg9[%parallel_loop3A_662, %parallel_loop3A_663] {strides = array<i32>} : memref<100x128xf32, #tpu.memory_space<vmem>>, vector<1x16xf32>,
        %parallel_loop3A_665 = vector.shape_cast %parallel_loop3A_664 : vector<1x16xf32> to vector<16xf32>
        %parallel_loop3A_666 = arith.addf %parallel_loop3A_622, %parallel_loop3A_665 : vector<16xf32>
        %parallel_loop3A_667 = arith.index_cast %parallel_loop3A_656 : i32 to index
        %parallel_loop3A_668 = arith.constant 32 : index
        %parallel_loop3A_669 = tpu.vector_load %arg9[%parallel_loop3A_667, %parallel_loop3A_668] {strides = array<i32>} : memref<100x128xf32, #tpu.memory_space<vmem>>, vector<1x16xf32>,
        %parallel_loop3A_670 = vector.shape_cast %parallel_loop3A_669 : vector<1x16xf32> to vector<16xf32>
        %parallel_loop3A_671 = arith.addf %parallel_loop3A_627, %parallel_loop3A_670 : vector<16xf32>
        %parallel_loop3A_672 = arith.index_cast %parallel_loop3A_656 : i32 to index
        %parallel_loop3A_673 = arith.constant 48 : index
        %parallel_loop3A_674 = tpu.vector_load %arg9[%parallel_loop3A_672, %parallel_loop3A_673] {strides = array<i32>} : memref<100x128xf32, #tpu.memory_space<vmem>>, vector<1x16xf32>,
        %parallel_loop3A_675 = vector.shape_cast %parallel_loop3A_674 : vector<1x16xf32> to vector<16xf32>
        %parallel_loop3A_676 = arith.addf %parallel_loop3A_632, %parallel_loop3A_675 : vector<16xf32>
        %parallel_loop3A_677 = arith.index_cast %parallel_loop3A_656 : i32 to index
        %parallel_loop3A_678 = arith.constant 64 : index
        %parallel_loop3A_679 = tpu.vector_load %arg9[%parallel_loop3A_677, %parallel_loop3A_678] {strides = array<i32>} : memref<100x128xf32, #tpu.memory_space<vmem>>, vector<1x16xf32>,
        %parallel_loop3A_680 = vector.shape_cast %parallel_loop3A_679 : vector<1x16xf32> to vector<16xf32>
        %parallel_loop3A_681 = arith.addf %parallel_loop3A_637, %parallel_loop3A_680 : vector<16xf32>
        %parallel_loop3A_682 = arith.index_cast %parallel_loop3A_656 : i32 to index
        %parallel_loop3A_683 = arith.constant 80 : index
        %parallel_loop3A_684 = tpu.vector_load %arg9[%parallel_loop3A_682, %parallel_loop3A_683] {strides = array<i32>} : memref<100x128xf32, #tpu.memory_space<vmem>>, vector<1x16xf32>,
        %parallel_loop3A_685 = vector.shape_cast %parallel_loop3A_684 : vector<1x16xf32> to vector<16xf32>
        %parallel_loop3A_686 = arith.addf %parallel_loop3A_642, %parallel_loop3A_685 : vector<16xf32>
        %parallel_loop3A_687 = arith.index_cast %parallel_loop3A_656 : i32 to index
        %parallel_loop3A_688 = arith.constant 96 : index
        %parallel_loop3A_689 = tpu.vector_load %arg9[%parallel_loop3A_687, %parallel_loop3A_688] {strides = array<i32>} : memref<100x128xf32, #tpu.memory_space<vmem>>, vector<1x16xf32>,
        %parallel_loop3A_690 = vector.shape_cast %parallel_loop3A_689 : vector<1x16xf32> to vector<16xf32>
        %parallel_loop3A_691 = arith.addf %parallel_loop3A_647, %parallel_loop3A_690 : vector<16xf32>
        %parallel_loop3A_692 = arith.index_cast %parallel_loop3A_656 : i32 to index
        %parallel_loop3A_693 = arith.constant 112 : index
        %parallel_loop3A_694 = tpu.vector_load %arg9[%parallel_loop3A_692, %parallel_loop3A_693] {strides = array<i32>} : memref<100x128xf32, #tpu.memory_space<vmem>>, vector<1x16xf32>,
        %parallel_loop3A_695 = vector.shape_cast %parallel_loop3A_694 : vector<1x16xf32> to vector<16xf32>
        %parallel_loop3A_696 = arith.addf %parallel_loop3A_652, %parallel_loop3A_695 : vector<16xf32>
        %parallel_loop3A_697 = arith.constant 4 : i32
        %parallel_loop3A_698 = arith.muli %parallel_loop3A_556, %parallel_loop3A_697 : i32
        %parallel_loop3A_699 = arith.constant 3 : i32
        %parallel_loop3A_700 = arith.addi %parallel_loop3A_698, %parallel_loop3A_699 : i32
        %parallel_loop3A_701 = arith.index_cast %parallel_loop3A_700 : i32 to index
        %parallel_loop3A_702 = arith.constant 0 : index
        %parallel_loop3A_703 = tpu.vector_load %arg9[%parallel_loop3A_701, %parallel_loop3A_702] {strides = array<i32>} : memref<100x128xf32, #tpu.memory_space<vmem>>, vector<1x16xf32>,
        %parallel_loop3A_704 = vector.shape_cast %parallel_loop3A_703 : vector<1x16xf32> to vector<16xf32>
        %parallel_loop3A_705 = arith.addf %parallel_loop3A_661, %parallel_loop3A_704 : vector<16xf32>
        %parallel_loop3A_706 = arith.index_cast %parallel_loop3A_700 : i32 to index
        %parallel_loop3A_707 = arith.constant 16 : index
        %parallel_loop3A_708 = tpu.vector_load %arg9[%parallel_loop3A_706, %parallel_loop3A_707] {strides = array<i32>} : memref<100x128xf32, #tpu.memory_space<vmem>>, vector<1x16xf32>,
        %parallel_loop3A_709 = vector.shape_cast %parallel_loop3A_708 : vector<1x16xf32> to vector<16xf32>
        %parallel_loop3A_710 = arith.addf %parallel_loop3A_666, %parallel_loop3A_709 : vector<16xf32>
        %parallel_loop3A_711 = arith.index_cast %parallel_loop3A_700 : i32 to index
        %parallel_loop3A_712 = arith.constant 32 : index
        %parallel_loop3A_713 = tpu.vector_load %arg9[%parallel_loop3A_711, %parallel_loop3A_712] {strides = array<i32>} : memref<100x128xf32, #tpu.memory_space<vmem>>, vector<1x16xf32>,
        %parallel_loop3A_714 = vector.shape_cast %parallel_loop3A_713 : vector<1x16xf32> to vector<16xf32>
        %parallel_loop3A_715 = arith.addf %parallel_loop3A_671, %parallel_loop3A_714 : vector<16xf32>
        %parallel_loop3A_716 = arith.index_cast %parallel_loop3A_700 : i32 to index
        %parallel_loop3A_717 = arith.constant 48 : index
        %parallel_loop3A_718 = tpu.vector_load %arg9[%parallel_loop3A_716, %parallel_loop3A_717] {strides = array<i32>} : memref<100x128xf32, #tpu.memory_space<vmem>>, vector<1x16xf32>,
        %parallel_loop3A_719 = vector.shape_cast %parallel_loop3A_718 : vector<1x16xf32> to vector<16xf32>
        %parallel_loop3A_720 = arith.addf %parallel_loop3A_676, %parallel_loop3A_719 : vector<16xf32>
        %parallel_loop3A_721 = arith.index_cast %parallel_loop3A_700 : i32 to index
        %parallel_loop3A_722 = arith.constant 64 : index
        %parallel_loop3A_723 = tpu.vector_load %arg9[%parallel_loop3A_721, %parallel_loop3A_722] {strides = array<i32>} : memref<100x128xf32, #tpu.memory_space<vmem>>, vector<1x16xf32>,
        %parallel_loop3A_724 = vector.shape_cast %parallel_loop3A_723 : vector<1x16xf32> to vector<16xf32>
        %parallel_loop3A_725 = arith.addf %parallel_loop3A_681, %parallel_loop3A_724 : vector<16xf32>
        %parallel_loop3A_726 = arith.index_cast %parallel_loop3A_700 : i32 to index
        %parallel_loop3A_727 = arith.constant 80 : index
        %parallel_loop3A_728 = tpu.vector_load %arg9[%parallel_loop3A_726, %parallel_loop3A_727] {strides = array<i32>} : memref<100x128xf32, #tpu.memory_space<vmem>>, vector<1x16xf32>,
        %parallel_loop3A_729 = vector.shape_cast %parallel_loop3A_728 : vector<1x16xf32> to vector<16xf32>
        %parallel_loop3A_730 = arith.addf %parallel_loop3A_686, %parallel_loop3A_729 : vector<16xf32>
        %parallel_loop3A_731 = arith.index_cast %parallel_loop3A_700 : i32 to index
        %parallel_loop3A_732 = arith.constant 96 : index
        %parallel_loop3A_733 = tpu.vector_load %arg9[%parallel_loop3A_731, %parallel_loop3A_732] {strides = array<i32>} : memref<100x128xf32, #tpu.memory_space<vmem>>, vector<1x16xf32>,
        %parallel_loop3A_734 = vector.shape_cast %parallel_loop3A_733 : vector<1x16xf32> to vector<16xf32>
        %parallel_loop3A_735 = arith.addf %parallel_loop3A_691, %parallel_loop3A_734 : vector<16xf32>
        %parallel_loop3A_736 = arith.index_cast %parallel_loop3A_700 : i32 to index
        %parallel_loop3A_737 = arith.constant 112 : index
        %parallel_loop3A_738 = tpu.vector_load %arg9[%parallel_loop3A_736, %parallel_loop3A_737] {strides = array<i32>} : memref<100x128xf32, #tpu.memory_space<vmem>>, vector<1x16xf32>,
        %parallel_loop3A_739 = vector.shape_cast %parallel_loop3A_738 : vector<1x16xf32> to vector<16xf32>
        %parallel_loop3A_740 = arith.addf %parallel_loop3A_696, %parallel_loop3A_739 : vector<16xf32>
        scf.yield %parallel_loop3A_705, %parallel_loop3A_710, %parallel_loop3A_715, %parallel_loop3A_720, %parallel_loop3A_725, %parallel_loop3A_730, %parallel_loop3A_735, %parallel_loop3A_740 : vector<16xf32>, vector<16xf32>, vector<16xf32>, vector<16xf32>, vector<16xf32>, vector<16xf32>, vector<16xf32>, vector<16xf32>
      } {sc.loop_unroll_factor = 1 : i64, sc.parallel_access}
      %add3A_240 = arith.constant 1 : i32
      %add3A_241 = arith.addi %scan3A_72, %add3A_240 : i32
      %lt3A_242 = arith.constant 8 : i32
      %lt3A_243 = arith.cmpi slt, %add3A_241, %lt3A_242 : i32
      %convert_element_type3A_244 = arith.extui %lt3A_243 : i1 to i32
      %cond3A_245 = arith.constant 0 : i32
      %cond3A_246 = arith.cmpi ne, %convert_element_type3A_244, %cond3A_245 : i32
      scf.if %cond3A_246 {
        %add3A_556 = arith.constant 1 : i32
        %add3A_557 = arith.addi %scan3A_72, %add3A_556 : i32
        %mul3A_558 = arith.constant 4 : i32
        %mul3A_559 = arith.muli %add3A_557, %mul3A_558 : i32
        %add3A_560 = arith.constant 1 : i32
        %add3A_561 = arith.addi %mul3A_559, %add3A_560 : i32
        %dma_start3A_562 = arith.constant 1 : i32
        %dma_start3A_563 = arith.constant 0 : i32
        %dma_start3A_564 = tpu.memref_slice %arg5[%add3A_561, %dma_start3A_562, %dma_start3A_563] : memref<32x2x100xi32, #tpu.memory_space<vmem>> -> memref<1x1x100xi32, #tpu.memory_space<vmem>>
        %dma_start3A_565 = tpu.memref_squeeze %dma_start3A_564 : memref<1x1x100xi32, #tpu.memory_space<vmem>> -> memref<100xi32, #tpu.memory_space<vmem>>
        %dma_start3A_566 = arith.constant 0 : i32
        %dma_start3A_567 = arith.constant 0 : i32
        %dma_start3A_568 = tpu.memref_slice %arg3[%dma_start3A_566, %dma_start3A_567] : memref<100000x128xf32, #tpu.memory_space<hbm>> -> memref<100000x128xf32, #tpu.memory_space<hbm>>
        tpu.enqueue_indirect_dma source(%dma_start3A_568 : memref<100000x128xf32, #tpu.memory_space<hbm>>) target(%arg9 : memref<100x128xf32, #tpu.memory_space<vmem>>) offsets(%dma_start3A_565 : memref<100xi32, #tpu.memory_space<vmem>>) semaphore(%arg18 : memref<!tpu.dma_semaphore, #tpu.memory_space<semaphore_mem>>)
      } else {
      }
      %mul3A_247 = arith.constant 5.000000e-03 : f32
      %mul3A_248 = vector.broadcast %mul3A_247 : f32 to vector<16xf32>
      %mul3A_249 = arith.mulf %parallel_loop3A_239#0, %mul3A_248 : vector<16xf32>
      %swap3A_250 = arith.index_cast %add3A_192 : i32 to index
      %swap3A_251 = arith.constant 0 : index
      %swap3A_252 = tpu.vector_load %arg14[%swap3A_250, %swap3A_251] {strides = array<i32>} : memref<32x128xf32, #tpu.memory_space<vmem>>, vector<1x16xf32>,
      %swap3A_253 = vector.shape_cast %swap3A_252 : vector<1x16xf32> to vector<16xf32>
      %swap3A_254 = vector.shape_cast %mul3A_249 : vector<16xf32> to vector<1x16xf32>
      tpu.vector_store %arg14[%swap3A_250, %swap3A_251], %swap3A_254 {strides = array<i32>} : memref<32x128xf32, #tpu.memory_space<vmem>>, vector<1x16xf32>,
      %mul3A_255 = arith.constant 5.000000e-03 : f32
      %mul3A_256 = vector.broadcast %mul3A_255 : f32 to vector<16xf32>
      %mul3A_257 = arith.mulf %parallel_loop3A_239#1, %mul3A_256 : vector<16xf32>
      %swap3A_258 = arith.index_cast %add3A_192 : i32 to index
      %swap3A_259 = arith.constant 16 : index
      %swap3A_260 = tpu.vector_load %arg14[%swap3A_258, %swap3A_259] {strides = array<i32>} : memref<32x128xf32, #tpu.memory_space<vmem>>, vector<1x16xf32>,
      %swap3A_261 = vector.shape_cast %swap3A_260 : vector<1x16xf32> to vector<16xf32>
      %swap3A_262 = vector.shape_cast %mul3A_257 : vector<16xf32> to vector<1x16xf32>
      tpu.vector_store %arg14[%swap3A_258, %swap3A_259], %swap3A_262 {strides = array<i32>} : memref<32x128xf32, #tpu.memory_space<vmem>>, vector<1x16xf32>,
      %mul3A_263 = arith.constant 5.000000e-03 : f32
      %mul3A_264 = vector.broadcast %mul3A_263 : f32 to vector<16xf32>
      %mul3A_265 = arith.mulf %parallel_loop3A_239#2, %mul3A_264 : vector<16xf32>
      %swap3A_266 = arith.index_cast %add3A_192 : i32 to index
      %swap3A_267 = arith.constant 32 : index
      %swap3A_268 = tpu.vector_load %arg14[%swap3A_266, %swap3A_267] {strides = array<i32>} : memref<32x128xf32, #tpu.memory_space<vmem>>, vector<1x16xf32>,
      %swap3A_269 = vector.shape_cast %swap3A_268 : vector<1x16xf32> to vector<16xf32>
      %swap3A_270 = vector.shape_cast %mul3A_265 : vector<16xf32> to vector<1x16xf32>
      tpu.vector_store %arg14[%swap3A_266, %swap3A_267], %swap3A_270 {strides = array<i32>} : memref<32x128xf32, #tpu.memory_space<vmem>>, vector<1x16xf32>,
      %mul3A_271 = arith.constant 5.000000e-03 : f32
      %mul3A_272 = vector.broadcast %mul3A_271 : f32 to vector<16xf32>
      %mul3A_273 = arith.mulf %parallel_loop3A_239#3, %mul3A_272 : vector<16xf32>
      %swap3A_274 = arith.index_cast %add3A_192 : i32 to index
      %swap3A_275 = arith.constant 48 : index
      %swap3A_276 = tpu.vector_load %arg14[%swap3A_274, %swap3A_275] {strides = array<i32>} : memref<32x128xf32, #tpu.memory_space<vmem>>, vector<1x16xf32>,
      %swap3A_277 = vector.shape_cast %swap3A_276 : vector<1x16xf32> to vector<16xf32>
      %swap3A_278 = vector.shape_cast %mul3A_273 : vector<16xf32> to vector<1x16xf32>
      tpu.vector_store %arg14[%swap3A_274, %swap3A_275], %swap3A_278 {strides = array<i32>} : memref<32x128xf32, #tpu.memory_space<vmem>>, vector<1x16xf32>,
      %mul3A_279 = arith.constant 5.000000e-03 : f32
      %mul3A_280 = vector.broadcast %mul3A_279 : f32 to vector<16xf32>
      %mul3A_281 = arith.mulf %parallel_loop3A_239#4, %mul3A_280 : vector<16xf32>
      %swap3A_282 = arith.index_cast %add3A_192 : i32 to index
      %swap3A_283 = arith.constant 64 : index
      %swap3A_284 = tpu.vector_load %arg14[%swap3A_282, %swap3A_283] {strides = array<i32>} : memref<32x128xf32, #tpu.memory_space<vmem>>, vector<1x16xf32>,
      %swap3A_285 = vector.shape_cast %swap3A_284 : vector<1x16xf32> to vector<16xf32>
      %swap3A_286 = vector.shape_cast %mul3A_281 : vector<16xf32> to vector<1x16xf32>
      tpu.vector_store %arg14[%swap3A_282, %swap3A_283], %swap3A_286 {strides = array<i32>} : memref<32x128xf32, #tpu.memory_space<vmem>>, vector<1x16xf32>,
      %mul3A_287 = arith.constant 5.000000e-03 : f32
      %mul3A_288 = vector.broadcast %mul3A_287 : f32 to vector<16xf32>
      %mul3A_289 = arith.mulf %parallel_loop3A_239#5, %mul3A_288 : vector<16xf32>
      %swap3A_290 = arith.index_cast %add3A_192 : i32 to index
      %swap3A_291 = arith.constant 80 : index
      %swap3A_292 = tpu.vector_load %arg14[%swap3A_290, %swap3A_291] {strides = array<i32>} : memref<32x128xf32, #tpu.memory_space<vmem>>, vector<1x16xf32>,
      %swap3A_293 = vector.shape_cast %swap3A_292 : vector<1x16xf32> to vector<16xf32>
      %swap3A_294 = vector.shape_cast %mul3A_289 : vector<16xf32> to vector<1x16xf32>
      tpu.vector_store %arg14[%swap3A_290, %swap3A_291], %swap3A_294 {strides = array<i32>} : memref<32x128xf32, #tpu.memory_space<vmem>>, vector<1x16xf32>,
      %mul3A_295 = arith.constant 5.000000e-03 : f32
      %mul3A_296 = vector.broadcast %mul3A_295 : f32 to vector<16xf32>
      %mul3A_297 = arith.mulf %parallel_loop3A_239#6, %mul3A_296 : vector<16xf32>
      %swap3A_298 = arith.index_cast %add3A_192 : i32 to index
      %swap3A_299 = arith.constant 96 : index
      %swap3A_300 = tpu.vector_load %arg14[%swap3A_298, %swap3A_299] {strides = array<i32>} : memref<32x128xf32, #tpu.memory_space<vmem>>, vector<1x16xf32>,
      %swap3A_301 = vector.shape_cast %swap3A_300 : vector<1x16xf32> to vector<16xf32>
      %swap3A_302 = vector.shape_cast %mul3A_297 : vector<16xf32> to vector<1x16xf32>
      tpu.vector_store %arg14[%swap3A_298, %swap3A_299], %swap3A_302 {strides = array<i32>} : memref<32x128xf32, #tpu.memory_space<vmem>>, vector<1x16xf32>,
      %mul3A_303 = arith.constant 5.000000e-03 : f32
      %mul3A_304 = vector.broadcast %mul3A_303 : f32 to vector<16xf32>
      %mul3A_305 = arith.mulf %parallel_loop3A_239#7, %mul3A_304 : vector<16xf32>
      %swap3A_306 = arith.index_cast %add3A_192 : i32 to index
      %swap3A_307 = arith.constant 112 : index
      %swap3A_308 = tpu.vector_load %arg14[%swap3A_306, %swap3A_307] {strides = array<i32>} : memref<32x128xf32, #tpu.memory_space<vmem>>, vector<1x16xf32>,
      %swap3A_309 = vector.shape_cast %swap3A_308 : vector<1x16xf32> to vector<16xf32>
      %swap3A_310 = vector.shape_cast %mul3A_305 : vector<16xf32> to vector<1x16xf32>
      tpu.vector_store %arg14[%swap3A_306, %swap3A_307], %swap3A_310 {strides = array<i32>} : memref<32x128xf32, #tpu.memory_space<vmem>>, vector<1x16xf32>,
      %mul3A_311 = arith.constant 4 : i32
      %mul3A_312 = arith.muli %scan3A_72, %mul3A_311 : i32
      %add3A_313 = arith.constant 2 : i32
      %add3A_314 = arith.addi %mul3A_312, %add3A_313 : i32
      %broadcast_in_dim3A_315 = arith.constant 0.000000e+00 : f32
      %broadcast_in_dim3A_316 = vector.broadcast %broadcast_in_dim3A_315 : f32 to vector<16xf32>
      %broadcast_in_dim3A_317 = arith.constant 0.000000e+00 : f32
      %broadcast_in_dim3A_318 = vector.broadcast %broadcast_in_dim3A_317 : f32 to vector<16xf32>
      %broadcast_in_dim3A_319 = arith.constant 0.000000e+00 : f32
      %broadcast_in_dim3A_320 = vector.broadcast %broadcast_in_dim3A_319 : f32 to vector<16xf32>
      %broadcast_in_dim3A_321 = arith.constant 0.000000e+00 : f32
      %broadcast_in_dim3A_322 = vector.broadcast %broadcast_in_dim3A_321 : f32 to vector<16xf32>
      %broadcast_in_dim3A_323 = arith.constant 0.000000e+00 : f32
      %broadcast_in_dim3A_324 = vector.broadcast %broadcast_in_dim3A_323 : f32 to vector<16xf32>
      %broadcast_in_dim3A_325 = arith.constant 0.000000e+00 : f32
      %broadcast_in_dim3A_326 = vector.broadcast %broadcast_in_dim3A_325 : f32 to vector<16xf32>
      %broadcast_in_dim3A_327 = arith.constant 0.000000e+00 : f32
      %broadcast_in_dim3A_328 = vector.broadcast %broadcast_in_dim3A_327 : f32 to vector<16xf32>
      %broadcast_in_dim3A_329 = arith.constant 0.000000e+00 : f32
      %broadcast_in_dim3A_330 = vector.broadcast %broadcast_in_dim3A_329 : f32 to vector<16xf32>
      %dma_wait3A_331 = arith.constant 0 : i32
      %dma_wait3A_332 = arith.constant 0 : i32
      %dma_wait3A_333 = arith.constant 0 : i32
      %dma_wait3A_334 = tpu.memref_slice %arg5[%dma_wait3A_331, %dma_wait3A_332, %dma_wait3A_333] : memref<32x2x100xi32, #tpu.memory_space<vmem>> -> memref<1x1x100xi32, #tpu.memory_space<vmem>>
      %dma_wait3A_335 = tpu.memref_squeeze %dma_wait3A_334 : memref<1x1x100xi32, #tpu.memory_space<vmem>> -> memref<100xi32, #tpu.memory_space<vmem>>
      %dma_wait3A_336 = arith.constant 0 : i32
      %dma_wait3A_337 = arith.constant 0 : i32
      %dma_wait3A_338 = tpu.memref_slice %arg3[%dma_wait3A_336, %dma_wait3A_337] : memref<100000x128xf32, #tpu.memory_space<hbm>> -> memref<100000x128xf32, #tpu.memory_space<hbm>>
      tpu.wait_indirect_dma semaphore(%arg19 : memref<!tpu.dma_semaphore, #tpu.memory_space<semaphore_mem>>) src(%dma_wait3A_338 : memref<100000x128xf32, #tpu.memory_space<hbm>>) dst(%arg10 : memref<100x128xf32, #tpu.memory_space<vmem>>)
      %parallel_loop3A_339 = arith.constant 0 : i32
      %parallel_loop3A_340 = arith.constant 25 : i32
      %parallel_loop3A_341 = arith.constant 1 : i32
      %parallel_loop3A_342:8 = scf.for %parallel_loop3A_556 = %parallel_loop3A_339 to %parallel_loop3A_340 step %parallel_loop3A_341 iter_args(%parallel_loop3A_557 = %broadcast_in_dim3A_316, %parallel_loop3A_558 = %broadcast_in_dim3A_318, %parallel_loop3A_559 = %broadcast_in_dim3A_320, %parallel_loop3A_560 = %broadcast_in_dim3A_322, %parallel_loop3A_561 = %broadcast_in_dim3A_324, %parallel_loop3A_562 = %broadcast_in_dim3A_326, %parallel_loop3A_563 = %broadcast_in_dim3A_328, %parallel_loop3A_564 = %broadcast_in_dim3A_330) -> (vector<16xf32>, vector<16xf32>, vector<16xf32>, vector<16xf32>, vector<16xf32>, vector<16xf32>, vector<16xf32>, vector<16xf32>)  : i32 {
        %parallel_loop3A_565 = arith.constant 4 : i32
        %parallel_loop3A_566 = arith.muli %parallel_loop3A_556, %parallel_loop3A_565 : i32
        %parallel_loop3A_567 = arith.constant 0 : i32
        %parallel_loop3A_568 = arith.addi %parallel_loop3A_566, %parallel_loop3A_567 : i32
        %parallel_loop3A_569 = arith.index_cast %parallel_loop3A_568 : i32 to index
        %parallel_loop3A_570 = arith.constant 0 : index
        %parallel_loop3A_571 = tpu.vector_load %arg10[%parallel_loop3A_569, %parallel_loop3A_570] {strides = array<i32>} : memref<100x128xf32, #tpu.memory_space<vmem>>, vector<1x16xf32>,
        %parallel_loop3A_572 = vector.shape_cast %parallel_loop3A_571 : vector<1x16xf32> to vector<16xf32>
        %parallel_loop3A_573 = arith.addf %parallel_loop3A_557, %parallel_loop3A_572 : vector<16xf32>
        %parallel_loop3A_574 = arith.index_cast %parallel_loop3A_568 : i32 to index
        %parallel_loop3A_575 = arith.constant 16 : index
        %parallel_loop3A_576 = tpu.vector_load %arg10[%parallel_loop3A_574, %parallel_loop3A_575] {strides = array<i32>} : memref<100x128xf32, #tpu.memory_space<vmem>>, vector<1x16xf32>,
        %parallel_loop3A_577 = vector.shape_cast %parallel_loop3A_576 : vector<1x16xf32> to vector<16xf32>
        %parallel_loop3A_578 = arith.addf %parallel_loop3A_558, %parallel_loop3A_577 : vector<16xf32>
        %parallel_loop3A_579 = arith.index_cast %parallel_loop3A_568 : i32 to index
        %parallel_loop3A_580 = arith.constant 32 : index
        %parallel_loop3A_581 = tpu.vector_load %arg10[%parallel_loop3A_579, %parallel_loop3A_580] {strides = array<i32>} : memref<100x128xf32, #tpu.memory_space<vmem>>, vector<1x16xf32>,
        %parallel_loop3A_582 = vector.shape_cast %parallel_loop3A_581 : vector<1x16xf32> to vector<16xf32>
        %parallel_loop3A_583 = arith.addf %parallel_loop3A_559, %parallel_loop3A_582 : vector<16xf32>
        %parallel_loop3A_584 = arith.index_cast %parallel_loop3A_568 : i32 to index
        %parallel_loop3A_585 = arith.constant 48 : index
        %parallel_loop3A_586 = tpu.vector_load %arg10[%parallel_loop3A_584, %parallel_loop3A_585] {strides = array<i32>} : memref<100x128xf32, #tpu.memory_space<vmem>>, vector<1x16xf32>,
        %parallel_loop3A_587 = vector.shape_cast %parallel_loop3A_586 : vector<1x16xf32> to vector<16xf32>
        %parallel_loop3A_588 = arith.addf %parallel_loop3A_560, %parallel_loop3A_587 : vector<16xf32>
        %parallel_loop3A_589 = arith.index_cast %parallel_loop3A_568 : i32 to index
        %parallel_loop3A_590 = arith.constant 64 : index
        %parallel_loop3A_591 = tpu.vector_load %arg10[%parallel_loop3A_589, %parallel_loop3A_590] {strides = array<i32>} : memref<100x128xf32, #tpu.memory_space<vmem>>, vector<1x16xf32>,
        %parallel_loop3A_592 = vector.shape_cast %parallel_loop3A_591 : vector<1x16xf32> to vector<16xf32>
        %parallel_loop3A_593 = arith.addf %parallel_loop3A_561, %parallel_loop3A_592 : vector<16xf32>
        %parallel_loop3A_594 = arith.index_cast %parallel_loop3A_568 : i32 to index
        %parallel_loop3A_595 = arith.constant 80 : index
        %parallel_loop3A_596 = tpu.vector_load %arg10[%parallel_loop3A_594, %parallel_loop3A_595] {strides = array<i32>} : memref<100x128xf32, #tpu.memory_space<vmem>>, vector<1x16xf32>,
        %parallel_loop3A_597 = vector.shape_cast %parallel_loop3A_596 : vector<1x16xf32> to vector<16xf32>
        %parallel_loop3A_598 = arith.addf %parallel_loop3A_562, %parallel_loop3A_597 : vector<16xf32>
        %parallel_loop3A_599 = arith.index_cast %parallel_loop3A_568 : i32 to index
        %parallel_loop3A_600 = arith.constant 96 : index
        %parallel_loop3A_601 = tpu.vector_load %arg10[%parallel_loop3A_599, %parallel_loop3A_600] {strides = array<i32>} : memref<100x128xf32, #tpu.memory_space<vmem>>, vector<1x16xf32>,
        %parallel_loop3A_602 = vector.shape_cast %parallel_loop3A_601 : vector<1x16xf32> to vector<16xf32>
        %parallel_loop3A_603 = arith.addf %parallel_loop3A_563, %parallel_loop3A_602 : vector<16xf32>
        %parallel_loop3A_604 = arith.index_cast %parallel_loop3A_568 : i32 to index
        %parallel_loop3A_605 = arith.constant 112 : index
        %parallel_loop3A_606 = tpu.vector_load %arg10[%parallel_loop3A_604, %parallel_loop3A_605] {strides = array<i32>} : memref<100x128xf32, #tpu.memory_space<vmem>>, vector<1x16xf32>,
        %parallel_loop3A_607 = vector.shape_cast %parallel_loop3A_606 : vector<1x16xf32> to vector<16xf32>
        %parallel_loop3A_608 = arith.addf %parallel_loop3A_564, %parallel_loop3A_607 : vector<16xf32>
        %parallel_loop3A_609 = arith.constant 4 : i32
        %parallel_loop3A_610 = arith.muli %parallel_loop3A_556, %parallel_loop3A_609 : i32
        %parallel_loop3A_611 = arith.constant 1 : i32
        %parallel_loop3A_612 = arith.addi %parallel_loop3A_610, %parallel_loop3A_611 : i32
        %parallel_loop3A_613 = arith.index_cast %parallel_loop3A_612 : i32 to index
        %parallel_loop3A_614 = arith.constant 0 : index
        %parallel_loop3A_615 = tpu.vector_load %arg10[%parallel_loop3A_613, %parallel_loop3A_614] {strides = array<i32>} : memref<100x128xf32, #tpu.memory_space<vmem>>, vector<1x16xf32>,
        %parallel_loop3A_616 = vector.shape_cast %parallel_loop3A_615 : vector<1x16xf32> to vector<16xf32>
        %parallel_loop3A_617 = arith.addf %parallel_loop3A_573, %parallel_loop3A_616 : vector<16xf32>
        %parallel_loop3A_618 = arith.index_cast %parallel_loop3A_612 : i32 to index
        %parallel_loop3A_619 = arith.constant 16 : index
        %parallel_loop3A_620 = tpu.vector_load %arg10[%parallel_loop3A_618, %parallel_loop3A_619] {strides = array<i32>} : memref<100x128xf32, #tpu.memory_space<vmem>>, vector<1x16xf32>,
        %parallel_loop3A_621 = vector.shape_cast %parallel_loop3A_620 : vector<1x16xf32> to vector<16xf32>
        %parallel_loop3A_622 = arith.addf %parallel_loop3A_578, %parallel_loop3A_621 : vector<16xf32>
        %parallel_loop3A_623 = arith.index_cast %parallel_loop3A_612 : i32 to index
        %parallel_loop3A_624 = arith.constant 32 : index
        %parallel_loop3A_625 = tpu.vector_load %arg10[%parallel_loop3A_623, %parallel_loop3A_624] {strides = array<i32>} : memref<100x128xf32, #tpu.memory_space<vmem>>, vector<1x16xf32>,
        %parallel_loop3A_626 = vector.shape_cast %parallel_loop3A_625 : vector<1x16xf32> to vector<16xf32>
        %parallel_loop3A_627 = arith.addf %parallel_loop3A_583, %parallel_loop3A_626 : vector<16xf32>
        %parallel_loop3A_628 = arith.index_cast %parallel_loop3A_612 : i32 to index
        %parallel_loop3A_629 = arith.constant 48 : index
        %parallel_loop3A_630 = tpu.vector_load %arg10[%parallel_loop3A_628, %parallel_loop3A_629] {strides = array<i32>} : memref<100x128xf32, #tpu.memory_space<vmem>>, vector<1x16xf32>,
        %parallel_loop3A_631 = vector.shape_cast %parallel_loop3A_630 : vector<1x16xf32> to vector<16xf32>
        %parallel_loop3A_632 = arith.addf %parallel_loop3A_588, %parallel_loop3A_631 : vector<16xf32>
        %parallel_loop3A_633 = arith.index_cast %parallel_loop3A_612 : i32 to index
        %parallel_loop3A_634 = arith.constant 64 : index
        %parallel_loop3A_635 = tpu.vector_load %arg10[%parallel_loop3A_633, %parallel_loop3A_634] {strides = array<i32>} : memref<100x128xf32, #tpu.memory_space<vmem>>, vector<1x16xf32>,
        %parallel_loop3A_636 = vector.shape_cast %parallel_loop3A_635 : vector<1x16xf32> to vector<16xf32>
        %parallel_loop3A_637 = arith.addf %parallel_loop3A_593, %parallel_loop3A_636 : vector<16xf32>
        %parallel_loop3A_638 = arith.index_cast %parallel_loop3A_612 : i32 to index
        %parallel_loop3A_639 = arith.constant 80 : index
        %parallel_loop3A_640 = tpu.vector_load %arg10[%parallel_loop3A_638, %parallel_loop3A_639] {strides = array<i32>} : memref<100x128xf32, #tpu.memory_space<vmem>>, vector<1x16xf32>,
        %parallel_loop3A_641 = vector.shape_cast %parallel_loop3A_640 : vector<1x16xf32> to vector<16xf32>
        %parallel_loop3A_642 = arith.addf %parallel_loop3A_598, %parallel_loop3A_641 : vector<16xf32>
        %parallel_loop3A_643 = arith.index_cast %parallel_loop3A_612 : i32 to index
        %parallel_loop3A_644 = arith.constant 96 : index
        %parallel_loop3A_645 = tpu.vector_load %arg10[%parallel_loop3A_643, %parallel_loop3A_644] {strides = array<i32>} : memref<100x128xf32, #tpu.memory_space<vmem>>, vector<1x16xf32>,
        %parallel_loop3A_646 = vector.shape_cast %parallel_loop3A_645 : vector<1x16xf32> to vector<16xf32>
        %parallel_loop3A_647 = arith.addf %parallel_loop3A_603, %parallel_loop3A_646 : vector<16xf32>
        %parallel_loop3A_648 = arith.index_cast %parallel_loop3A_612 : i32 to index
        %parallel_loop3A_649 = arith.constant 112 : index
        %parallel_loop3A_650 = tpu.vector_load %arg10[%parallel_loop3A_648, %parallel_loop3A_649] {strides = array<i32>} : memref<100x128xf32, #tpu.memory_space<vmem>>, vector<1x16xf32>,
        %parallel_loop3A_651 = vector.shape_cast %parallel_loop3A_650 : vector<1x16xf32> to vector<16xf32>
        %parallel_loop3A_652 = arith.addf %parallel_loop3A_608, %parallel_loop3A_651 : vector<16xf32>
        %parallel_loop3A_653 = arith.constant 4 : i32
        %parallel_loop3A_654 = arith.muli %parallel_loop3A_556, %parallel_loop3A_653 : i32
        %parallel_loop3A_655 = arith.constant 2 : i32
        %parallel_loop3A_656 = arith.addi %parallel_loop3A_654, %parallel_loop3A_655 : i32
        %parallel_loop3A_657 = arith.index_cast %parallel_loop3A_656 : i32 to index
        %parallel_loop3A_658 = arith.constant 0 : index
        %parallel_loop3A_659 = tpu.vector_load %arg10[%parallel_loop3A_657, %parallel_loop3A_658] {strides = array<i32>} : memref<100x128xf32, #tpu.memory_space<vmem>>, vector<1x16xf32>,
        %parallel_loop3A_660 = vector.shape_cast %parallel_loop3A_659 : vector<1x16xf32> to vector<16xf32>
        %parallel_loop3A_661 = arith.addf %parallel_loop3A_617, %parallel_loop3A_660 : vector<16xf32>
        %parallel_loop3A_662 = arith.index_cast %parallel_loop3A_656 : i32 to index
        %parallel_loop3A_663 = arith.constant 16 : index
        %parallel_loop3A_664 = tpu.vector_load %arg10[%parallel_loop3A_662, %parallel_loop3A_663] {strides = array<i32>} : memref<100x128xf32, #tpu.memory_space<vmem>>, vector<1x16xf32>,
        %parallel_loop3A_665 = vector.shape_cast %parallel_loop3A_664 : vector<1x16xf32> to vector<16xf32>
        %parallel_loop3A_666 = arith.addf %parallel_loop3A_622, %parallel_loop3A_665 : vector<16xf32>
        %parallel_loop3A_667 = arith.index_cast %parallel_loop3A_656 : i32 to index
        %parallel_loop3A_668 = arith.constant 32 : index
        %parallel_loop3A_669 = tpu.vector_load %arg10[%parallel_loop3A_667, %parallel_loop3A_668] {strides = array<i32>} : memref<100x128xf32, #tpu.memory_space<vmem>>, vector<1x16xf32>,
        %parallel_loop3A_670 = vector.shape_cast %parallel_loop3A_669 : vector<1x16xf32> to vector<16xf32>
        %parallel_loop3A_671 = arith.addf %parallel_loop3A_627, %parallel_loop3A_670 : vector<16xf32>
        %parallel_loop3A_672 = arith.index_cast %parallel_loop3A_656 : i32 to index
        %parallel_loop3A_673 = arith.constant 48 : index
        %parallel_loop3A_674 = tpu.vector_load %arg10[%parallel_loop3A_672, %parallel_loop3A_673] {strides = array<i32>} : memref<100x128xf32, #tpu.memory_space<vmem>>, vector<1x16xf32>,
        %parallel_loop3A_675 = vector.shape_cast %parallel_loop3A_674 : vector<1x16xf32> to vector<16xf32>
        %parallel_loop3A_676 = arith.addf %parallel_loop3A_632, %parallel_loop3A_675 : vector<16xf32>
        %parallel_loop3A_677 = arith.index_cast %parallel_loop3A_656 : i32 to index
        %parallel_loop3A_678 = arith.constant 64 : index
        %parallel_loop3A_679 = tpu.vector_load %arg10[%parallel_loop3A_677, %parallel_loop3A_678] {strides = array<i32>} : memref<100x128xf32, #tpu.memory_space<vmem>>, vector<1x16xf32>,
        %parallel_loop3A_680 = vector.shape_cast %parallel_loop3A_679 : vector<1x16xf32> to vector<16xf32>
        %parallel_loop3A_681 = arith.addf %parallel_loop3A_637, %parallel_loop3A_680 : vector<16xf32>
        %parallel_loop3A_682 = arith.index_cast %parallel_loop3A_656 : i32 to index
        %parallel_loop3A_683 = arith.constant 80 : index
        %parallel_loop3A_684 = tpu.vector_load %arg10[%parallel_loop3A_682, %parallel_loop3A_683] {strides = array<i32>} : memref<100x128xf32, #tpu.memory_space<vmem>>, vector<1x16xf32>,
        %parallel_loop3A_685 = vector.shape_cast %parallel_loop3A_684 : vector<1x16xf32> to vector<16xf32>
        %parallel_loop3A_686 = arith.addf %parallel_loop3A_642, %parallel_loop3A_685 : vector<16xf32>
        %parallel_loop3A_687 = arith.index_cast %parallel_loop3A_656 : i32 to index
        %parallel_loop3A_688 = arith.constant 96 : index
        %parallel_loop3A_689 = tpu.vector_load %arg10[%parallel_loop3A_687, %parallel_loop3A_688] {strides = array<i32>} : memref<100x128xf32, #tpu.memory_space<vmem>>, vector<1x16xf32>,
        %parallel_loop3A_690 = vector.shape_cast %parallel_loop3A_689 : vector<1x16xf32> to vector<16xf32>
        %parallel_loop3A_691 = arith.addf %parallel_loop3A_647, %parallel_loop3A_690 : vector<16xf32>
        %parallel_loop3A_692 = arith.index_cast %parallel_loop3A_656 : i32 to index
        %parallel_loop3A_693 = arith.constant 112 : index
        %parallel_loop3A_694 = tpu.vector_load %arg10[%parallel_loop3A_692, %parallel_loop3A_693] {strides = array<i32>} : memref<100x128xf32, #tpu.memory_space<vmem>>, vector<1x16xf32>,
        %parallel_loop3A_695 = vector.shape_cast %parallel_loop3A_694 : vector<1x16xf32> to vector<16xf32>
        %parallel_loop3A_696 = arith.addf %parallel_loop3A_652, %parallel_loop3A_695 : vector<16xf32>
        %parallel_loop3A_697 = arith.constant 4 : i32
        %parallel_loop3A_698 = arith.muli %parallel_loop3A_556, %parallel_loop3A_697 : i32
        %parallel_loop3A_699 = arith.constant 3 : i32
        %parallel_loop3A_700 = arith.addi %parallel_loop3A_698, %parallel_loop3A_699 : i32
        %parallel_loop3A_701 = arith.index_cast %parallel_loop3A_700 : i32 to index
        %parallel_loop3A_702 = arith.constant 0 : index
        %parallel_loop3A_703 = tpu.vector_load %arg10[%parallel_loop3A_701, %parallel_loop3A_702] {strides = array<i32>} : memref<100x128xf32, #tpu.memory_space<vmem>>, vector<1x16xf32>,
        %parallel_loop3A_704 = vector.shape_cast %parallel_loop3A_703 : vector<1x16xf32> to vector<16xf32>
        %parallel_loop3A_705 = arith.addf %parallel_loop3A_661, %parallel_loop3A_704 : vector<16xf32>
        %parallel_loop3A_706 = arith.index_cast %parallel_loop3A_700 : i32 to index
        %parallel_loop3A_707 = arith.constant 16 : index
        %parallel_loop3A_708 = tpu.vector_load %arg10[%parallel_loop3A_706, %parallel_loop3A_707] {strides = array<i32>} : memref<100x128xf32, #tpu.memory_space<vmem>>, vector<1x16xf32>,
        %parallel_loop3A_709 = vector.shape_cast %parallel_loop3A_708 : vector<1x16xf32> to vector<16xf32>
        %parallel_loop3A_710 = arith.addf %parallel_loop3A_666, %parallel_loop3A_709 : vector<16xf32>
        %parallel_loop3A_711 = arith.index_cast %parallel_loop3A_700 : i32 to index
        %parallel_loop3A_712 = arith.constant 32 : index
        %parallel_loop3A_713 = tpu.vector_load %arg10[%parallel_loop3A_711, %parallel_loop3A_712] {strides = array<i32>} : memref<100x128xf32, #tpu.memory_space<vmem>>, vector<1x16xf32>,
        %parallel_loop3A_714 = vector.shape_cast %parallel_loop3A_713 : vector<1x16xf32> to vector<16xf32>
        %parallel_loop3A_715 = arith.addf %parallel_loop3A_671, %parallel_loop3A_714 : vector<16xf32>
        %parallel_loop3A_716 = arith.index_cast %parallel_loop3A_700 : i32 to index
        %parallel_loop3A_717 = arith.constant 48 : index
        %parallel_loop3A_718 = tpu.vector_load %arg10[%parallel_loop3A_716, %parallel_loop3A_717] {strides = array<i32>} : memref<100x128xf32, #tpu.memory_space<vmem>>, vector<1x16xf32>,
        %parallel_loop3A_719 = vector.shape_cast %parallel_loop3A_718 : vector<1x16xf32> to vector<16xf32>
        %parallel_loop3A_720 = arith.addf %parallel_loop3A_676, %parallel_loop3A_719 : vector<16xf32>
        %parallel_loop3A_721 = arith.index_cast %parallel_loop3A_700 : i32 to index
        %parallel_loop3A_722 = arith.constant 64 : index
        %parallel_loop3A_723 = tpu.vector_load %arg10[%parallel_loop3A_721, %parallel_loop3A_722] {strides = array<i32>} : memref<100x128xf32, #tpu.memory_space<vmem>>, vector<1x16xf32>,
        %parallel_loop3A_724 = vector.shape_cast %parallel_loop3A_723 : vector<1x16xf32> to vector<16xf32>
        %parallel_loop3A_725 = arith.addf %parallel_loop3A_681, %parallel_loop3A_724 : vector<16xf32>
        %parallel_loop3A_726 = arith.index_cast %parallel_loop3A_700 : i32 to index
        %parallel_loop3A_727 = arith.constant 80 : index
        %parallel_loop3A_728 = tpu.vector_load %arg10[%parallel_loop3A_726, %parallel_loop3A_727] {strides = array<i32>} : memref<100x128xf32, #tpu.memory_space<vmem>>, vector<1x16xf32>,
        %parallel_loop3A_729 = vector.shape_cast %parallel_loop3A_728 : vector<1x16xf32> to vector<16xf32>
        %parallel_loop3A_730 = arith.addf %parallel_loop3A_686, %parallel_loop3A_729 : vector<16xf32>
        %parallel_loop3A_731 = arith.index_cast %parallel_loop3A_700 : i32 to index
        %parallel_loop3A_732 = arith.constant 96 : index
        %parallel_loop3A_733 = tpu.vector_load %arg10[%parallel_loop3A_731, %parallel_loop3A_732] {strides = array<i32>} : memref<100x128xf32, #tpu.memory_space<vmem>>, vector<1x16xf32>,
        %parallel_loop3A_734 = vector.shape_cast %parallel_loop3A_733 : vector<1x16xf32> to vector<16xf32>
        %parallel_loop3A_735 = arith.addf %parallel_loop3A_691, %parallel_loop3A_734 : vector<16xf32>
        %parallel_loop3A_736 = arith.index_cast %parallel_loop3A_700 : i32 to index
        %parallel_loop3A_737 = arith.constant 112 : index
        %parallel_loop3A_738 = tpu.vector_load %arg10[%parallel_loop3A_736, %parallel_loop3A_737] {strides = array<i32>} : memref<100x128xf32, #tpu.memory_space<vmem>>, vector<1x16xf32>,
        %parallel_loop3A_739 = vector.shape_cast %parallel_loop3A_738 : vector<1x16xf32> to vector<16xf32>
        %parallel_loop3A_740 = arith.addf %parallel_loop3A_696, %parallel_loop3A_739 : vector<16xf32>
        scf.yield %parallel_loop3A_705, %parallel_loop3A_710, %parallel_loop3A_715, %parallel_loop3A_720, %parallel_loop3A_725, %parallel_loop3A_730, %parallel_loop3A_735, %parallel_loop3A_740 : vector<16xf32>, vector<16xf32>, vector<16xf32>, vector<16xf32>, vector<16xf32>, vector<16xf32>, vector<16xf32>, vector<16xf32>
      } {sc.loop_unroll_factor = 1 : i64, sc.parallel_access}
      %add3A_343 = arith.constant 1 : i32
      %add3A_344 = arith.addi %scan3A_72, %add3A_343 : i32
      %lt3A_345 = arith.constant 8 : i32
      %lt3A_346 = arith.cmpi slt, %add3A_344, %lt3A_345 : i32
      %convert_element_type3A_347 = arith.extui %lt3A_346 : i1 to i32
      %cond3A_348 = arith.constant 0 : i32
      %cond3A_349 = arith.cmpi ne, %convert_element_type3A_347, %cond3A_348 : i32
      scf.if %cond3A_349 {
        %add3A_556 = arith.constant 1 : i32
        %add3A_557 = arith.addi %scan3A_72, %add3A_556 : i32
        %mul3A_558 = arith.constant 4 : i32
        %mul3A_559 = arith.muli %add3A_557, %mul3A_558 : i32
        %add3A_560 = arith.constant 2 : i32
        %add3A_561 = arith.addi %mul3A_559, %add3A_560 : i32
        %dma_start3A_562 = arith.constant 0 : i32
        %dma_start3A_563 = arith.constant 0 : i32
        %dma_start3A_564 = tpu.memref_slice %arg5[%add3A_561, %dma_start3A_562, %dma_start3A_563] : memref<32x2x100xi32, #tpu.memory_space<vmem>> -> memref<1x1x100xi32, #tpu.memory_space<vmem>>
        %dma_start3A_565 = tpu.memref_squeeze %dma_start3A_564 : memref<1x1x100xi32, #tpu.memory_space<vmem>> -> memref<100xi32, #tpu.memory_space<vmem>>
        %dma_start3A_566 = arith.constant 0 : i32
        %dma_start3A_567 = arith.constant 0 : i32
        %dma_start3A_568 = tpu.memref_slice %arg3[%dma_start3A_566, %dma_start3A_567] : memref<100000x128xf32, #tpu.memory_space<hbm>> -> memref<100000x128xf32, #tpu.memory_space<hbm>>
        tpu.enqueue_indirect_dma source(%dma_start3A_568 : memref<100000x128xf32, #tpu.memory_space<hbm>>) target(%arg10 : memref<100x128xf32, #tpu.memory_space<vmem>>) offsets(%dma_start3A_565 : memref<100xi32, #tpu.memory_space<vmem>>) semaphore(%arg19 : memref<!tpu.dma_semaphore, #tpu.memory_space<semaphore_mem>>)
      } else {
      }
      %dma_wait3A_350 = arith.constant 0 : i32
      %dma_wait3A_351 = arith.constant 0 : i32
      %dma_wait3A_352 = arith.constant 0 : i32
      %dma_wait3A_353 = tpu.memref_slice %arg5[%dma_wait3A_350, %dma_wait3A_351, %dma_wait3A_352] : memref<32x2x100xi32, #tpu.memory_space<vmem>> -> memref<1x1x100xi32, #tpu.memory_space<vmem>>
      %dma_wait3A_354 = tpu.memref_squeeze %dma_wait3A_353 : memref<1x1x100xi32, #tpu.memory_space<vmem>> -> memref<100xi32, #tpu.memory_space<vmem>>
      %dma_wait3A_355 = arith.constant 0 : i32
      %dma_wait3A_356 = arith.constant 0 : i32
      %dma_wait3A_357 = tpu.memref_slice %arg3[%dma_wait3A_355, %dma_wait3A_356] : memref<100000x128xf32, #tpu.memory_space<hbm>> -> memref<100000x128xf32, #tpu.memory_space<hbm>>
      tpu.wait_indirect_dma semaphore(%arg20 : memref<!tpu.dma_semaphore, #tpu.memory_space<semaphore_mem>>) src(%dma_wait3A_357 : memref<100000x128xf32, #tpu.memory_space<hbm>>) dst(%arg11 : memref<100x128xf32, #tpu.memory_space<vmem>>)
      %parallel_loop3A_358 = arith.constant 0 : i32
      %parallel_loop3A_359 = arith.constant 25 : i32
      %parallel_loop3A_360 = arith.constant 1 : i32
      %parallel_loop3A_361:8 = scf.for %parallel_loop3A_556 = %parallel_loop3A_358 to %parallel_loop3A_359 step %parallel_loop3A_360 iter_args(%parallel_loop3A_557 = %parallel_loop3A_342#0, %parallel_loop3A_558 = %parallel_loop3A_342#1, %parallel_loop3A_559 = %parallel_loop3A_342#2, %parallel_loop3A_560 = %parallel_loop3A_342#3, %parallel_loop3A_561 = %parallel_loop3A_342#4, %parallel_loop3A_562 = %parallel_loop3A_342#5, %parallel_loop3A_563 = %parallel_loop3A_342#6, %parallel_loop3A_564 = %parallel_loop3A_342#7) -> (vector<16xf32>, vector<16xf32>, vector<16xf32>, vector<16xf32>, vector<16xf32>, vector<16xf32>, vector<16xf32>, vector<16xf32>)  : i32 {
        %parallel_loop3A_565 = arith.constant 4 : i32
        %parallel_loop3A_566 = arith.muli %parallel_loop3A_556, %parallel_loop3A_565 : i32
        %parallel_loop3A_567 = arith.constant 0 : i32
        %parallel_loop3A_568 = arith.addi %parallel_loop3A_566, %parallel_loop3A_567 : i32
        %parallel_loop3A_569 = arith.index_cast %parallel_loop3A_568 : i32 to index
        %parallel_loop3A_570 = arith.constant 0 : index
        %parallel_loop3A_571 = tpu.vector_load %arg11[%parallel_loop3A_569, %parallel_loop3A_570] {strides = array<i32>} : memref<100x128xf32, #tpu.memory_space<vmem>>, vector<1x16xf32>,
        %parallel_loop3A_572 = vector.shape_cast %parallel_loop3A_571 : vector<1x16xf32> to vector<16xf32>
        %parallel_loop3A_573 = arith.addf %parallel_loop3A_557, %parallel_loop3A_572 : vector<16xf32>
        %parallel_loop3A_574 = arith.index_cast %parallel_loop3A_568 : i32 to index
        %parallel_loop3A_575 = arith.constant 16 : index
        %parallel_loop3A_576 = tpu.vector_load %arg11[%parallel_loop3A_574, %parallel_loop3A_575] {strides = array<i32>} : memref<100x128xf32, #tpu.memory_space<vmem>>, vector<1x16xf32>,
        %parallel_loop3A_577 = vector.shape_cast %parallel_loop3A_576 : vector<1x16xf32> to vector<16xf32>
        %parallel_loop3A_578 = arith.addf %parallel_loop3A_558, %parallel_loop3A_577 : vector<16xf32>
        %parallel_loop3A_579 = arith.index_cast %parallel_loop3A_568 : i32 to index
        %parallel_loop3A_580 = arith.constant 32 : index
        %parallel_loop3A_581 = tpu.vector_load %arg11[%parallel_loop3A_579, %parallel_loop3A_580] {strides = array<i32>} : memref<100x128xf32, #tpu.memory_space<vmem>>, vector<1x16xf32>,
        %parallel_loop3A_582 = vector.shape_cast %parallel_loop3A_581 : vector<1x16xf32> to vector<16xf32>
        %parallel_loop3A_583 = arith.addf %parallel_loop3A_559, %parallel_loop3A_582 : vector<16xf32>
        %parallel_loop3A_584 = arith.index_cast %parallel_loop3A_568 : i32 to index
        %parallel_loop3A_585 = arith.constant 48 : index
        %parallel_loop3A_586 = tpu.vector_load %arg11[%parallel_loop3A_584, %parallel_loop3A_585] {strides = array<i32>} : memref<100x128xf32, #tpu.memory_space<vmem>>, vector<1x16xf32>,
        %parallel_loop3A_587 = vector.shape_cast %parallel_loop3A_586 : vector<1x16xf32> to vector<16xf32>
        %parallel_loop3A_588 = arith.addf %parallel_loop3A_560, %parallel_loop3A_587 : vector<16xf32>
        %parallel_loop3A_589 = arith.index_cast %parallel_loop3A_568 : i32 to index
        %parallel_loop3A_590 = arith.constant 64 : index
        %parallel_loop3A_591 = tpu.vector_load %arg11[%parallel_loop3A_589, %parallel_loop3A_590] {strides = array<i32>} : memref<100x128xf32, #tpu.memory_space<vmem>>, vector<1x16xf32>,
        %parallel_loop3A_592 = vector.shape_cast %parallel_loop3A_591 : vector<1x16xf32> to vector<16xf32>
        %parallel_loop3A_593 = arith.addf %parallel_loop3A_561, %parallel_loop3A_592 : vector<16xf32>
        %parallel_loop3A_594 = arith.index_cast %parallel_loop3A_568 : i32 to index
        %parallel_loop3A_595 = arith.constant 80 : index
        %parallel_loop3A_596 = tpu.vector_load %arg11[%parallel_loop3A_594, %parallel_loop3A_595] {strides = array<i32>} : memref<100x128xf32, #tpu.memory_space<vmem>>, vector<1x16xf32>,
        %parallel_loop3A_597 = vector.shape_cast %parallel_loop3A_596 : vector<1x16xf32> to vector<16xf32>
        %parallel_loop3A_598 = arith.addf %parallel_loop3A_562, %parallel_loop3A_597 : vector<16xf32>
        %parallel_loop3A_599 = arith.index_cast %parallel_loop3A_568 : i32 to index
        %parallel_loop3A_600 = arith.constant 96 : index
        %parallel_loop3A_601 = tpu.vector_load %arg11[%parallel_loop3A_599, %parallel_loop3A_600] {strides = array<i32>} : memref<100x128xf32, #tpu.memory_space<vmem>>, vector<1x16xf32>,
        %parallel_loop3A_602 = vector.shape_cast %parallel_loop3A_601 : vector<1x16xf32> to vector<16xf32>
        %parallel_loop3A_603 = arith.addf %parallel_loop3A_563, %parallel_loop3A_602 : vector<16xf32>
        %parallel_loop3A_604 = arith.index_cast %parallel_loop3A_568 : i32 to index
        %parallel_loop3A_605 = arith.constant 112 : index
        %parallel_loop3A_606 = tpu.vector_load %arg11[%parallel_loop3A_604, %parallel_loop3A_605] {strides = array<i32>} : memref<100x128xf32, #tpu.memory_space<vmem>>, vector<1x16xf32>,
        %parallel_loop3A_607 = vector.shape_cast %parallel_loop3A_606 : vector<1x16xf32> to vector<16xf32>
        %parallel_loop3A_608 = arith.addf %parallel_loop3A_564, %parallel_loop3A_607 : vector<16xf32>
        %parallel_loop3A_609 = arith.constant 4 : i32
        %parallel_loop3A_610 = arith.muli %parallel_loop3A_556, %parallel_loop3A_609 : i32
        %parallel_loop3A_611 = arith.constant 1 : i32
        %parallel_loop3A_612 = arith.addi %parallel_loop3A_610, %parallel_loop3A_611 : i32
        %parallel_loop3A_613 = arith.index_cast %parallel_loop3A_612 : i32 to index
        %parallel_loop3A_614 = arith.constant 0 : index
        %parallel_loop3A_615 = tpu.vector_load %arg11[%parallel_loop3A_613, %parallel_loop3A_614] {strides = array<i32>} : memref<100x128xf32, #tpu.memory_space<vmem>>, vector<1x16xf32>,
        %parallel_loop3A_616 = vector.shape_cast %parallel_loop3A_615 : vector<1x16xf32> to vector<16xf32>
        %parallel_loop3A_617 = arith.addf %parallel_loop3A_573, %parallel_loop3A_616 : vector<16xf32>
        %parallel_loop3A_618 = arith.index_cast %parallel_loop3A_612 : i32 to index
        %parallel_loop3A_619 = arith.constant 16 : index
        %parallel_loop3A_620 = tpu.vector_load %arg11[%parallel_loop3A_618, %parallel_loop3A_619] {strides = array<i32>} : memref<100x128xf32, #tpu.memory_space<vmem>>, vector<1x16xf32>,
        %parallel_loop3A_621 = vector.shape_cast %parallel_loop3A_620 : vector<1x16xf32> to vector<16xf32>
        %parallel_loop3A_622 = arith.addf %parallel_loop3A_578, %parallel_loop3A_621 : vector<16xf32>
        %parallel_loop3A_623 = arith.index_cast %parallel_loop3A_612 : i32 to index
        %parallel_loop3A_624 = arith.constant 32 : index
        %parallel_loop3A_625 = tpu.vector_load %arg11[%parallel_loop3A_623, %parallel_loop3A_624] {strides = array<i32>} : memref<100x128xf32, #tpu.memory_space<vmem>>, vector<1x16xf32>,
        %parallel_loop3A_626 = vector.shape_cast %parallel_loop3A_625 : vector<1x16xf32> to vector<16xf32>
        %parallel_loop3A_627 = arith.addf %parallel_loop3A_583, %parallel_loop3A_626 : vector<16xf32>
        %parallel_loop3A_628 = arith.index_cast %parallel_loop3A_612 : i32 to index
        %parallel_loop3A_629 = arith.constant 48 : index
        %parallel_loop3A_630 = tpu.vector_load %arg11[%parallel_loop3A_628, %parallel_loop3A_629] {strides = array<i32>} : memref<100x128xf32, #tpu.memory_space<vmem>>, vector<1x16xf32>,
        %parallel_loop3A_631 = vector.shape_cast %parallel_loop3A_630 : vector<1x16xf32> to vector<16xf32>
        %parallel_loop3A_632 = arith.addf %parallel_loop3A_588, %parallel_loop3A_631 : vector<16xf32>
        %parallel_loop3A_633 = arith.index_cast %parallel_loop3A_612 : i32 to index
        %parallel_loop3A_634 = arith.constant 64 : index
        %parallel_loop3A_635 = tpu.vector_load %arg11[%parallel_loop3A_633, %parallel_loop3A_634] {strides = array<i32>} : memref<100x128xf32, #tpu.memory_space<vmem>>, vector<1x16xf32>,
        %parallel_loop3A_636 = vector.shape_cast %parallel_loop3A_635 : vector<1x16xf32> to vector<16xf32>
        %parallel_loop3A_637 = arith.addf %parallel_loop3A_593, %parallel_loop3A_636 : vector<16xf32>
        %parallel_loop3A_638 = arith.index_cast %parallel_loop3A_612 : i32 to index
        %parallel_loop3A_639 = arith.constant 80 : index
        %parallel_loop3A_640 = tpu.vector_load %arg11[%parallel_loop3A_638, %parallel_loop3A_639] {strides = array<i32>} : memref<100x128xf32, #tpu.memory_space<vmem>>, vector<1x16xf32>,
        %parallel_loop3A_641 = vector.shape_cast %parallel_loop3A_640 : vector<1x16xf32> to vector<16xf32>
        %parallel_loop3A_642 = arith.addf %parallel_loop3A_598, %parallel_loop3A_641 : vector<16xf32>
        %parallel_loop3A_643 = arith.index_cast %parallel_loop3A_612 : i32 to index
        %parallel_loop3A_644 = arith.constant 96 : index
        %parallel_loop3A_645 = tpu.vector_load %arg11[%parallel_loop3A_643, %parallel_loop3A_644] {strides = array<i32>} : memref<100x128xf32, #tpu.memory_space<vmem>>, vector<1x16xf32>,
        %parallel_loop3A_646 = vector.shape_cast %parallel_loop3A_645 : vector<1x16xf32> to vector<16xf32>
        %parallel_loop3A_647 = arith.addf %parallel_loop3A_603, %parallel_loop3A_646 : vector<16xf32>
        %parallel_loop3A_648 = arith.index_cast %parallel_loop3A_612 : i32 to index
        %parallel_loop3A_649 = arith.constant 112 : index
        %parallel_loop3A_650 = tpu.vector_load %arg11[%parallel_loop3A_648, %parallel_loop3A_649] {strides = array<i32>} : memref<100x128xf32, #tpu.memory_space<vmem>>, vector<1x16xf32>,
        %parallel_loop3A_651 = vector.shape_cast %parallel_loop3A_650 : vector<1x16xf32> to vector<16xf32>
        %parallel_loop3A_652 = arith.addf %parallel_loop3A_608, %parallel_loop3A_651 : vector<16xf32>
        %parallel_loop3A_653 = arith.constant 4 : i32
        %parallel_loop3A_654 = arith.muli %parallel_loop3A_556, %parallel_loop3A_653 : i32
        %parallel_loop3A_655 = arith.constant 2 : i32
        %parallel_loop3A_656 = arith.addi %parallel_loop3A_654, %parallel_loop3A_655 : i32
        %parallel_loop3A_657 = arith.index_cast %parallel_loop3A_656 : i32 to index
        %parallel_loop3A_658 = arith.constant 0 : index
        %parallel_loop3A_659 = tpu.vector_load %arg11[%parallel_loop3A_657, %parallel_loop3A_658] {strides = array<i32>} : memref<100x128xf32, #tpu.memory_space<vmem>>, vector<1x16xf32>,
        %parallel_loop3A_660 = vector.shape_cast %parallel_loop3A_659 : vector<1x16xf32> to vector<16xf32>
        %parallel_loop3A_661 = arith.addf %parallel_loop3A_617, %parallel_loop3A_660 : vector<16xf32>
        %parallel_loop3A_662 = arith.index_cast %parallel_loop3A_656 : i32 to index
        %parallel_loop3A_663 = arith.constant 16 : index
        %parallel_loop3A_664 = tpu.vector_load %arg11[%parallel_loop3A_662, %parallel_loop3A_663] {strides = array<i32>} : memref<100x128xf32, #tpu.memory_space<vmem>>, vector<1x16xf32>,
        %parallel_loop3A_665 = vector.shape_cast %parallel_loop3A_664 : vector<1x16xf32> to vector<16xf32>
        %parallel_loop3A_666 = arith.addf %parallel_loop3A_622, %parallel_loop3A_665 : vector<16xf32>
        %parallel_loop3A_667 = arith.index_cast %parallel_loop3A_656 : i32 to index
        %parallel_loop3A_668 = arith.constant 32 : index
        %parallel_loop3A_669 = tpu.vector_load %arg11[%parallel_loop3A_667, %parallel_loop3A_668] {strides = array<i32>} : memref<100x128xf32, #tpu.memory_space<vmem>>, vector<1x16xf32>,
        %parallel_loop3A_670 = vector.shape_cast %parallel_loop3A_669 : vector<1x16xf32> to vector<16xf32>
        %parallel_loop3A_671 = arith.addf %parallel_loop3A_627, %parallel_loop3A_670 : vector<16xf32>
        %parallel_loop3A_672 = arith.index_cast %parallel_loop3A_656 : i32 to index
        %parallel_loop3A_673 = arith.constant 48 : index
        %parallel_loop3A_674 = tpu.vector_load %arg11[%parallel_loop3A_672, %parallel_loop3A_673] {strides = array<i32>} : memref<100x128xf32, #tpu.memory_space<vmem>>, vector<1x16xf32>,
        %parallel_loop3A_675 = vector.shape_cast %parallel_loop3A_674 : vector<1x16xf32> to vector<16xf32>
        %parallel_loop3A_676 = arith.addf %parallel_loop3A_632, %parallel_loop3A_675 : vector<16xf32>
        %parallel_loop3A_677 = arith.index_cast %parallel_loop3A_656 : i32 to index
        %parallel_loop3A_678 = arith.constant 64 : index
        %parallel_loop3A_679 = tpu.vector_load %arg11[%parallel_loop3A_677, %parallel_loop3A_678] {strides = array<i32>} : memref<100x128xf32, #tpu.memory_space<vmem>>, vector<1x16xf32>,
        %parallel_loop3A_680 = vector.shape_cast %parallel_loop3A_679 : vector<1x16xf32> to vector<16xf32>
        %parallel_loop3A_681 = arith.addf %parallel_loop3A_637, %parallel_loop3A_680 : vector<16xf32>
        %parallel_loop3A_682 = arith.index_cast %parallel_loop3A_656 : i32 to index
        %parallel_loop3A_683 = arith.constant 80 : index
        %parallel_loop3A_684 = tpu.vector_load %arg11[%parallel_loop3A_682, %parallel_loop3A_683] {strides = array<i32>} : memref<100x128xf32, #tpu.memory_space<vmem>>, vector<1x16xf32>,
        %parallel_loop3A_685 = vector.shape_cast %parallel_loop3A_684 : vector<1x16xf32> to vector<16xf32>
        %parallel_loop3A_686 = arith.addf %parallel_loop3A_642, %parallel_loop3A_685 : vector<16xf32>
        %parallel_loop3A_687 = arith.index_cast %parallel_loop3A_656 : i32 to index
        %parallel_loop3A_688 = arith.constant 96 : index
        %parallel_loop3A_689 = tpu.vector_load %arg11[%parallel_loop3A_687, %parallel_loop3A_688] {strides = array<i32>} : memref<100x128xf32, #tpu.memory_space<vmem>>, vector<1x16xf32>,
        %parallel_loop3A_690 = vector.shape_cast %parallel_loop3A_689 : vector<1x16xf32> to vector<16xf32>
        %parallel_loop3A_691 = arith.addf %parallel_loop3A_647, %parallel_loop3A_690 : vector<16xf32>
        %parallel_loop3A_692 = arith.index_cast %parallel_loop3A_656 : i32 to index
        %parallel_loop3A_693 = arith.constant 112 : index
        %parallel_loop3A_694 = tpu.vector_load %arg11[%parallel_loop3A_692, %parallel_loop3A_693] {strides = array<i32>} : memref<100x128xf32, #tpu.memory_space<vmem>>, vector<1x16xf32>,
        %parallel_loop3A_695 = vector.shape_cast %parallel_loop3A_694 : vector<1x16xf32> to vector<16xf32>
        %parallel_loop3A_696 = arith.addf %parallel_loop3A_652, %parallel_loop3A_695 : vector<16xf32>
        %parallel_loop3A_697 = arith.constant 4 : i32
        %parallel_loop3A_698 = arith.muli %parallel_loop3A_556, %parallel_loop3A_697 : i32
        %parallel_loop3A_699 = arith.constant 3 : i32
        %parallel_loop3A_700 = arith.addi %parallel_loop3A_698, %parallel_loop3A_699 : i32
        %parallel_loop3A_701 = arith.index_cast %parallel_loop3A_700 : i32 to index
        %parallel_loop3A_702 = arith.constant 0 : index
        %parallel_loop3A_703 = tpu.vector_load %arg11[%parallel_loop3A_701, %parallel_loop3A_702] {strides = array<i32>} : memref<100x128xf32, #tpu.memory_space<vmem>>, vector<1x16xf32>,
        %parallel_loop3A_704 = vector.shape_cast %parallel_loop3A_703 : vector<1x16xf32> to vector<16xf32>
        %parallel_loop3A_705 = arith.addf %parallel_loop3A_661, %parallel_loop3A_704 : vector<16xf32>
        %parallel_loop3A_706 = arith.index_cast %parallel_loop3A_700 : i32 to index
        %parallel_loop3A_707 = arith.constant 16 : index
        %parallel_loop3A_708 = tpu.vector_load %arg11[%parallel_loop3A_706, %parallel_loop3A_707] {strides = array<i32>} : memref<100x128xf32, #tpu.memory_space<vmem>>, vector<1x16xf32>,
        %parallel_loop3A_709 = vector.shape_cast %parallel_loop3A_708 : vector<1x16xf32> to vector<16xf32>
        %parallel_loop3A_710 = arith.addf %parallel_loop3A_666, %parallel_loop3A_709 : vector<16xf32>
        %parallel_loop3A_711 = arith.index_cast %parallel_loop3A_700 : i32 to index
        %parallel_loop3A_712 = arith.constant 32 : index
        %parallel_loop3A_713 = tpu.vector_load %arg11[%parallel_loop3A_711, %parallel_loop3A_712] {strides = array<i32>} : memref<100x128xf32, #tpu.memory_space<vmem>>, vector<1x16xf32>,
        %parallel_loop3A_714 = vector.shape_cast %parallel_loop3A_713 : vector<1x16xf32> to vector<16xf32>
        %parallel_loop3A_715 = arith.addf %parallel_loop3A_671, %parallel_loop3A_714 : vector<16xf32>
        %parallel_loop3A_716 = arith.index_cast %parallel_loop3A_700 : i32 to index
        %parallel_loop3A_717 = arith.constant 48 : index
        %parallel_loop3A_718 = tpu.vector_load %arg11[%parallel_loop3A_716, %parallel_loop3A_717] {strides = array<i32>} : memref<100x128xf32, #tpu.memory_space<vmem>>, vector<1x16xf32>,
        %parallel_loop3A_719 = vector.shape_cast %parallel_loop3A_718 : vector<1x16xf32> to vector<16xf32>
        %parallel_loop3A_720 = arith.addf %parallel_loop3A_676, %parallel_loop3A_719 : vector<16xf32>
        %parallel_loop3A_721 = arith.index_cast %parallel_loop3A_700 : i32 to index
        %parallel_loop3A_722 = arith.constant 64 : index
        %parallel_loop3A_723 = tpu.vector_load %arg11[%parallel_loop3A_721, %parallel_loop3A_722] {strides = array<i32>} : memref<100x128xf32, #tpu.memory_space<vmem>>, vector<1x16xf32>,
        %parallel_loop3A_724 = vector.shape_cast %parallel_loop3A_723 : vector<1x16xf32> to vector<16xf32>
        %parallel_loop3A_725 = arith.addf %parallel_loop3A_681, %parallel_loop3A_724 : vector<16xf32>
        %parallel_loop3A_726 = arith.index_cast %parallel_loop3A_700 : i32 to index
        %parallel_loop3A_727 = arith.constant 80 : index
        %parallel_loop3A_728 = tpu.vector_load %arg11[%parallel_loop3A_726, %parallel_loop3A_727] {strides = array<i32>} : memref<100x128xf32, #tpu.memory_space<vmem>>, vector<1x16xf32>,
        %parallel_loop3A_729 = vector.shape_cast %parallel_loop3A_728 : vector<1x16xf32> to vector<16xf32>
        %parallel_loop3A_730 = arith.addf %parallel_loop3A_686, %parallel_loop3A_729 : vector<16xf32>
        %parallel_loop3A_731 = arith.index_cast %parallel_loop3A_700 : i32 to index
        %parallel_loop3A_732 = arith.constant 96 : index
        %parallel_loop3A_733 = tpu.vector_load %arg11[%parallel_loop3A_731, %parallel_loop3A_732] {strides = array<i32>} : memref<100x128xf32, #tpu.memory_space<vmem>>, vector<1x16xf32>,
        %parallel_loop3A_734 = vector.shape_cast %parallel_loop3A_733 : vector<1x16xf32> to vector<16xf32>
        %parallel_loop3A_735 = arith.addf %parallel_loop3A_691, %parallel_loop3A_734 : vector<16xf32>
        %parallel_loop3A_736 = arith.index_cast %parallel_loop3A_700 : i32 to index
        %parallel_loop3A_737 = arith.constant 112 : index
        %parallel_loop3A_738 = tpu.vector_load %arg11[%parallel_loop3A_736, %parallel_loop3A_737] {strides = array<i32>} : memref<100x128xf32, #tpu.memory_space<vmem>>, vector<1x16xf32>,
        %parallel_loop3A_739 = vector.shape_cast %parallel_loop3A_738 : vector<1x16xf32> to vector<16xf32>
        %parallel_loop3A_740 = arith.addf %parallel_loop3A_696, %parallel_loop3A_739 : vector<16xf32>
        scf.yield %parallel_loop3A_705, %parallel_loop3A_710, %parallel_loop3A_715, %parallel_loop3A_720, %parallel_loop3A_725, %parallel_loop3A_730, %parallel_loop3A_735, %parallel_loop3A_740 : vector<16xf32>, vector<16xf32>, vector<16xf32>, vector<16xf32>, vector<16xf32>, vector<16xf32>, vector<16xf32>, vector<16xf32>
      } {sc.loop_unroll_factor = 1 : i64, sc.parallel_access}
      %add3A_362 = arith.constant 1 : i32
      %add3A_363 = arith.addi %scan3A_72, %add3A_362 : i32
      %lt3A_364 = arith.constant 8 : i32
      %lt3A_365 = arith.cmpi slt, %add3A_363, %lt3A_364 : i32
      %convert_element_type3A_366 = arith.extui %lt3A_365 : i1 to i32
      %cond3A_367 = arith.constant 0 : i32
      %cond3A_368 = arith.cmpi ne, %convert_element_type3A_366, %cond3A_367 : i32
      scf.if %cond3A_368 {
        %add3A_556 = arith.constant 1 : i32
        %add3A_557 = arith.addi %scan3A_72, %add3A_556 : i32
        %mul3A_558 = arith.constant 4 : i32
        %mul3A_559 = arith.muli %add3A_557, %mul3A_558 : i32
        %add3A_560 = arith.constant 2 : i32
        %add3A_561 = arith.addi %mul3A_559, %add3A_560 : i32
        %dma_start3A_562 = arith.constant 1 : i32
        %dma_start3A_563 = arith.constant 0 : i32
        %dma_start3A_564 = tpu.memref_slice %arg5[%add3A_561, %dma_start3A_562, %dma_start3A_563] : memref<32x2x100xi32, #tpu.memory_space<vmem>> -> memref<1x1x100xi32, #tpu.memory_space<vmem>>
        %dma_start3A_565 = tpu.memref_squeeze %dma_start3A_564 : memref<1x1x100xi32, #tpu.memory_space<vmem>> -> memref<100xi32, #tpu.memory_space<vmem>>
        %dma_start3A_566 = arith.constant 0 : i32
        %dma_start3A_567 = arith.constant 0 : i32
        %dma_start3A_568 = tpu.memref_slice %arg3[%dma_start3A_566, %dma_start3A_567] : memref<100000x128xf32, #tpu.memory_space<hbm>> -> memref<100000x128xf32, #tpu.memory_space<hbm>>
        tpu.enqueue_indirect_dma source(%dma_start3A_568 : memref<100000x128xf32, #tpu.memory_space<hbm>>) target(%arg11 : memref<100x128xf32, #tpu.memory_space<vmem>>) offsets(%dma_start3A_565 : memref<100xi32, #tpu.memory_space<vmem>>) semaphore(%arg20 : memref<!tpu.dma_semaphore, #tpu.memory_space<semaphore_mem>>)
      } else {
      }
      %mul3A_369 = arith.constant 5.000000e-03 : f32
      %mul3A_370 = vector.broadcast %mul3A_369 : f32 to vector<16xf32>
      %mul3A_371 = arith.mulf %parallel_loop3A_361#0, %mul3A_370 : vector<16xf32>
      %swap3A_372 = arith.index_cast %add3A_314 : i32 to index
      %swap3A_373 = arith.constant 0 : index
      %swap3A_374 = tpu.vector_load %arg14[%swap3A_372, %swap3A_373] {strides = array<i32>} : memref<32x128xf32, #tpu.memory_space<vmem>>, vector<1x16xf32>,
      %swap3A_375 = vector.shape_cast %swap3A_374 : vector<1x16xf32> to vector<16xf32>
      %swap3A_376 = vector.shape_cast %mul3A_371 : vector<16xf32> to vector<1x16xf32>
      tpu.vector_store %arg14[%swap3A_372, %swap3A_373], %swap3A_376 {strides = array<i32>} : memref<32x128xf32, #tpu.memory_space<vmem>>, vector<1x16xf32>,
      %mul3A_377 = arith.constant 5.000000e-03 : f32
      %mul3A_378 = vector.broadcast %mul3A_377 : f32 to vector<16xf32>
      %mul3A_379 = arith.mulf %parallel_loop3A_361#1, %mul3A_378 : vector<16xf32>
      %swap3A_380 = arith.index_cast %add3A_314 : i32 to index
      %swap3A_381 = arith.constant 16 : index
      %swap3A_382 = tpu.vector_load %arg14[%swap3A_380, %swap3A_381] {strides = array<i32>} : memref<32x128xf32, #tpu.memory_space<vmem>>, vector<1x16xf32>,
      %swap3A_383 = vector.shape_cast %swap3A_382 : vector<1x16xf32> to vector<16xf32>
      %swap3A_384 = vector.shape_cast %mul3A_379 : vector<16xf32> to vector<1x16xf32>
      tpu.vector_store %arg14[%swap3A_380, %swap3A_381], %swap3A_384 {strides = array<i32>} : memref<32x128xf32, #tpu.memory_space<vmem>>, vector<1x16xf32>,
      %mul3A_385 = arith.constant 5.000000e-03 : f32
      %mul3A_386 = vector.broadcast %mul3A_385 : f32 to vector<16xf32>
      %mul3A_387 = arith.mulf %parallel_loop3A_361#2, %mul3A_386 : vector<16xf32>
      %swap3A_388 = arith.index_cast %add3A_314 : i32 to index
      %swap3A_389 = arith.constant 32 : index
      %swap3A_390 = tpu.vector_load %arg14[%swap3A_388, %swap3A_389] {strides = array<i32>} : memref<32x128xf32, #tpu.memory_space<vmem>>, vector<1x16xf32>,
      %swap3A_391 = vector.shape_cast %swap3A_390 : vector<1x16xf32> to vector<16xf32>
      %swap3A_392 = vector.shape_cast %mul3A_387 : vector<16xf32> to vector<1x16xf32>
      tpu.vector_store %arg14[%swap3A_388, %swap3A_389], %swap3A_392 {strides = array<i32>} : memref<32x128xf32, #tpu.memory_space<vmem>>, vector<1x16xf32>,
      %mul3A_393 = arith.constant 5.000000e-03 : f32
      %mul3A_394 = vector.broadcast %mul3A_393 : f32 to vector<16xf32>
      %mul3A_395 = arith.mulf %parallel_loop3A_361#3, %mul3A_394 : vector<16xf32>
      %swap3A_396 = arith.index_cast %add3A_314 : i32 to index
      %swap3A_397 = arith.constant 48 : index
      %swap3A_398 = tpu.vector_load %arg14[%swap3A_396, %swap3A_397] {strides = array<i32>} : memref<32x128xf32, #tpu.memory_space<vmem>>, vector<1x16xf32>,
      %swap3A_399 = vector.shape_cast %swap3A_398 : vector<1x16xf32> to vector<16xf32>
      %swap3A_400 = vector.shape_cast %mul3A_395 : vector<16xf32> to vector<1x16xf32>
      tpu.vector_store %arg14[%swap3A_396, %swap3A_397], %swap3A_400 {strides = array<i32>} : memref<32x128xf32, #tpu.memory_space<vmem>>, vector<1x16xf32>,
      %mul3A_401 = arith.constant 5.000000e-03 : f32
      %mul3A_402 = vector.broadcast %mul3A_401 : f32 to vector<16xf32>
      %mul3A_403 = arith.mulf %parallel_loop3A_361#4, %mul3A_402 : vector<16xf32>
      %swap3A_404 = arith.index_cast %add3A_314 : i32 to index
      %swap3A_405 = arith.constant 64 : index
      %swap3A_406 = tpu.vector_load %arg14[%swap3A_404, %swap3A_405] {strides = array<i32>} : memref<32x128xf32, #tpu.memory_space<vmem>>, vector<1x16xf32>,
      %swap3A_407 = vector.shape_cast %swap3A_406 : vector<1x16xf32> to vector<16xf32>
      %swap3A_408 = vector.shape_cast %mul3A_403 : vector<16xf32> to vector<1x16xf32>
      tpu.vector_store %arg14[%swap3A_404, %swap3A_405], %swap3A_408 {strides = array<i32>} : memref<32x128xf32, #tpu.memory_space<vmem>>, vector<1x16xf32>,
      %mul3A_409 = arith.constant 5.000000e-03 : f32
      %mul3A_410 = vector.broadcast %mul3A_409 : f32 to vector<16xf32>
      %mul3A_411 = arith.mulf %parallel_loop3A_361#5, %mul3A_410 : vector<16xf32>
      %swap3A_412 = arith.index_cast %add3A_314 : i32 to index
      %swap3A_413 = arith.constant 80 : index
      %swap3A_414 = tpu.vector_load %arg14[%swap3A_412, %swap3A_413] {strides = array<i32>} : memref<32x128xf32, #tpu.memory_space<vmem>>, vector<1x16xf32>,
      %swap3A_415 = vector.shape_cast %swap3A_414 : vector<1x16xf32> to vector<16xf32>
      %swap3A_416 = vector.shape_cast %mul3A_411 : vector<16xf32> to vector<1x16xf32>
      tpu.vector_store %arg14[%swap3A_412, %swap3A_413], %swap3A_416 {strides = array<i32>} : memref<32x128xf32, #tpu.memory_space<vmem>>, vector<1x16xf32>,
      %mul3A_417 = arith.constant 5.000000e-03 : f32
      %mul3A_418 = vector.broadcast %mul3A_417 : f32 to vector<16xf32>
      %mul3A_419 = arith.mulf %parallel_loop3A_361#6, %mul3A_418 : vector<16xf32>
      %swap3A_420 = arith.index_cast %add3A_314 : i32 to index
      %swap3A_421 = arith.constant 96 : index
      %swap3A_422 = tpu.vector_load %arg14[%swap3A_420, %swap3A_421] {strides = array<i32>} : memref<32x128xf32, #tpu.memory_space<vmem>>, vector<1x16xf32>,
      %swap3A_423 = vector.shape_cast %swap3A_422 : vector<1x16xf32> to vector<16xf32>
      %swap3A_424 = vector.shape_cast %mul3A_419 : vector<16xf32> to vector<1x16xf32>
      tpu.vector_store %arg14[%swap3A_420, %swap3A_421], %swap3A_424 {strides = array<i32>} : memref<32x128xf32, #tpu.memory_space<vmem>>, vector<1x16xf32>,
      %mul3A_425 = arith.constant 5.000000e-03 : f32
      %mul3A_426 = vector.broadcast %mul3A_425 : f32 to vector<16xf32>
      %mul3A_427 = arith.mulf %parallel_loop3A_361#7, %mul3A_426 : vector<16xf32>
      %swap3A_428 = arith.index_cast %add3A_314 : i32 to index
      %swap3A_429 = arith.constant 112 : index
      %swap3A_430 = tpu.vector_load %arg14[%swap3A_428, %swap3A_429] {strides = array<i32>} : memref<32x128xf32, #tpu.memory_space<vmem>>, vector<1x16xf32>,
      %swap3A_431 = vector.shape_cast %swap3A_430 : vector<1x16xf32> to vector<16xf32>
      %swap3A_432 = vector.shape_cast %mul3A_427 : vector<16xf32> to vector<1x16xf32>
      tpu.vector_store %arg14[%swap3A_428, %swap3A_429], %swap3A_432 {strides = array<i32>} : memref<32x128xf32, #tpu.memory_space<vmem>>, vector<1x16xf32>,
      %mul3A_433 = arith.constant 4 : i32
      %mul3A_434 = arith.muli %scan3A_72, %mul3A_433 : i32
      %add3A_435 = arith.constant 3 : i32
      %add3A_436 = arith.addi %mul3A_434, %add3A_435 : i32
      %broadcast_in_dim3A_437 = arith.constant 0.000000e+00 : f32
      %broadcast_in_dim3A_438 = vector.broadcast %broadcast_in_dim3A_437 : f32 to vector<16xf32>
      %broadcast_in_dim3A_439 = arith.constant 0.000000e+00 : f32
      %broadcast_in_dim3A_440 = vector.broadcast %broadcast_in_dim3A_439 : f32 to vector<16xf32>
      %broadcast_in_dim3A_441 = arith.constant 0.000000e+00 : f32
      %broadcast_in_dim3A_442 = vector.broadcast %broadcast_in_dim3A_441 : f32 to vector<16xf32>
      %broadcast_in_dim3A_443 = arith.constant 0.000000e+00 : f32
      %broadcast_in_dim3A_444 = vector.broadcast %broadcast_in_dim3A_443 : f32 to vector<16xf32>
      %broadcast_in_dim3A_445 = arith.constant 0.000000e+00 : f32
      %broadcast_in_dim3A_446 = vector.broadcast %broadcast_in_dim3A_445 : f32 to vector<16xf32>
      %broadcast_in_dim3A_447 = arith.constant 0.000000e+00 : f32
      %broadcast_in_dim3A_448 = vector.broadcast %broadcast_in_dim3A_447 : f32 to vector<16xf32>
      %broadcast_in_dim3A_449 = arith.constant 0.000000e+00 : f32
      %broadcast_in_dim3A_450 = vector.broadcast %broadcast_in_dim3A_449 : f32 to vector<16xf32>
      %broadcast_in_dim3A_451 = arith.constant 0.000000e+00 : f32
      %broadcast_in_dim3A_452 = vector.broadcast %broadcast_in_dim3A_451 : f32 to vector<16xf32>
      %dma_wait3A_453 = arith.constant 0 : i32
      %dma_wait3A_454 = arith.constant 0 : i32
      %dma_wait3A_455 = arith.constant 0 : i32
      %dma_wait3A_456 = tpu.memref_slice %arg5[%dma_wait3A_453, %dma_wait3A_454, %dma_wait3A_455] : memref<32x2x100xi32, #tpu.memory_space<vmem>> -> memref<1x1x100xi32, #tpu.memory_space<vmem>>
      %dma_wait3A_457 = tpu.memref_squeeze %dma_wait3A_456 : memref<1x1x100xi32, #tpu.memory_space<vmem>> -> memref<100xi32, #tpu.memory_space<vmem>>
      %dma_wait3A_458 = arith.constant 0 : i32
      %dma_wait3A_459 = arith.constant 0 : i32
      %dma_wait3A_460 = tpu.memref_slice %arg3[%dma_wait3A_458, %dma_wait3A_459] : memref<100000x128xf32, #tpu.memory_space<hbm>> -> memref<100000x128xf32, #tpu.memory_space<hbm>>
      tpu.wait_indirect_dma semaphore(%arg21 : memref<!tpu.dma_semaphore, #tpu.memory_space<semaphore_mem>>) src(%dma_wait3A_460 : memref<100000x128xf32, #tpu.memory_space<hbm>>) dst(%arg12 : memref<100x128xf32, #tpu.memory_space<vmem>>)
      %parallel_loop3A_461 = arith.constant 0 : i32
      %parallel_loop3A_462 = arith.constant 25 : i32
      %parallel_loop3A_463 = arith.constant 1 : i32
      %parallel_loop3A_464:8 = scf.for %parallel_loop3A_556 = %parallel_loop3A_461 to %parallel_loop3A_462 step %parallel_loop3A_463 iter_args(%parallel_loop3A_557 = %broadcast_in_dim3A_438, %parallel_loop3A_558 = %broadcast_in_dim3A_440, %parallel_loop3A_559 = %broadcast_in_dim3A_442, %parallel_loop3A_560 = %broadcast_in_dim3A_444, %parallel_loop3A_561 = %broadcast_in_dim3A_446, %parallel_loop3A_562 = %broadcast_in_dim3A_448, %parallel_loop3A_563 = %broadcast_in_dim3A_450, %parallel_loop3A_564 = %broadcast_in_dim3A_452) -> (vector<16xf32>, vector<16xf32>, vector<16xf32>, vector<16xf32>, vector<16xf32>, vector<16xf32>, vector<16xf32>, vector<16xf32>)  : i32 {
        %parallel_loop3A_565 = arith.constant 4 : i32
        %parallel_loop3A_566 = arith.muli %parallel_loop3A_556, %parallel_loop3A_565 : i32
        %parallel_loop3A_567 = arith.constant 0 : i32
        %parallel_loop3A_568 = arith.addi %parallel_loop3A_566, %parallel_loop3A_567 : i32
        %parallel_loop3A_569 = arith.index_cast %parallel_loop3A_568 : i32 to index
        %parallel_loop3A_570 = arith.constant 0 : index
        %parallel_loop3A_571 = tpu.vector_load %arg12[%parallel_loop3A_569, %parallel_loop3A_570] {strides = array<i32>} : memref<100x128xf32, #tpu.memory_space<vmem>>, vector<1x16xf32>,
        %parallel_loop3A_572 = vector.shape_cast %parallel_loop3A_571 : vector<1x16xf32> to vector<16xf32>
        %parallel_loop3A_573 = arith.addf %parallel_loop3A_557, %parallel_loop3A_572 : vector<16xf32>
        %parallel_loop3A_574 = arith.index_cast %parallel_loop3A_568 : i32 to index
        %parallel_loop3A_575 = arith.constant 16 : index
        %parallel_loop3A_576 = tpu.vector_load %arg12[%parallel_loop3A_574, %parallel_loop3A_575] {strides = array<i32>} : memref<100x128xf32, #tpu.memory_space<vmem>>, vector<1x16xf32>,
        %parallel_loop3A_577 = vector.shape_cast %parallel_loop3A_576 : vector<1x16xf32> to vector<16xf32>
        %parallel_loop3A_578 = arith.addf %parallel_loop3A_558, %parallel_loop3A_577 : vector<16xf32>
        %parallel_loop3A_579 = arith.index_cast %parallel_loop3A_568 : i32 to index
        %parallel_loop3A_580 = arith.constant 32 : index
        %parallel_loop3A_581 = tpu.vector_load %arg12[%parallel_loop3A_579, %parallel_loop3A_580] {strides = array<i32>} : memref<100x128xf32, #tpu.memory_space<vmem>>, vector<1x16xf32>,
        %parallel_loop3A_582 = vector.shape_cast %parallel_loop3A_581 : vector<1x16xf32> to vector<16xf32>
        %parallel_loop3A_583 = arith.addf %parallel_loop3A_559, %parallel_loop3A_582 : vector<16xf32>
        %parallel_loop3A_584 = arith.index_cast %parallel_loop3A_568 : i32 to index
        %parallel_loop3A_585 = arith.constant 48 : index
        %parallel_loop3A_586 = tpu.vector_load %arg12[%parallel_loop3A_584, %parallel_loop3A_585] {strides = array<i32>} : memref<100x128xf32, #tpu.memory_space<vmem>>, vector<1x16xf32>,
        %parallel_loop3A_587 = vector.shape_cast %parallel_loop3A_586 : vector<1x16xf32> to vector<16xf32>
        %parallel_loop3A_588 = arith.addf %parallel_loop3A_560, %parallel_loop3A_587 : vector<16xf32>
        %parallel_loop3A_589 = arith.index_cast %parallel_loop3A_568 : i32 to index
        %parallel_loop3A_590 = arith.constant 64 : index
        %parallel_loop3A_591 = tpu.vector_load %arg12[%parallel_loop3A_589, %parallel_loop3A_590] {strides = array<i32>} : memref<100x128xf32, #tpu.memory_space<vmem>>, vector<1x16xf32>,
        %parallel_loop3A_592 = vector.shape_cast %parallel_loop3A_591 : vector<1x16xf32> to vector<16xf32>
        %parallel_loop3A_593 = arith.addf %parallel_loop3A_561, %parallel_loop3A_592 : vector<16xf32>
        %parallel_loop3A_594 = arith.index_cast %parallel_loop3A_568 : i32 to index
        %parallel_loop3A_595 = arith.constant 80 : index
        %parallel_loop3A_596 = tpu.vector_load %arg12[%parallel_loop3A_594, %parallel_loop3A_595] {strides = array<i32>} : memref<100x128xf32, #tpu.memory_space<vmem>>, vector<1x16xf32>,
        %parallel_loop3A_597 = vector.shape_cast %parallel_loop3A_596 : vector<1x16xf32> to vector<16xf32>
        %parallel_loop3A_598 = arith.addf %parallel_loop3A_562, %parallel_loop3A_597 : vector<16xf32>
        %parallel_loop3A_599 = arith.index_cast %parallel_loop3A_568 : i32 to index
        %parallel_loop3A_600 = arith.constant 96 : index
        %parallel_loop3A_601 = tpu.vector_load %arg12[%parallel_loop3A_599, %parallel_loop3A_600] {strides = array<i32>} : memref<100x128xf32, #tpu.memory_space<vmem>>, vector<1x16xf32>,
        %parallel_loop3A_602 = vector.shape_cast %parallel_loop3A_601 : vector<1x16xf32> to vector<16xf32>
        %parallel_loop3A_603 = arith.addf %parallel_loop3A_563, %parallel_loop3A_602 : vector<16xf32>
        %parallel_loop3A_604 = arith.index_cast %parallel_loop3A_568 : i32 to index
        %parallel_loop3A_605 = arith.constant 112 : index
        %parallel_loop3A_606 = tpu.vector_load %arg12[%parallel_loop3A_604, %parallel_loop3A_605] {strides = array<i32>} : memref<100x128xf32, #tpu.memory_space<vmem>>, vector<1x16xf32>,
        %parallel_loop3A_607 = vector.shape_cast %parallel_loop3A_606 : vector<1x16xf32> to vector<16xf32>
        %parallel_loop3A_608 = arith.addf %parallel_loop3A_564, %parallel_loop3A_607 : vector<16xf32>
        %parallel_loop3A_609 = arith.constant 4 : i32
        %parallel_loop3A_610 = arith.muli %parallel_loop3A_556, %parallel_loop3A_609 : i32
        %parallel_loop3A_611 = arith.constant 1 : i32
        %parallel_loop3A_612 = arith.addi %parallel_loop3A_610, %parallel_loop3A_611 : i32
        %parallel_loop3A_613 = arith.index_cast %parallel_loop3A_612 : i32 to index
        %parallel_loop3A_614 = arith.constant 0 : index
        %parallel_loop3A_615 = tpu.vector_load %arg12[%parallel_loop3A_613, %parallel_loop3A_614] {strides = array<i32>} : memref<100x128xf32, #tpu.memory_space<vmem>>, vector<1x16xf32>,
        %parallel_loop3A_616 = vector.shape_cast %parallel_loop3A_615 : vector<1x16xf32> to vector<16xf32>
        %parallel_loop3A_617 = arith.addf %parallel_loop3A_573, %parallel_loop3A_616 : vector<16xf32>
        %parallel_loop3A_618 = arith.index_cast %parallel_loop3A_612 : i32 to index
        %parallel_loop3A_619 = arith.constant 16 : index
        %parallel_loop3A_620 = tpu.vector_load %arg12[%parallel_loop3A_618, %parallel_loop3A_619] {strides = array<i32>} : memref<100x128xf32, #tpu.memory_space<vmem>>, vector<1x16xf32>,
        %parallel_loop3A_621 = vector.shape_cast %parallel_loop3A_620 : vector<1x16xf32> to vector<16xf32>
        %parallel_loop3A_622 = arith.addf %parallel_loop3A_578, %parallel_loop3A_621 : vector<16xf32>
        %parallel_loop3A_623 = arith.index_cast %parallel_loop3A_612 : i32 to index
        %parallel_loop3A_624 = arith.constant 32 : index
        %parallel_loop3A_625 = tpu.vector_load %arg12[%parallel_loop3A_623, %parallel_loop3A_624] {strides = array<i32>} : memref<100x128xf32, #tpu.memory_space<vmem>>, vector<1x16xf32>,
        %parallel_loop3A_626 = vector.shape_cast %parallel_loop3A_625 : vector<1x16xf32> to vector<16xf32>
        %parallel_loop3A_627 = arith.addf %parallel_loop3A_583, %parallel_loop3A_626 : vector<16xf32>
        %parallel_loop3A_628 = arith.index_cast %parallel_loop3A_612 : i32 to index
        %parallel_loop3A_629 = arith.constant 48 : index
        %parallel_loop3A_630 = tpu.vector_load %arg12[%parallel_loop3A_628, %parallel_loop3A_629] {strides = array<i32>} : memref<100x128xf32, #tpu.memory_space<vmem>>, vector<1x16xf32>,
        %parallel_loop3A_631 = vector.shape_cast %parallel_loop3A_630 : vector<1x16xf32> to vector<16xf32>
        %parallel_loop3A_632 = arith.addf %parallel_loop3A_588, %parallel_loop3A_631 : vector<16xf32>
        %parallel_loop3A_633 = arith.index_cast %parallel_loop3A_612 : i32 to index
        %parallel_loop3A_634 = arith.constant 64 : index
        %parallel_loop3A_635 = tpu.vector_load %arg12[%parallel_loop3A_633, %parallel_loop3A_634] {strides = array<i32>} : memref<100x128xf32, #tpu.memory_space<vmem>>, vector<1x16xf32>,
        %parallel_loop3A_636 = vector.shape_cast %parallel_loop3A_635 : vector<1x16xf32> to vector<16xf32>
        %parallel_loop3A_637 = arith.addf %parallel_loop3A_593, %parallel_loop3A_636 : vector<16xf32>
        %parallel_loop3A_638 = arith.index_cast %parallel_loop3A_612 : i32 to index
        %parallel_loop3A_639 = arith.constant 80 : index
        %parallel_loop3A_640 = tpu.vector_load %arg12[%parallel_loop3A_638, %parallel_loop3A_639] {strides = array<i32>} : memref<100x128xf32, #tpu.memory_space<vmem>>, vector<1x16xf32>,
        %parallel_loop3A_641 = vector.shape_cast %parallel_loop3A_640 : vector<1x16xf32> to vector<16xf32>
        %parallel_loop3A_642 = arith.addf %parallel_loop3A_598, %parallel_loop3A_641 : vector<16xf32>
        %parallel_loop3A_643 = arith.index_cast %parallel_loop3A_612 : i32 to index
        %parallel_loop3A_644 = arith.constant 96 : index
        %parallel_loop3A_645 = tpu.vector_load %arg12[%parallel_loop3A_643, %parallel_loop3A_644] {strides = array<i32>} : memref<100x128xf32, #tpu.memory_space<vmem>>, vector<1x16xf32>,
        %parallel_loop3A_646 = vector.shape_cast %parallel_loop3A_645 : vector<1x16xf32> to vector<16xf32>
        %parallel_loop3A_647 = arith.addf %parallel_loop3A_603, %parallel_loop3A_646 : vector<16xf32>
        %parallel_loop3A_648 = arith.index_cast %parallel_loop3A_612 : i32 to index
        %parallel_loop3A_649 = arith.constant 112 : index
        %parallel_loop3A_650 = tpu.vector_load %arg12[%parallel_loop3A_648, %parallel_loop3A_649] {strides = array<i32>} : memref<100x128xf32, #tpu.memory_space<vmem>>, vector<1x16xf32>,
        %parallel_loop3A_651 = vector.shape_cast %parallel_loop3A_650 : vector<1x16xf32> to vector<16xf32>
        %parallel_loop3A_652 = arith.addf %parallel_loop3A_608, %parallel_loop3A_651 : vector<16xf32>
        %parallel_loop3A_653 = arith.constant 4 : i32
        %parallel_loop3A_654 = arith.muli %parallel_loop3A_556, %parallel_loop3A_653 : i32
        %parallel_loop3A_655 = arith.constant 2 : i32
        %parallel_loop3A_656 = arith.addi %parallel_loop3A_654, %parallel_loop3A_655 : i32
        %parallel_loop3A_657 = arith.index_cast %parallel_loop3A_656 : i32 to index
        %parallel_loop3A_658 = arith.constant 0 : index
        %parallel_loop3A_659 = tpu.vector_load %arg12[%parallel_loop3A_657, %parallel_loop3A_658] {strides = array<i32>} : memref<100x128xf32, #tpu.memory_space<vmem>>, vector<1x16xf32>,
        %parallel_loop3A_660 = vector.shape_cast %parallel_loop3A_659 : vector<1x16xf32> to vector<16xf32>
        %parallel_loop3A_661 = arith.addf %parallel_loop3A_617, %parallel_loop3A_660 : vector<16xf32>
        %parallel_loop3A_662 = arith.index_cast %parallel_loop3A_656 : i32 to index
        %parallel_loop3A_663 = arith.constant 16 : index
        %parallel_loop3A_664 = tpu.vector_load %arg12[%parallel_loop3A_662, %parallel_loop3A_663] {strides = array<i32>} : memref<100x128xf32, #tpu.memory_space<vmem>>, vector<1x16xf32>,
        %parallel_loop3A_665 = vector.shape_cast %parallel_loop3A_664 : vector<1x16xf32> to vector<16xf32>
        %parallel_loop3A_666 = arith.addf %parallel_loop3A_622, %parallel_loop3A_665 : vector<16xf32>
        %parallel_loop3A_667 = arith.index_cast %parallel_loop3A_656 : i32 to index
        %parallel_loop3A_668 = arith.constant 32 : index
        %parallel_loop3A_669 = tpu.vector_load %arg12[%parallel_loop3A_667, %parallel_loop3A_668] {strides = array<i32>} : memref<100x128xf32, #tpu.memory_space<vmem>>, vector<1x16xf32>,
        %parallel_loop3A_670 = vector.shape_cast %parallel_loop3A_669 : vector<1x16xf32> to vector<16xf32>
        %parallel_loop3A_671 = arith.addf %parallel_loop3A_627, %parallel_loop3A_670 : vector<16xf32>
        %parallel_loop3A_672 = arith.index_cast %parallel_loop3A_656 : i32 to index
        %parallel_loop3A_673 = arith.constant 48 : index
        %parallel_loop3A_674 = tpu.vector_load %arg12[%parallel_loop3A_672, %parallel_loop3A_673] {strides = array<i32>} : memref<100x128xf32, #tpu.memory_space<vmem>>, vector<1x16xf32>,
        %parallel_loop3A_675 = vector.shape_cast %parallel_loop3A_674 : vector<1x16xf32> to vector<16xf32>
        %parallel_loop3A_676 = arith.addf %parallel_loop3A_632, %parallel_loop3A_675 : vector<16xf32>
        %parallel_loop3A_677 = arith.index_cast %parallel_loop3A_656 : i32 to index
        %parallel_loop3A_678 = arith.constant 64 : index
        %parallel_loop3A_679 = tpu.vector_load %arg12[%parallel_loop3A_677, %parallel_loop3A_678] {strides = array<i32>} : memref<100x128xf32, #tpu.memory_space<vmem>>, vector<1x16xf32>,
        %parallel_loop3A_680 = vector.shape_cast %parallel_loop3A_679 : vector<1x16xf32> to vector<16xf32>
        %parallel_loop3A_681 = arith.addf %parallel_loop3A_637, %parallel_loop3A_680 : vector<16xf32>
        %parallel_loop3A_682 = arith.index_cast %parallel_loop3A_656 : i32 to index
        %parallel_loop3A_683 = arith.constant 80 : index
        %parallel_loop3A_684 = tpu.vector_load %arg12[%parallel_loop3A_682, %parallel_loop3A_683] {strides = array<i32>} : memref<100x128xf32, #tpu.memory_space<vmem>>, vector<1x16xf32>,
        %parallel_loop3A_685 = vector.shape_cast %parallel_loop3A_684 : vector<1x16xf32> to vector<16xf32>
        %parallel_loop3A_686 = arith.addf %parallel_loop3A_642, %parallel_loop3A_685 : vector<16xf32>
        %parallel_loop3A_687 = arith.index_cast %parallel_loop3A_656 : i32 to index
        %parallel_loop3A_688 = arith.constant 96 : index
        %parallel_loop3A_689 = tpu.vector_load %arg12[%parallel_loop3A_687, %parallel_loop3A_688] {strides = array<i32>} : memref<100x128xf32, #tpu.memory_space<vmem>>, vector<1x16xf32>,
        %parallel_loop3A_690 = vector.shape_cast %parallel_loop3A_689 : vector<1x16xf32> to vector<16xf32>
        %parallel_loop3A_691 = arith.addf %parallel_loop3A_647, %parallel_loop3A_690 : vector<16xf32>
        %parallel_loop3A_692 = arith.index_cast %parallel_loop3A_656 : i32 to index
        %parallel_loop3A_693 = arith.constant 112 : index
        %parallel_loop3A_694 = tpu.vector_load %arg12[%parallel_loop3A_692, %parallel_loop3A_693] {strides = array<i32>} : memref<100x128xf32, #tpu.memory_space<vmem>>, vector<1x16xf32>,
        %parallel_loop3A_695 = vector.shape_cast %parallel_loop3A_694 : vector<1x16xf32> to vector<16xf32>
        %parallel_loop3A_696 = arith.addf %parallel_loop3A_652, %parallel_loop3A_695 : vector<16xf32>
        %parallel_loop3A_697 = arith.constant 4 : i32
        %parallel_loop3A_698 = arith.muli %parallel_loop3A_556, %parallel_loop3A_697 : i32
        %parallel_loop3A_699 = arith.constant 3 : i32
        %parallel_loop3A_700 = arith.addi %parallel_loop3A_698, %parallel_loop3A_699 : i32
        %parallel_loop3A_701 = arith.index_cast %parallel_loop3A_700 : i32 to index
        %parallel_loop3A_702 = arith.constant 0 : index
        %parallel_loop3A_703 = tpu.vector_load %arg12[%parallel_loop3A_701, %parallel_loop3A_702] {strides = array<i32>} : memref<100x128xf32, #tpu.memory_space<vmem>>, vector<1x16xf32>,
        %parallel_loop3A_704 = vector.shape_cast %parallel_loop3A_703 : vector<1x16xf32> to vector<16xf32>
        %parallel_loop3A_705 = arith.addf %parallel_loop3A_661, %parallel_loop3A_704 : vector<16xf32>
        %parallel_loop3A_706 = arith.index_cast %parallel_loop3A_700 : i32 to index
        %parallel_loop3A_707 = arith.constant 16 : index
        %parallel_loop3A_708 = tpu.vector_load %arg12[%parallel_loop3A_706, %parallel_loop3A_707] {strides = array<i32>} : memref<100x128xf32, #tpu.memory_space<vmem>>, vector<1x16xf32>,
        %parallel_loop3A_709 = vector.shape_cast %parallel_loop3A_708 : vector<1x16xf32> to vector<16xf32>
        %parallel_loop3A_710 = arith.addf %parallel_loop3A_666, %parallel_loop3A_709 : vector<16xf32>
        %parallel_loop3A_711 = arith.index_cast %parallel_loop3A_700 : i32 to index
        %parallel_loop3A_712 = arith.constant 32 : index
        %parallel_loop3A_713 = tpu.vector_load %arg12[%parallel_loop3A_711, %parallel_loop3A_712] {strides = array<i32>} : memref<100x128xf32, #tpu.memory_space<vmem>>, vector<1x16xf32>,
        %parallel_loop3A_714 = vector.shape_cast %parallel_loop3A_713 : vector<1x16xf32> to vector<16xf32>
        %parallel_loop3A_715 = arith.addf %parallel_loop3A_671, %parallel_loop3A_714 : vector<16xf32>
        %parallel_loop3A_716 = arith.index_cast %parallel_loop3A_700 : i32 to index
        %parallel_loop3A_717 = arith.constant 48 : index
        %parallel_loop3A_718 = tpu.vector_load %arg12[%parallel_loop3A_716, %parallel_loop3A_717] {strides = array<i32>} : memref<100x128xf32, #tpu.memory_space<vmem>>, vector<1x16xf32>,
        %parallel_loop3A_719 = vector.shape_cast %parallel_loop3A_718 : vector<1x16xf32> to vector<16xf32>
        %parallel_loop3A_720 = arith.addf %parallel_loop3A_676, %parallel_loop3A_719 : vector<16xf32>
        %parallel_loop3A_721 = arith.index_cast %parallel_loop3A_700 : i32 to index
        %parallel_loop3A_722 = arith.constant 64 : index
        %parallel_loop3A_723 = tpu.vector_load %arg12[%parallel_loop3A_721, %parallel_loop3A_722] {strides = array<i32>} : memref<100x128xf32, #tpu.memory_space<vmem>>, vector<1x16xf32>,
        %parallel_loop3A_724 = vector.shape_cast %parallel_loop3A_723 : vector<1x16xf32> to vector<16xf32>
        %parallel_loop3A_725 = arith.addf %parallel_loop3A_681, %parallel_loop3A_724 : vector<16xf32>
        %parallel_loop3A_726 = arith.index_cast %parallel_loop3A_700 : i32 to index
        %parallel_loop3A_727 = arith.constant 80 : index
        %parallel_loop3A_728 = tpu.vector_load %arg12[%parallel_loop3A_726, %parallel_loop3A_727] {strides = array<i32>} : memref<100x128xf32, #tpu.memory_space<vmem>>, vector<1x16xf32>,
        %parallel_loop3A_729 = vector.shape_cast %parallel_loop3A_728 : vector<1x16xf32> to vector<16xf32>
        %parallel_loop3A_730 = arith.addf %parallel_loop3A_686, %parallel_loop3A_729 : vector<16xf32>
        %parallel_loop3A_731 = arith.index_cast %parallel_loop3A_700 : i32 to index
        %parallel_loop3A_732 = arith.constant 96 : index
        %parallel_loop3A_733 = tpu.vector_load %arg12[%parallel_loop3A_731, %parallel_loop3A_732] {strides = array<i32>} : memref<100x128xf32, #tpu.memory_space<vmem>>, vector<1x16xf32>,
        %parallel_loop3A_734 = vector.shape_cast %parallel_loop3A_733 : vector<1x16xf32> to vector<16xf32>
        %parallel_loop3A_735 = arith.addf %parallel_loop3A_691, %parallel_loop3A_734 : vector<16xf32>
        %parallel_loop3A_736 = arith.index_cast %parallel_loop3A_700 : i32 to index
        %parallel_loop3A_737 = arith.constant 112 : index
        %parallel_loop3A_738 = tpu.vector_load %arg12[%parallel_loop3A_736, %parallel_loop3A_737] {strides = array<i32>} : memref<100x128xf32, #tpu.memory_space<vmem>>, vector<1x16xf32>,
        %parallel_loop3A_739 = vector.shape_cast %parallel_loop3A_738 : vector<1x16xf32> to vector<16xf32>
        %parallel_loop3A_740 = arith.addf %parallel_loop3A_696, %parallel_loop3A_739 : vector<16xf32>
        scf.yield %parallel_loop3A_705, %parallel_loop3A_710, %parallel_loop3A_715, %parallel_loop3A_720, %parallel_loop3A_725, %parallel_loop3A_730, %parallel_loop3A_735, %parallel_loop3A_740 : vector<16xf32>, vector<16xf32>, vector<16xf32>, vector<16xf32>, vector<16xf32>, vector<16xf32>, vector<16xf32>, vector<16xf32>
      } {sc.loop_unroll_factor = 1 : i64, sc.parallel_access}
      %add3A_465 = arith.constant 1 : i32
      %add3A_466 = arith.addi %scan3A_72, %add3A_465 : i32
      %lt3A_467 = arith.constant 8 : i32
      %lt3A_468 = arith.cmpi slt, %add3A_466, %lt3A_467 : i32
      %convert_element_type3A_469 = arith.extui %lt3A_468 : i1 to i32
      %cond3A_470 = arith.constant 0 : i32
      %cond3A_471 = arith.cmpi ne, %convert_element_type3A_469, %cond3A_470 : i32
      scf.if %cond3A_471 {
        %add3A_556 = arith.constant 1 : i32
        %add3A_557 = arith.addi %scan3A_72, %add3A_556 : i32
        %mul3A_558 = arith.constant 4 : i32
        %mul3A_559 = arith.muli %add3A_557, %mul3A_558 : i32
        %add3A_560 = arith.constant 3 : i32
        %add3A_561 = arith.addi %mul3A_559, %add3A_560 : i32
        %dma_start3A_562 = arith.constant 0 : i32
        %dma_start3A_563 = arith.constant 0 : i32
        %dma_start3A_564 = tpu.memref_slice %arg5[%add3A_561, %dma_start3A_562, %dma_start3A_563] : memref<32x2x100xi32, #tpu.memory_space<vmem>> -> memref<1x1x100xi32, #tpu.memory_space<vmem>>
        %dma_start3A_565 = tpu.memref_squeeze %dma_start3A_564 : memref<1x1x100xi32, #tpu.memory_space<vmem>> -> memref<100xi32, #tpu.memory_space<vmem>>
        %dma_start3A_566 = arith.constant 0 : i32
        %dma_start3A_567 = arith.constant 0 : i32
        %dma_start3A_568 = tpu.memref_slice %arg3[%dma_start3A_566, %dma_start3A_567] : memref<100000x128xf32, #tpu.memory_space<hbm>> -> memref<100000x128xf32, #tpu.memory_space<hbm>>
        tpu.enqueue_indirect_dma source(%dma_start3A_568 : memref<100000x128xf32, #tpu.memory_space<hbm>>) target(%arg12 : memref<100x128xf32, #tpu.memory_space<vmem>>) offsets(%dma_start3A_565 : memref<100xi32, #tpu.memory_space<vmem>>) semaphore(%arg21 : memref<!tpu.dma_semaphore, #tpu.memory_space<semaphore_mem>>)
      } else {
      }
      %dma_wait3A_472 = arith.constant 0 : i32
      %dma_wait3A_473 = arith.constant 0 : i32
      %dma_wait3A_474 = arith.constant 0 : i32
      %dma_wait3A_475 = tpu.memref_slice %arg5[%dma_wait3A_472, %dma_wait3A_473, %dma_wait3A_474] : memref<32x2x100xi32, #tpu.memory_space<vmem>> -> memref<1x1x100xi32, #tpu.memory_space<vmem>>
      %dma_wait3A_476 = tpu.memref_squeeze %dma_wait3A_475 : memref<1x1x100xi32, #tpu.memory_space<vmem>> -> memref<100xi32, #tpu.memory_space<vmem>>
      %dma_wait3A_477 = arith.constant 0 : i32
      %dma_wait3A_478 = arith.constant 0 : i32
      %dma_wait3A_479 = tpu.memref_slice %arg3[%dma_wait3A_477, %dma_wait3A_478] : memref<100000x128xf32, #tpu.memory_space<hbm>> -> memref<100000x128xf32, #tpu.memory_space<hbm>>
      tpu.wait_indirect_dma semaphore(%arg22 : memref<!tpu.dma_semaphore, #tpu.memory_space<semaphore_mem>>) src(%dma_wait3A_479 : memref<100000x128xf32, #tpu.memory_space<hbm>>) dst(%arg13 : memref<100x128xf32, #tpu.memory_space<vmem>>)
      %parallel_loop3A_480 = arith.constant 0 : i32
      %parallel_loop3A_481 = arith.constant 25 : i32
      %parallel_loop3A_482 = arith.constant 1 : i32
      %parallel_loop3A_483:8 = scf.for %parallel_loop3A_556 = %parallel_loop3A_480 to %parallel_loop3A_481 step %parallel_loop3A_482 iter_args(%parallel_loop3A_557 = %parallel_loop3A_464#0, %parallel_loop3A_558 = %parallel_loop3A_464#1, %parallel_loop3A_559 = %parallel_loop3A_464#2, %parallel_loop3A_560 = %parallel_loop3A_464#3, %parallel_loop3A_561 = %parallel_loop3A_464#4, %parallel_loop3A_562 = %parallel_loop3A_464#5, %parallel_loop3A_563 = %parallel_loop3A_464#6, %parallel_loop3A_564 = %parallel_loop3A_464#7) -> (vector<16xf32>, vector<16xf32>, vector<16xf32>, vector<16xf32>, vector<16xf32>, vector<16xf32>, vector<16xf32>, vector<16xf32>)  : i32 {
        %parallel_loop3A_565 = arith.constant 4 : i32
        %parallel_loop3A_566 = arith.muli %parallel_loop3A_556, %parallel_loop3A_565 : i32
        %parallel_loop3A_567 = arith.constant 0 : i32
        %parallel_loop3A_568 = arith.addi %parallel_loop3A_566, %parallel_loop3A_567 : i32
        %parallel_loop3A_569 = arith.index_cast %parallel_loop3A_568 : i32 to index
        %parallel_loop3A_570 = arith.constant 0 : index
        %parallel_loop3A_571 = tpu.vector_load %arg13[%parallel_loop3A_569, %parallel_loop3A_570] {strides = array<i32>} : memref<100x128xf32, #tpu.memory_space<vmem>>, vector<1x16xf32>,
        %parallel_loop3A_572 = vector.shape_cast %parallel_loop3A_571 : vector<1x16xf32> to vector<16xf32>
        %parallel_loop3A_573 = arith.addf %parallel_loop3A_557, %parallel_loop3A_572 : vector<16xf32>
        %parallel_loop3A_574 = arith.index_cast %parallel_loop3A_568 : i32 to index
        %parallel_loop3A_575 = arith.constant 16 : index
        %parallel_loop3A_576 = tpu.vector_load %arg13[%parallel_loop3A_574, %parallel_loop3A_575] {strides = array<i32>} : memref<100x128xf32, #tpu.memory_space<vmem>>, vector<1x16xf32>,
        %parallel_loop3A_577 = vector.shape_cast %parallel_loop3A_576 : vector<1x16xf32> to vector<16xf32>
        %parallel_loop3A_578 = arith.addf %parallel_loop3A_558, %parallel_loop3A_577 : vector<16xf32>
        %parallel_loop3A_579 = arith.index_cast %parallel_loop3A_568 : i32 to index
        %parallel_loop3A_580 = arith.constant 32 : index
        %parallel_loop3A_581 = tpu.vector_load %arg13[%parallel_loop3A_579, %parallel_loop3A_580] {strides = array<i32>} : memref<100x128xf32, #tpu.memory_space<vmem>>, vector<1x16xf32>,
        %parallel_loop3A_582 = vector.shape_cast %parallel_loop3A_581 : vector<1x16xf32> to vector<16xf32>
        %parallel_loop3A_583 = arith.addf %parallel_loop3A_559, %parallel_loop3A_582 : vector<16xf32>
        %parallel_loop3A_584 = arith.index_cast %parallel_loop3A_568 : i32 to index
        %parallel_loop3A_585 = arith.constant 48 : index
        %parallel_loop3A_586 = tpu.vector_load %arg13[%parallel_loop3A_584, %parallel_loop3A_585] {strides = array<i32>} : memref<100x128xf32, #tpu.memory_space<vmem>>, vector<1x16xf32>,
        %parallel_loop3A_587 = vector.shape_cast %parallel_loop3A_586 : vector<1x16xf32> to vector<16xf32>
        %parallel_loop3A_588 = arith.addf %parallel_loop3A_560, %parallel_loop3A_587 : vector<16xf32>
        %parallel_loop3A_589 = arith.index_cast %parallel_loop3A_568 : i32 to index
        %parallel_loop3A_590 = arith.constant 64 : index
        %parallel_loop3A_591 = tpu.vector_load %arg13[%parallel_loop3A_589, %parallel_loop3A_590] {strides = array<i32>} : memref<100x128xf32, #tpu.memory_space<vmem>>, vector<1x16xf32>,
        %parallel_loop3A_592 = vector.shape_cast %parallel_loop3A_591 : vector<1x16xf32> to vector<16xf32>
        %parallel_loop3A_593 = arith.addf %parallel_loop3A_561, %parallel_loop3A_592 : vector<16xf32>
        %parallel_loop3A_594 = arith.index_cast %parallel_loop3A_568 : i32 to index
        %parallel_loop3A_595 = arith.constant 80 : index
        %parallel_loop3A_596 = tpu.vector_load %arg13[%parallel_loop3A_594, %parallel_loop3A_595] {strides = array<i32>} : memref<100x128xf32, #tpu.memory_space<vmem>>, vector<1x16xf32>,
        %parallel_loop3A_597 = vector.shape_cast %parallel_loop3A_596 : vector<1x16xf32> to vector<16xf32>
        %parallel_loop3A_598 = arith.addf %parallel_loop3A_562, %parallel_loop3A_597 : vector<16xf32>
        %parallel_loop3A_599 = arith.index_cast %parallel_loop3A_568 : i32 to index
        %parallel_loop3A_600 = arith.constant 96 : index
        %parallel_loop3A_601 = tpu.vector_load %arg13[%parallel_loop3A_599, %parallel_loop3A_600] {strides = array<i32>} : memref<100x128xf32, #tpu.memory_space<vmem>>, vector<1x16xf32>,
        %parallel_loop3A_602 = vector.shape_cast %parallel_loop3A_601 : vector<1x16xf32> to vector<16xf32>
        %parallel_loop3A_603 = arith.addf %parallel_loop3A_563, %parallel_loop3A_602 : vector<16xf32>
        %parallel_loop3A_604 = arith.index_cast %parallel_loop3A_568 : i32 to index
        %parallel_loop3A_605 = arith.constant 112 : index
        %parallel_loop3A_606 = tpu.vector_load %arg13[%parallel_loop3A_604, %parallel_loop3A_605] {strides = array<i32>} : memref<100x128xf32, #tpu.memory_space<vmem>>, vector<1x16xf32>,
        %parallel_loop3A_607 = vector.shape_cast %parallel_loop3A_606 : vector<1x16xf32> to vector<16xf32>
        %parallel_loop3A_608 = arith.addf %parallel_loop3A_564, %parallel_loop3A_607 : vector<16xf32>
        %parallel_loop3A_609 = arith.constant 4 : i32
        %parallel_loop3A_610 = arith.muli %parallel_loop3A_556, %parallel_loop3A_609 : i32
        %parallel_loop3A_611 = arith.constant 1 : i32
        %parallel_loop3A_612 = arith.addi %parallel_loop3A_610, %parallel_loop3A_611 : i32
        %parallel_loop3A_613 = arith.index_cast %parallel_loop3A_612 : i32 to index
        %parallel_loop3A_614 = arith.constant 0 : index
        %parallel_loop3A_615 = tpu.vector_load %arg13[%parallel_loop3A_613, %parallel_loop3A_614] {strides = array<i32>} : memref<100x128xf32, #tpu.memory_space<vmem>>, vector<1x16xf32>,
        %parallel_loop3A_616 = vector.shape_cast %parallel_loop3A_615 : vector<1x16xf32> to vector<16xf32>
        %parallel_loop3A_617 = arith.addf %parallel_loop3A_573, %parallel_loop3A_616 : vector<16xf32>
        %parallel_loop3A_618 = arith.index_cast %parallel_loop3A_612 : i32 to index
        %parallel_loop3A_619 = arith.constant 16 : index
        %parallel_loop3A_620 = tpu.vector_load %arg13[%parallel_loop3A_618, %parallel_loop3A_619] {strides = array<i32>} : memref<100x128xf32, #tpu.memory_space<vmem>>, vector<1x16xf32>,
        %parallel_loop3A_621 = vector.shape_cast %parallel_loop3A_620 : vector<1x16xf32> to vector<16xf32>
        %parallel_loop3A_622 = arith.addf %parallel_loop3A_578, %parallel_loop3A_621 : vector<16xf32>
        %parallel_loop3A_623 = arith.index_cast %parallel_loop3A_612 : i32 to index
        %parallel_loop3A_624 = arith.constant 32 : index
        %parallel_loop3A_625 = tpu.vector_load %arg13[%parallel_loop3A_623, %parallel_loop3A_624] {strides = array<i32>} : memref<100x128xf32, #tpu.memory_space<vmem>>, vector<1x16xf32>,
        %parallel_loop3A_626 = vector.shape_cast %parallel_loop3A_625 : vector<1x16xf32> to vector<16xf32>
        %parallel_loop3A_627 = arith.addf %parallel_loop3A_583, %parallel_loop3A_626 : vector<16xf32>
        %parallel_loop3A_628 = arith.index_cast %parallel_loop3A_612 : i32 to index
        %parallel_loop3A_629 = arith.constant 48 : index
        %parallel_loop3A_630 = tpu.vector_load %arg13[%parallel_loop3A_628, %parallel_loop3A_629] {strides = array<i32>} : memref<100x128xf32, #tpu.memory_space<vmem>>, vector<1x16xf32>,
        %parallel_loop3A_631 = vector.shape_cast %parallel_loop3A_630 : vector<1x16xf32> to vector<16xf32>
        %parallel_loop3A_632 = arith.addf %parallel_loop3A_588, %parallel_loop3A_631 : vector<16xf32>
        %parallel_loop3A_633 = arith.index_cast %parallel_loop3A_612 : i32 to index
        %parallel_loop3A_634 = arith.constant 64 : index
        %parallel_loop3A_635 = tpu.vector_load %arg13[%parallel_loop3A_633, %parallel_loop3A_634] {strides = array<i32>} : memref<100x128xf32, #tpu.memory_space<vmem>>, vector<1x16xf32>,
        %parallel_loop3A_636 = vector.shape_cast %parallel_loop3A_635 : vector<1x16xf32> to vector<16xf32>
        %parallel_loop3A_637 = arith.addf %parallel_loop3A_593, %parallel_loop3A_636 : vector<16xf32>
        %parallel_loop3A_638 = arith.index_cast %parallel_loop3A_612 : i32 to index
        %parallel_loop3A_639 = arith.constant 80 : index
        %parallel_loop3A_640 = tpu.vector_load %arg13[%parallel_loop3A_638, %parallel_loop3A_639] {strides = array<i32>} : memref<100x128xf32, #tpu.memory_space<vmem>>, vector<1x16xf32>,
        %parallel_loop3A_641 = vector.shape_cast %parallel_loop3A_640 : vector<1x16xf32> to vector<16xf32>
        %parallel_loop3A_642 = arith.addf %parallel_loop3A_598, %parallel_loop3A_641 : vector<16xf32>
        %parallel_loop3A_643 = arith.index_cast %parallel_loop3A_612 : i32 to index
        %parallel_loop3A_644 = arith.constant 96 : index
        %parallel_loop3A_645 = tpu.vector_load %arg13[%parallel_loop3A_643, %parallel_loop3A_644] {strides = array<i32>} : memref<100x128xf32, #tpu.memory_space<vmem>>, vector<1x16xf32>,
        %parallel_loop3A_646 = vector.shape_cast %parallel_loop3A_645 : vector<1x16xf32> to vector<16xf32>
        %parallel_loop3A_647 = arith.addf %parallel_loop3A_603, %parallel_loop3A_646 : vector<16xf32>
        %parallel_loop3A_648 = arith.index_cast %parallel_loop3A_612 : i32 to index
        %parallel_loop3A_649 = arith.constant 112 : index
        %parallel_loop3A_650 = tpu.vector_load %arg13[%parallel_loop3A_648, %parallel_loop3A_649] {strides = array<i32>} : memref<100x128xf32, #tpu.memory_space<vmem>>, vector<1x16xf32>,
        %parallel_loop3A_651 = vector.shape_cast %parallel_loop3A_650 : vector<1x16xf32> to vector<16xf32>
        %parallel_loop3A_652 = arith.addf %parallel_loop3A_608, %parallel_loop3A_651 : vector<16xf32>
        %parallel_loop3A_653 = arith.constant 4 : i32
        %parallel_loop3A_654 = arith.muli %parallel_loop3A_556, %parallel_loop3A_653 : i32
        %parallel_loop3A_655 = arith.constant 2 : i32
        %parallel_loop3A_656 = arith.addi %parallel_loop3A_654, %parallel_loop3A_655 : i32
        %parallel_loop3A_657 = arith.index_cast %parallel_loop3A_656 : i32 to index
        %parallel_loop3A_658 = arith.constant 0 : index
        %parallel_loop3A_659 = tpu.vector_load %arg13[%parallel_loop3A_657, %parallel_loop3A_658] {strides = array<i32>} : memref<100x128xf32, #tpu.memory_space<vmem>>, vector<1x16xf32>,
        %parallel_loop3A_660 = vector.shape_cast %parallel_loop3A_659 : vector<1x16xf32> to vector<16xf32>
        %parallel_loop3A_661 = arith.addf %parallel_loop3A_617, %parallel_loop3A_660 : vector<16xf32>
        %parallel_loop3A_662 = arith.index_cast %parallel_loop3A_656 : i32 to index
        %parallel_loop3A_663 = arith.constant 16 : index
        %parallel_loop3A_664 = tpu.vector_load %arg13[%parallel_loop3A_662, %parallel_loop3A_663] {strides = array<i32>} : memref<100x128xf32, #tpu.memory_space<vmem>>, vector<1x16xf32>,
        %parallel_loop3A_665 = vector.shape_cast %parallel_loop3A_664 : vector<1x16xf32> to vector<16xf32>
        %parallel_loop3A_666 = arith.addf %parallel_loop3A_622, %parallel_loop3A_665 : vector<16xf32>
        %parallel_loop3A_667 = arith.index_cast %parallel_loop3A_656 : i32 to index
        %parallel_loop3A_668 = arith.constant 32 : index
        %parallel_loop3A_669 = tpu.vector_load %arg13[%parallel_loop3A_667, %parallel_loop3A_668] {strides = array<i32>} : memref<100x128xf32, #tpu.memory_space<vmem>>, vector<1x16xf32>,
        %parallel_loop3A_670 = vector.shape_cast %parallel_loop3A_669 : vector<1x16xf32> to vector<16xf32>
        %parallel_loop3A_671 = arith.addf %parallel_loop3A_627, %parallel_loop3A_670 : vector<16xf32>
        %parallel_loop3A_672 = arith.index_cast %parallel_loop3A_656 : i32 to index
        %parallel_loop3A_673 = arith.constant 48 : index
        %parallel_loop3A_674 = tpu.vector_load %arg13[%parallel_loop3A_672, %parallel_loop3A_673] {strides = array<i32>} : memref<100x128xf32, #tpu.memory_space<vmem>>, vector<1x16xf32>,
        %parallel_loop3A_675 = vector.shape_cast %parallel_loop3A_674 : vector<1x16xf32> to vector<16xf32>
        %parallel_loop3A_676 = arith.addf %parallel_loop3A_632, %parallel_loop3A_675 : vector<16xf32>
        %parallel_loop3A_677 = arith.index_cast %parallel_loop3A_656 : i32 to index
        %parallel_loop3A_678 = arith.constant 64 : index
        %parallel_loop3A_679 = tpu.vector_load %arg13[%parallel_loop3A_677, %parallel_loop3A_678] {strides = array<i32>} : memref<100x128xf32, #tpu.memory_space<vmem>>, vector<1x16xf32>,
        %parallel_loop3A_680 = vector.shape_cast %parallel_loop3A_679 : vector<1x16xf32> to vector<16xf32>
        %parallel_loop3A_681 = arith.addf %parallel_loop3A_637, %parallel_loop3A_680 : vector<16xf32>
        %parallel_loop3A_682 = arith.index_cast %parallel_loop3A_656 : i32 to index
        %parallel_loop3A_683 = arith.constant 80 : index
        %parallel_loop3A_684 = tpu.vector_load %arg13[%parallel_loop3A_682, %parallel_loop3A_683] {strides = array<i32>} : memref<100x128xf32, #tpu.memory_space<vmem>>, vector<1x16xf32>,
        %parallel_loop3A_685 = vector.shape_cast %parallel_loop3A_684 : vector<1x16xf32> to vector<16xf32>
        %parallel_loop3A_686 = arith.addf %parallel_loop3A_642, %parallel_loop3A_685 : vector<16xf32>
        %parallel_loop3A_687 = arith.index_cast %parallel_loop3A_656 : i32 to index
        %parallel_loop3A_688 = arith.constant 96 : index
        %parallel_loop3A_689 = tpu.vector_load %arg13[%parallel_loop3A_687, %parallel_loop3A_688] {strides = array<i32>} : memref<100x128xf32, #tpu.memory_space<vmem>>, vector<1x16xf32>,
        %parallel_loop3A_690 = vector.shape_cast %parallel_loop3A_689 : vector<1x16xf32> to vector<16xf32>
        %parallel_loop3A_691 = arith.addf %parallel_loop3A_647, %parallel_loop3A_690 : vector<16xf32>
        %parallel_loop3A_692 = arith.index_cast %parallel_loop3A_656 : i32 to index
        %parallel_loop3A_693 = arith.constant 112 : index
        %parallel_loop3A_694 = tpu.vector_load %arg13[%parallel_loop3A_692, %parallel_loop3A_693] {strides = array<i32>} : memref<100x128xf32, #tpu.memory_space<vmem>>, vector<1x16xf32>,
        %parallel_loop3A_695 = vector.shape_cast %parallel_loop3A_694 : vector<1x16xf32> to vector<16xf32>
        %parallel_loop3A_696 = arith.addf %parallel_loop3A_652, %parallel_loop3A_695 : vector<16xf32>
        %parallel_loop3A_697 = arith.constant 4 : i32
        %parallel_loop3A_698 = arith.muli %parallel_loop3A_556, %parallel_loop3A_697 : i32
        %parallel_loop3A_699 = arith.constant 3 : i32
        %parallel_loop3A_700 = arith.addi %parallel_loop3A_698, %parallel_loop3A_699 : i32
        %parallel_loop3A_701 = arith.index_cast %parallel_loop3A_700 : i32 to index
        %parallel_loop3A_702 = arith.constant 0 : index
        %parallel_loop3A_703 = tpu.vector_load %arg13[%parallel_loop3A_701, %parallel_loop3A_702] {strides = array<i32>} : memref<100x128xf32, #tpu.memory_space<vmem>>, vector<1x16xf32>,
        %parallel_loop3A_704 = vector.shape_cast %parallel_loop3A_703 : vector<1x16xf32> to vector<16xf32>
        %parallel_loop3A_705 = arith.addf %parallel_loop3A_661, %parallel_loop3A_704 : vector<16xf32>
        %parallel_loop3A_706 = arith.index_cast %parallel_loop3A_700 : i32 to index
        %parallel_loop3A_707 = arith.constant 16 : index
        %parallel_loop3A_708 = tpu.vector_load %arg13[%parallel_loop3A_706, %parallel_loop3A_707] {strides = array<i32>} : memref<100x128xf32, #tpu.memory_space<vmem>>, vector<1x16xf32>,
        %parallel_loop3A_709 = vector.shape_cast %parallel_loop3A_708 : vector<1x16xf32> to vector<16xf32>
        %parallel_loop3A_710 = arith.addf %parallel_loop3A_666, %parallel_loop3A_709 : vector<16xf32>
        %parallel_loop3A_711 = arith.index_cast %parallel_loop3A_700 : i32 to index
        %parallel_loop3A_712 = arith.constant 32 : index
        %parallel_loop3A_713 = tpu.vector_load %arg13[%parallel_loop3A_711, %parallel_loop3A_712] {strides = array<i32>} : memref<100x128xf32, #tpu.memory_space<vmem>>, vector<1x16xf32>,
        %parallel_loop3A_714 = vector.shape_cast %parallel_loop3A_713 : vector<1x16xf32> to vector<16xf32>
        %parallel_loop3A_715 = arith.addf %parallel_loop3A_671, %parallel_loop3A_714 : vector<16xf32>
        %parallel_loop3A_716 = arith.index_cast %parallel_loop3A_700 : i32 to index
        %parallel_loop3A_717 = arith.constant 48 : index
        %parallel_loop3A_718 = tpu.vector_load %arg13[%parallel_loop3A_716, %parallel_loop3A_717] {strides = array<i32>} : memref<100x128xf32, #tpu.memory_space<vmem>>, vector<1x16xf32>,
        %parallel_loop3A_719 = vector.shape_cast %parallel_loop3A_718 : vector<1x16xf32> to vector<16xf32>
        %parallel_loop3A_720 = arith.addf %parallel_loop3A_676, %parallel_loop3A_719 : vector<16xf32>
        %parallel_loop3A_721 = arith.index_cast %parallel_loop3A_700 : i32 to index
        %parallel_loop3A_722 = arith.constant 64 : index
        %parallel_loop3A_723 = tpu.vector_load %arg13[%parallel_loop3A_721, %parallel_loop3A_722] {strides = array<i32>} : memref<100x128xf32, #tpu.memory_space<vmem>>, vector<1x16xf32>,
        %parallel_loop3A_724 = vector.shape_cast %parallel_loop3A_723 : vector<1x16xf32> to vector<16xf32>
        %parallel_loop3A_725 = arith.addf %parallel_loop3A_681, %parallel_loop3A_724 : vector<16xf32>
        %parallel_loop3A_726 = arith.index_cast %parallel_loop3A_700 : i32 to index
        %parallel_loop3A_727 = arith.constant 80 : index
        %parallel_loop3A_728 = tpu.vector_load %arg13[%parallel_loop3A_726, %parallel_loop3A_727] {strides = array<i32>} : memref<100x128xf32, #tpu.memory_space<vmem>>, vector<1x16xf32>,
        %parallel_loop3A_729 = vector.shape_cast %parallel_loop3A_728 : vector<1x16xf32> to vector<16xf32>
        %parallel_loop3A_730 = arith.addf %parallel_loop3A_686, %parallel_loop3A_729 : vector<16xf32>
        %parallel_loop3A_731 = arith.index_cast %parallel_loop3A_700 : i32 to index
        %parallel_loop3A_732 = arith.constant 96 : index
        %parallel_loop3A_733 = tpu.vector_load %arg13[%parallel_loop3A_731, %parallel_loop3A_732] {strides = array<i32>} : memref<100x128xf32, #tpu.memory_space<vmem>>, vector<1x16xf32>,
        %parallel_loop3A_734 = vector.shape_cast %parallel_loop3A_733 : vector<1x16xf32> to vector<16xf32>
        %parallel_loop3A_735 = arith.addf %parallel_loop3A_691, %parallel_loop3A_734 : vector<16xf32>
        %parallel_loop3A_736 = arith.index_cast %parallel_loop3A_700 : i32 to index
        %parallel_loop3A_737 = arith.constant 112 : index
        %parallel_loop3A_738 = tpu.vector_load %arg13[%parallel_loop3A_736, %parallel_loop3A_737] {strides = array<i32>} : memref<100x128xf32, #tpu.memory_space<vmem>>, vector<1x16xf32>,
        %parallel_loop3A_739 = vector.shape_cast %parallel_loop3A_738 : vector<1x16xf32> to vector<16xf32>
        %parallel_loop3A_740 = arith.addf %parallel_loop3A_696, %parallel_loop3A_739 : vector<16xf32>
        scf.yield %parallel_loop3A_705, %parallel_loop3A_710, %parallel_loop3A_715, %parallel_loop3A_720, %parallel_loop3A_725, %parallel_loop3A_730, %parallel_loop3A_735, %parallel_loop3A_740 : vector<16xf32>, vector<16xf32>, vector<16xf32>, vector<16xf32>, vector<16xf32>, vector<16xf32>, vector<16xf32>, vector<16xf32>
      } {sc.loop_unroll_factor = 1 : i64, sc.parallel_access}
      %add3A_484 = arith.constant 1 : i32
      %add3A_485 = arith.addi %scan3A_72, %add3A_484 : i32
      %lt3A_486 = arith.constant 8 : i32
      %lt3A_487 = arith.cmpi slt, %add3A_485, %lt3A_486 : i32
      %convert_element_type3A_488 = arith.extui %lt3A_487 : i1 to i32
      %cond3A_489 = arith.constant 0 : i32
      %cond3A_490 = arith.cmpi ne, %convert_element_type3A_488, %cond3A_489 : i32
      scf.if %cond3A_490 {
        %add3A_556 = arith.constant 1 : i32
        %add3A_557 = arith.addi %scan3A_72, %add3A_556 : i32
        %mul3A_558 = arith.constant 4 : i32
        %mul3A_559 = arith.muli %add3A_557, %mul3A_558 : i32
        %add3A_560 = arith.constant 3 : i32
        %add3A_561 = arith.addi %mul3A_559, %add3A_560 : i32
        %dma_start3A_562 = arith.constant 1 : i32
        %dma_start3A_563 = arith.constant 0 : i32
        %dma_start3A_564 = tpu.memref_slice %arg5[%add3A_561, %dma_start3A_562, %dma_start3A_563] : memref<32x2x100xi32, #tpu.memory_space<vmem>> -> memref<1x1x100xi32, #tpu.memory_space<vmem>>
        %dma_start3A_565 = tpu.memref_squeeze %dma_start3A_564 : memref<1x1x100xi32, #tpu.memory_space<vmem>> -> memref<100xi32, #tpu.memory_space<vmem>>
        %dma_start3A_566 = arith.constant 0 : i32
        %dma_start3A_567 = arith.constant 0 : i32
        %dma_start3A_568 = tpu.memref_slice %arg3[%dma_start3A_566, %dma_start3A_567] : memref<100000x128xf32, #tpu.memory_space<hbm>> -> memref<100000x128xf32, #tpu.memory_space<hbm>>
        tpu.enqueue_indirect_dma source(%dma_start3A_568 : memref<100000x128xf32, #tpu.memory_space<hbm>>) target(%arg13 : memref<100x128xf32, #tpu.memory_space<vmem>>) offsets(%dma_start3A_565 : memref<100xi32, #tpu.memory_space<vmem>>) semaphore(%arg22 : memref<!tpu.dma_semaphore, #tpu.memory_space<semaphore_mem>>)
      } else {
      }
      %mul3A_491 = arith.constant 5.000000e-03 : f32
      %mul3A_492 = vector.broadcast %mul3A_491 : f32 to vector<16xf32>
      %mul3A_493 = arith.mulf %parallel_loop3A_483#0, %mul3A_492 : vector<16xf32>
      %swap3A_494 = arith.index_cast %add3A_436 : i32 to index
      %swap3A_495 = arith.constant 0 : index
      %swap3A_496 = tpu.vector_load %arg14[%swap3A_494, %swap3A_495] {strides = array<i32>} : memref<32x128xf32, #tpu.memory_space<vmem>>, vector<1x16xf32>,
      %swap3A_497 = vector.shape_cast %swap3A_496 : vector<1x16xf32> to vector<16xf32>
      %swap3A_498 = vector.shape_cast %mul3A_493 : vector<16xf32> to vector<1x16xf32>
      tpu.vector_store %arg14[%swap3A_494, %swap3A_495], %swap3A_498 {strides = array<i32>} : memref<32x128xf32, #tpu.memory_space<vmem>>, vector<1x16xf32>,
      %mul3A_499 = arith.constant 5.000000e-03 : f32
      %mul3A_500 = vector.broadcast %mul3A_499 : f32 to vector<16xf32>
      %mul3A_501 = arith.mulf %parallel_loop3A_483#1, %mul3A_500 : vector<16xf32>
      %swap3A_502 = arith.index_cast %add3A_436 : i32 to index
      %swap3A_503 = arith.constant 16 : index
      %swap3A_504 = tpu.vector_load %arg14[%swap3A_502, %swap3A_503] {strides = array<i32>} : memref<32x128xf32, #tpu.memory_space<vmem>>, vector<1x16xf32>,
      %swap3A_505 = vector.shape_cast %swap3A_504 : vector<1x16xf32> to vector<16xf32>
      %swap3A_506 = vector.shape_cast %mul3A_501 : vector<16xf32> to vector<1x16xf32>
      tpu.vector_store %arg14[%swap3A_502, %swap3A_503], %swap3A_506 {strides = array<i32>} : memref<32x128xf32, #tpu.memory_space<vmem>>, vector<1x16xf32>,
      %mul3A_507 = arith.constant 5.000000e-03 : f32
      %mul3A_508 = vector.broadcast %mul3A_507 : f32 to vector<16xf32>
      %mul3A_509 = arith.mulf %parallel_loop3A_483#2, %mul3A_508 : vector<16xf32>
      %swap3A_510 = arith.index_cast %add3A_436 : i32 to index
      %swap3A_511 = arith.constant 32 : index
      %swap3A_512 = tpu.vector_load %arg14[%swap3A_510, %swap3A_511] {strides = array<i32>} : memref<32x128xf32, #tpu.memory_space<vmem>>, vector<1x16xf32>,
      %swap3A_513 = vector.shape_cast %swap3A_512 : vector<1x16xf32> to vector<16xf32>
      %swap3A_514 = vector.shape_cast %mul3A_509 : vector<16xf32> to vector<1x16xf32>
      tpu.vector_store %arg14[%swap3A_510, %swap3A_511], %swap3A_514 {strides = array<i32>} : memref<32x128xf32, #tpu.memory_space<vmem>>, vector<1x16xf32>,
      %mul3A_515 = arith.constant 5.000000e-03 : f32
      %mul3A_516 = vector.broadcast %mul3A_515 : f32 to vector<16xf32>
      %mul3A_517 = arith.mulf %parallel_loop3A_483#3, %mul3A_516 : vector<16xf32>
      %swap3A_518 = arith.index_cast %add3A_436 : i32 to index
      %swap3A_519 = arith.constant 48 : index
      %swap3A_520 = tpu.vector_load %arg14[%swap3A_518, %swap3A_519] {strides = array<i32>} : memref<32x128xf32, #tpu.memory_space<vmem>>, vector<1x16xf32>,
      %swap3A_521 = vector.shape_cast %swap3A_520 : vector<1x16xf32> to vector<16xf32>
      %swap3A_522 = vector.shape_cast %mul3A_517 : vector<16xf32> to vector<1x16xf32>
      tpu.vector_store %arg14[%swap3A_518, %swap3A_519], %swap3A_522 {strides = array<i32>} : memref<32x128xf32, #tpu.memory_space<vmem>>, vector<1x16xf32>,
      %mul3A_523 = arith.constant 5.000000e-03 : f32
      %mul3A_524 = vector.broadcast %mul3A_523 : f32 to vector<16xf32>
      %mul3A_525 = arith.mulf %parallel_loop3A_483#4, %mul3A_524 : vector<16xf32>
      %swap3A_526 = arith.index_cast %add3A_436 : i32 to index
      %swap3A_527 = arith.constant 64 : index
      %swap3A_528 = tpu.vector_load %arg14[%swap3A_526, %swap3A_527] {strides = array<i32>} : memref<32x128xf32, #tpu.memory_space<vmem>>, vector<1x16xf32>,
      %swap3A_529 = vector.shape_cast %swap3A_528 : vector<1x16xf32> to vector<16xf32>
      %swap3A_530 = vector.shape_cast %mul3A_525 : vector<16xf32> to vector<1x16xf32>
      tpu.vector_store %arg14[%swap3A_526, %swap3A_527], %swap3A_530 {strides = array<i32>} : memref<32x128xf32, #tpu.memory_space<vmem>>, vector<1x16xf32>,
      %mul3A_531 = arith.constant 5.000000e-03 : f32
      %mul3A_532 = vector.broadcast %mul3A_531 : f32 to vector<16xf32>
      %mul3A_533 = arith.mulf %parallel_loop3A_483#5, %mul3A_532 : vector<16xf32>
      %swap3A_534 = arith.index_cast %add3A_436 : i32 to index
      %swap3A_535 = arith.constant 80 : index
      %swap3A_536 = tpu.vector_load %arg14[%swap3A_534, %swap3A_535] {strides = array<i32>} : memref<32x128xf32, #tpu.memory_space<vmem>>, vector<1x16xf32>,
      %swap3A_537 = vector.shape_cast %swap3A_536 : vector<1x16xf32> to vector<16xf32>
      %swap3A_538 = vector.shape_cast %mul3A_533 : vector<16xf32> to vector<1x16xf32>
      tpu.vector_store %arg14[%swap3A_534, %swap3A_535], %swap3A_538 {strides = array<i32>} : memref<32x128xf32, #tpu.memory_space<vmem>>, vector<1x16xf32>,
      %mul3A_539 = arith.constant 5.000000e-03 : f32
      %mul3A_540 = vector.broadcast %mul3A_539 : f32 to vector<16xf32>
      %mul3A_541 = arith.mulf %parallel_loop3A_483#6, %mul3A_540 : vector<16xf32>
      %swap3A_542 = arith.index_cast %add3A_436 : i32 to index
      %swap3A_543 = arith.constant 96 : index
      %swap3A_544 = tpu.vector_load %arg14[%swap3A_542, %swap3A_543] {strides = array<i32>} : memref<32x128xf32, #tpu.memory_space<vmem>>, vector<1x16xf32>,
      %swap3A_545 = vector.shape_cast %swap3A_544 : vector<1x16xf32> to vector<16xf32>
      %swap3A_546 = vector.shape_cast %mul3A_541 : vector<16xf32> to vector<1x16xf32>
      tpu.vector_store %arg14[%swap3A_542, %swap3A_543], %swap3A_546 {strides = array<i32>} : memref<32x128xf32, #tpu.memory_space<vmem>>, vector<1x16xf32>,
      %mul3A_547 = arith.constant 5.000000e-03 : f32
      %mul3A_548 = vector.broadcast %mul3A_547 : f32 to vector<16xf32>
      %mul3A_549 = arith.mulf %parallel_loop3A_483#7, %mul3A_548 : vector<16xf32>
      %swap3A_550 = arith.index_cast %add3A_436 : i32 to index
      %swap3A_551 = arith.constant 112 : index
      %swap3A_552 = tpu.vector_load %arg14[%swap3A_550, %swap3A_551] {strides = array<i32>} : memref<32x128xf32, #tpu.memory_space<vmem>>, vector<1x16xf32>,
      %swap3A_553 = vector.shape_cast %swap3A_552 : vector<1x16xf32> to vector<16xf32>
      %swap3A_554 = vector.shape_cast %mul3A_549 : vector<16xf32> to vector<1x16xf32>
      tpu.vector_store %arg14[%swap3A_550, %swap3A_551], %swap3A_554 {strides = array<i32>} : memref<32x128xf32, #tpu.memory_space<vmem>>, vector<1x16xf32>,
      %scan3A_555 = arith.constant 0 : i32
      scf.yield %scan3A_555 : i32
    }
    %scan3A_71 = arith.constant 8 : i32
    "tpu.region"() ({
      %run_scoped3A = tpu.sem_alloc : memref<!tpu.dma_semaphore, #tpu.memory_space<semaphore_mem>>
      %dma_start3A_72 = arith.constant 0 : i32
      %dma_start3A_73 = tpu.memref_slice %arg4[%mul3A_2, %dma_start3A_72] : memref<1024x128xf32, #tpu.memory_space<hbm>> -> memref<32x128xf32, #tpu.memory_space<hbm>>
      %dma_start3A_74 = arith.constant 0 : i32
      %dma_start3A_75 = tpu.memref_slice %arg4[%mul3A_2, %dma_start3A_74] : memref<1024x128xf32, #tpu.memory_space<hbm>> -> memref<32x128xf32, #tpu.memory_space<hbm>>
      tpu.enqueue_dma source(%arg14 : memref<32x128xf32, #tpu.memory_space<vmem>>) target(%dma_start3A_75 : memref<32x128xf32, #tpu.memory_space<hbm>>) target_semaphore(%run_scoped3A : memref<!tpu.dma_semaphore, #tpu.memory_space<semaphore_mem>>)
      %dma_wait3A = arith.constant 0 : i32
      %dma_wait3A_76 = tpu.memref_slice %arg4[%mul3A_2, %dma_wait3A] : memref<1024x128xf32, #tpu.memory_space<hbm>> -> memref<32x128xf32, #tpu.memory_space<hbm>>
      %dma_wait3A_77 = arith.constant 0 : i32
      %dma_wait3A_78 = tpu.memref_slice %arg4[%mul3A_2, %dma_wait3A_77] : memref<1024x128xf32, #tpu.memory_space<hbm>> -> memref<32x128xf32, #tpu.memory_space<hbm>>
      tpu.wait_dma2 semaphore(%run_scoped3A : memref<!tpu.dma_semaphore, #tpu.memory_space<semaphore_mem>>) src(%arg14 : memref<32x128xf32, #tpu.memory_space<vmem>>) dst(%dma_wait3A_78 : memref<32x128xf32, #tpu.memory_space<hbm>>)
      tpu.yield
    }) : () -> ()
    return
  }
}

</mosaic_0001>

<sc_bundles>
// kernel: kernel.3.cloned.1.call-start
scs
__scs_entry_jumppad:
0x0: {  	(pc) =	sbr.rel $0x88, $3  }
0x1: {  	(tag) =	ssettag $0x0;
	lr =	simm.s32 $0x1  }
0x2: {  	[smem:$0x3F9F] =	sst lr;
	_ =	strace $0xD0000000  }
0x3: {  	_ = 	snop  }
0x4: {  	_ = 	snop  }
0x5: {  	_ = 	snop  }
0x6: {  	_ = 	snop  }
0x7: {  	_ = 	snop  }
__scs_overlays_trampoline_lowered:
0x8: {  	[smem:$0x3FAE] =	sst s0  }
0x9: {  	[smem:$0x3FAF] =	sst s1  }
0xa: {  	[smem:$0x3FB0] =	sst s2  }
0xb: {  	[smem:$0x3FB1] =	sst s3  }
0xc: {  	[smem:$0x3FB2] =	sst s4  }
0xd: {  	[smem:$0x3FB3] =	sst s5  }
0xe: {  	[smem:$0x3FB4] =	sst s6  }
0xf: {  	[smem:$0x3FB5] =	sst s7  }
0x10: {  	[smem:$0x3FB6] =	sst s8  }
0x11: {  	[smem:$0x3FB7] =	sst s9;
	s0 =	simm.s32 @!p0 $0x0  }
0x12: {  	s1 =	sld [smem:$0x3F9D];
	s0 =	simm.s32 @p0 $0x1  }
0x13: {  	[smem:$0x3FB8] =	sst s0;
	s0 =	simm.s32 @!p1 $0x0  }
0x14: {  	s2 =	sld [smem:$0x3F9C];
	s0 =	simm.s32 @p1 $0x1  }
0x15: {  	[smem:$0x3FB9] =	sst s0;
	s0 =	simm.s32 @!p2 $0x0  }
0x16: {  	s3 =	sld [smem:$0x3FDB];
	s0 =	simm.s32 @p2 $0x1  }
0x17: {  	s4 =	simm.s32 $0x1BF5;
	[smem:$0x3FBB] =	sst s0  }
0x18: {  	s0 =	sld [smem:$0x3F9E];
	_ =	swait.ge [sflag:s4], $0x0  }
0x19: {  	s7 =	sld [smem:$0x3F9F]  }
0x1a: {  	s8 =	sadd.s32 $0xFFFFE003, lr  }
0x1b: {  	s9 =	sadd.s32 $0xFFFFFEF7, lr;
	s5 =	simm.s32 $0xFFFFFFFF;
	p2 =	slt.u32 s8, $0xFFFFF086  }
0x1c: {  	p1 =	slt.u32 s9, $0xF7A;
	s5 =	simm.s32 @!p2 $0x0  }
0x1d: {  	s5 =	simm.s32 @p1 $0x1;
	p0 =	seq.s32 s7, s2  }
0x1e: {  	s7 =	smul.u32 @!p0 $0xF7A, s2;
	p2 =	seq.s32 @!p0 s5, $0x0  }
0x1f: {  	s9 =	smul.u32 $0xF7A, s1;
	s8 =	simm.s32 @!p0 $0x1BF5;
	p2 =	por !p2, p0  }
0x20: {  	[sflag:s8] =	ssyncset.s32 @!p0 $0xFFFFF086;
	s6 =	sadd.s32 @!p0 s3, s7;
	s7 =	simm.s32 @!p0 $0x108  }
0x21: {  	s3 =	sadd.s32 s3, s9;
	s6 =	sadd.s32 @!p0 $0x88, s6;
	s7 =	simm.s32 @p2 $0x1082  }
0x22: {  	[simem:s7], [sflag:s8] =	dma.local @!p0 [hbm:s6], $0xF7A  }
0x23: {  	s9 =	sor.u32 $0xD0000000, s2;
	s6 =	simm.s32 $0x108;
	_ =	swait.ge @!p0 [sflag:s8], $0x0  }
0x24: {  	s3 =	sadd.s32 $0x88, s3;
	s6 =	simm.s32 @!p1 $0x1082;
	[sflag:s4] =	ssyncset.s32 $0xFFFFF086  }
0x25: {  	[simem:s6], [sflag:s4] =	dma.local [hbm:s3], $0xF7A  }
0x26: {  	[smem:$0x3F9F] =	sst s1;
	(tag) =	ssettag s2;
	_ =	strace s9  }
0x27: {  	s1 =	sld [smem:$0x3FAF]  }
0x28: {  	s2 =	sld [smem:$0x3FB0]  }
0x29: {  	s4 =	sld [smem:$0x3FB2]  }
0x2a: {  	p0 =	seq.s32 s5, $0x0;
	s5 =	sld [smem:$0x3FB3]  }
0x2b: {  	s6 =	sld [smem:$0x3FB4]  }
0x2c: {  	s7 =	sld [smem:$0x3FB5]  }
0x2d: {  	s3 =	simm.s32 $0x108;
	s8 =	sld [smem:$0x3FB6]  }
0x2e: {  	s3 =	simm.s32 @!p0 $0x1082;
	s9 =	sld [smem:$0x3FB7]  }
0x2f: {  	lr =	sadd.s32 s0, s3;
	s0 =	sld [smem:$0x3FAE]  }
0x30: {  	s3 =	sld [smem:$0x3FB1]  }
0x31: {  	[smem:$0x3FBA] =	sst s10  }
0x32: {  	s10 =	sld [smem:$0x3FB8];
	_ =	sdelay $0x3  }
0x33: {  	p0 =	seq.s32 s10, $0x1;
	s10 =	sld [smem:$0x3FBA];
	_ =	sdelay $0x3  }
0x34: {  	[smem:$0x3FBA] =	sst s10  }
0x35: {  	s10 =	sld [smem:$0x3FB9];
	_ =	sdelay $0x3  }
0x36: {  	p1 =	seq.s32 s10, $0x1;
	s10 =	sld [smem:$0x3FBA];
	_ =	sdelay $0x3  }
0x37: {  	[smem:$0x3FBA] =	sst s10  }
0x38: {  	s10 =	sld [smem:$0x3FBB]  }
0x39: {  	_ = 	snop;
	(pc) =	sbr.ind lr, $3  }
0x3a: {  	_ = 	snop  }
0x3b: {  	_ = 	snop  }
0x3c: {  	p2 =	seq.s32 s10, $0x1;
	s10 =	sld [smem:$0x3FBA]  }
0x3d: {  	_ =	shalt  }
0x3e: {  	_ =	shalt  }
0x3f: {  	_ =	shalt  }
0x40: {  	_ =	shalt  }
0x41: {  	_ =	shalt  }
0x42: {  	_ =	shalt  }
0x43: {  	_ =	shalt  }
0x44: {  	_ =	shalt  }
0x45: {  	_ =	shalt  }
0x46: {  	_ =	shalt  }
0x47: {  	_ =	shalt  }
0x48: {  	_ =	shalt  }
0x49: {  	_ =	shalt  }
0x4a: {  	_ =	shalt  }
0x4b: {  	_ =	shalt  }
0x4c: {  	_ =	shalt  }
0x4d: {  	_ =	shalt  }
0x4e: {  	_ =	shalt  }
0x4f: {  	_ =	shalt  }
0x50: {  	_ =	shalt  }
0x51: {  	_ =	shalt  }
0x52: {  	_ =	shalt  }
0x53: {  	_ =	shalt  }
0x54: {  	_ =	shalt  }
0x55: {  	_ =	shalt  }
0x56: {  	_ =	shalt  }
0x57: {  	_ =	shalt  }
0x58: {  	_ =	shalt  }
0x59: {  	_ =	shalt  }
0x5a: {  	_ =	shalt  }
0x5b: {  	_ =	shalt  }
0x5c: {  	_ =	shalt  }
0x5d: {  	_ =	shalt  }
0x5e: {  	_ =	shalt  }
0x5f: {  	_ =	shalt  }
0x60: {  	_ =	shalt  }
0x61: {  	_ =	shalt  }
0x62: {  	_ =	shalt  }
0x63: {  	_ =	shalt  }
0x64: {  	_ =	shalt  }
0x65: {  	_ =	shalt  }
0x66: {  	_ =	shalt  }
0x67: {  	_ =	shalt  }
0x68: {  	_ =	shalt  }
0x69: {  	_ =	shalt  }
0x6a: {  	_ =	shalt  }
0x6b: {  	_ =	shalt  }
0x6c: {  	_ =	shalt  }
0x6d: {  	_ =	shalt  }
0x6e: {  	_ =	shalt  }
0x6f: {  	_ =	shalt  }
0x70: {  	_ =	shalt  }
0x71: {  	_ =	shalt  }
0x72: {  	_ =	shalt  }
0x73: {  	_ =	shalt  }
0x74: {  	_ =	shalt  }
0x75: {  	_ =	shalt  }
0x76: {  	_ =	shalt  }
0x77: {  	_ =	shalt  }
0x78: {  	_ =	shalt  }
0x79: {  	_ =	shalt  }
0x7a: {  	_ =	shalt  }
0x7b: {  	_ =	shalt  }
0x7c: {  	_ =	shalt  }
0x7d: {  	_ =	shalt  }
0x7e: {  	_ =	shalt  }
0x7f: {  	_ =	shalt  }
0x80: {  	_ =	shalt  }
0x81: {  	_ =	shalt  }
0x82: {  	_ =	shalt  }
0x83: {  	_ =	shalt  }
0x84: {  	_ =	shalt  }
0x85: {  	_ =	shalt  }
0x86: {  	_ =	shalt  }
0x87: {  	_ =	shalt  }
.Lfunc_end0:
.L_simem_size_0:
called_computation_lowered:
.L_overlay_start_0:
0x88: {  	s2 =	sld [smem:$0x3FD9]  }
0x89: {  	s3 =	sld [smem:$0x3FFE];
	_ =	sdelay $0x1  }
0x8a: {  	s1 =	srdreg.scid  }
0x8b: {  	s0 =	sand.u32 $0x1, s1  }
0x8c: {  	s17 =	sshll.u32 s0, $0xA;
	s2 =	sadd.s32 s3, s2  }
0x8d: {  	s2 =	sadd.s32 s2, s17  }
0x8e: {  	[smem:$0x3FC6] =	sst s2  }
0x8f: {  	_ = 	snop  }
0x90: {  	s2 =	sld [smem:$0x3FC8]  }
0x91: {  	s18 =	sld [smem:$0x3FD0];
	(tm) =	ssettm $0x1  }
0x92: {  	s4 =	sld [smem:$0x3FFB];
	_ =	sdelay $0x3  }
0x93: {  	_ =	strace s4  }
0x94: {  	s4 =	sld [smem:$0x3FFC];
	_ =	sdelay $0x3  }
0x95: {  	_ =	strace s4  }
0x96: {  	s4 =	sld [smem:$0x3FFD];
	_ =	sdelay $0x3  }
0x97: {  	_ =	strace s4  }
0x98: {  	_ =	strace $0x8FFFFFFF  }
0x99: {  	s19 =	sld [smem:$0x3FDB];
	_ =	sdelay $0x1  }
0x9a: {  	s5 =	simm.s32 $_scs_section_size  }
0x9b: {  	s6 =	simm.s32 $_size__tile_overlayer_lowered;
	s7 =	simm.s32 $_tile_overlayer_lowered  }
0x9c: {  	s22 =	simm.s32 $0x1BFF;
	s21 =	sshll.u32 s7, $0x1;
	s4 =	sadd.s32 s5, s19  }
0x9d: {  	s8 =	simm.s32 $0x0;
	s20 =	sshll.u32 s6, $0x1;
	s6 =	sadd.s32 s21, s4  }
0x9e: {  	[timem:s8], [sflag:s22] =	dma.local [hbm:s6], s20  }
0x9f: {  	_ =	swait.ge [sflag:s22], s20  }
0xa0: {  	s5 =	ssub.s32 $0x0, s20;
	[sflag:s22] =	ssyncset.done $0x0  }
0xa1: {  	[sflag:s22] =	ssyncadd.s32 s5;
	_ =	sdelay $0x1  }
0xa2: {  	s23 =	simm.s32 $0x1B8B  }
0xa3: {  	_ =	swait.ge [sflag:s23], $0x1  }
0xa4: {  	[sflag:s23] =	ssyncset.done $0x0  }
0xa5: {  	s25 =	simm.s32 $0x1B8E;
	s24 =	sld [smem:$0x3FFE];
	[sflag:s23] =	ssyncadd.s32 $0xFFFFFFFF  }
0xa6: {  	s26 =	simm.s32 $execute0_lowered;
	[smem:$0x3FD2] =	sst s25  }
0xa7: {  	s6 =	sshll.u32 s26, $0x1;
	_ =	strace $0x80000046;
	[dreg:$0x1] =	wrdreg $0xFFFFFFFF  }
0xa8: {  	s28 =	simm.s32 $_size_execute0_lowered;
	s4 =	sadd.s32 s4, s6;
	[dreg:$0x0] =	wrdreg $0x0  }
0xa9: {  	s6 =	sshll.u32 s28, $0x1;
	[dreg:$0x2] =	wrdreg s4  }
0xaa: {  	[dreg:$0x3] =	wrdreg s6  }
0xab: {  	[dreg:$0x4] =	wrdreg $0xC0  }
0xac: {  	_ =	task [dreg:s8], $0x5FFFF  }
0xad: {  	[dreg:$0x1] =	wrdreg $0xFFFFFFFF  }
0xae: {  	[dreg:$0x0] =	wrdreg $0x60  }
0xaf: {  	[dreg:$0x2] =	wrdreg s24  }
0xb0: {  	[dreg:$0x3] =	wrdreg s2  }
0xb1: {  	[dreg:$0x4] =	wrdreg s18  }
0xb2: {  	[dreg:$0x5] =	wrdreg $0x9  }
0xb3: {  	_ =	task.clear_ibuf [dreg:s8], $0x6FFFF;
	_ =	strace $0x90000046  }
0xb4: {  	s29 =	simm.s32 $0x9;
	_ =	strace $0x80000048  }
0xb5: {  	_ =	swait.ge [sflag:s29], $0x1  }
0xb6: {  	[sflag:s29] =	ssyncadd.s32 $0xFFFFFFFF  }
0xb7: {  	_ =	strace $0x90000048  }
0xb8: {  	_ =	sfence  }
0xb9: {  	s30 =	sld [smem:$0x0];
	_ =	sdelay $0x2  }
0xba: {  	s31 =	sshll.u32 s1, $0xD;
	s1 =	sshrl.u32 s1, $0x2  }
0xbb: {  	s3 =	sand.u32 $0x4000, s31;
	s1 =	sadd.s32 s1, s30  }
0xbc: {  	s0 =	sor.u32 s3, s0;
	s1 =	sshll.u32 s1, $0x11  }
0xbd: {  	s0 =	sor.u32 s1, s0  }
0xbe: {  	s0 =	sadd.s32 $0x8F2B, s0  }
0xbf: {  	[sflag:s0] =	ssyncadd.remote.s32 $0x1  }
0xc0: {  	_ =	sfence.sel $0xFFFF  }
0xc1: {  	[dreg:$0x0] =	wrdreg $0xFFFFFFFF;
	(pc) =	sbr.abs _section_cstart, $3  }
0xc2: {  	[dreg:$0x1] =	wrdreg $0xFFFFFFFF  }
0xc3: {  	_ =	task.clear_ibuf [dreg:s8], $0x2FFFF;
	_ =	strace $0x9FFFFFFF  }
0xc4: {  	(tm) =	ssettm $0x7FFFFFFF  }
0xc5: {  	_ =	shalt  }
tec
execute0_lowered:
.L_overlay_start_1:
0x0: {  	(tag) =	ssettag $0x1  }
0x1: {  	s0 =	rddreg [dreg:$0x0]  }
0x2: {  	s2 =	rddreg [dreg:$0x1]  }
0x3: {  	s1 =	rddreg [dreg:$0x2]  }
0x4: {  	s3 =	srdreg.scid;
	s5 =	stileid.u32  }
0x5: {  	s8 =	simm.s32 $0x64;
	s16 =	simm.s32 $0x200;
	s17 =	simm.s32 $0xF000  }
0x6: {  	s18 =	simm.s32 $0x280;
	s19 =	simm.s32 $0x12400;
	s20 =	simm.s32 $0x300  }
0x7: {  	s21 =	simm.s32 $0x15800;
	s22 =	simm.s32 $0x380;
	s23 =	simm.s32 $0x18C00  }
0x8: {  	s24 =	simm.s32 $0x1;
	s25 =	simm.s32 $0x2;
	s28 =	simm.s32 $0x4  }
0x9: {  	s29 =	simm.s32 $0x5;
	s30 =	simm.s32 $0x6;
	s31 =	simm.s32 $0x7  }
0xa: {  	s9 =	simm.s32 $0x0;
	s4 =	sand.u32 $0x1, s3;
	s3 =	simm.s32 $0x0  }
0xb: {  	s5 =	sshll.u32 s5, $0x6;
	s6 =	sshll.u32 s4, $0x5;
	s4 =	ssub.s32 $0x2, s4  }
0xc: {  	[smem:$0x7FF] =	sst s3;
	s5 =	sor.u32 s6, s5;
	s7 =	sshrl.u32 s4, $0x1  }
0xd: {  	_ =	strace $0x80000047;
	s6 =	sshll.u32 s5, $0x5;
	s26 =	ssub.s32 s4, s7  }
0xe: {  	s5 =	sshll.u32 s5, $0x4;
	s7 =	simm.s32 $0x9;
	s0 =	sadd.s32 s6, s0  }
0xf: {  	s5 =	sadd.s32 s1, s5;
	s6 =	smax.u32 s26, $0x1;
	s26 =	simm.s32 $0x3  }
0x10: {  	s1 =	simm.s32 $0x1C000;
	s4 =	sadd.s32 $0x400, s0;
	s0 =	simm.s32 $0x8  }
.LBB2_1:
0x11: {  	[tilespmem:s3], [sflag:$0x9] =	stream.linear.gather [hbm4b:s4+s3], $0x2000, $0x38;
	[tilespmem:$0x1D000] =	vst v63  }
0x12: {  	_ =	swait.ge [sflag:s7], $0x2000  }
0x13: {  	[sflag:s7] =	ssyncset.done $0x0  }
0x14: {  	s10 =	simm.s32 $0x2000;
	[sflag:s7] =	ssyncadd.s32 $0xFFFFE000  }
0x15: {  	[tilespmem:s10], [sflag:$0x1] =	stream.indirect.gather [hbm4b:s2+s8], $0x80, s3, s8, $0xb8;
	[tilespmem:$0x1D000] =	vst v63  }
0x16: {  	s15 =	simm.s32 $0x80;
	s11 =	simm.s32 $0x5400  }
0x17: {  	[tilespmem:s11], [sflag:$0x2] =	stream.indirect.gather [hbm4b:s2+s8], $0x80, s15, s8, $0xb8;
	[tilespmem:$0x1D000] =	vst v63  }
0x18: {  	s12 =	simm.s32 $0x100;
	s13 =	simm.s32 $0x8800  }
0x19: {  	[tilespmem:s13], [sflag:$0x3] =	stream.indirect.gather [hbm4b:s2+s8], $0x80, s12, s8, $0xb8;
	[tilespmem:$0x1D000] =	vst v63  }
0x1a: {  	s14 =	simm.s32 $0x180;
	s15 =	simm.s32 $0xBC00  }
0x1b: {  	[tilespmem:s15], [sflag:$0x4] =	stream.indirect.gather [hbm4b:s2+s8], $0x80, s14, s8, $0xb8;
	[tilespmem:$0x1D000] =	vst v63  }
0x1c: {  	_ = 	snop  }
0x1d: {  	[tilespmem:s17], [sflag:$0x5] =	stream.indirect.gather [hbm4b:s2+s8], $0x80, s16, s8, $0xb8;
	[tilespmem:$0x1D000] =	vst v63  }
0x1e: {  	_ = 	snop  }
0x1f: {  	[tilespmem:s19], [sflag:$0x6] =	stream.indirect.gather [hbm4b:s2+s8], $0x80, s18, s8, $0xb8;
	[tilespmem:$0x1D000] =	vst v63  }
0x20: {  	_ = 	snop  }
0x21: {  	[tilespmem:s21], [sflag:$0x7] =	stream.indirect.gather [hbm4b:s2+s8], $0x80, s20, s8, $0xb8;
	[tilespmem:$0x1D000] =	vst v63  }
0x22: {  	s12 =	simm.s32 $0x0  }
0x23: {  	[tilespmem:s23], [sflag:$0x8] =	stream.indirect.gather [hbm4b:s2+s8], $0x80, s22, s8, $0xb8;
	[tilespmem:$0x1D000] =	vst v63  }
.LBB2_2:
0x24: {  	_ =	swait.ge [sflag:s24], $0x3200  }
0x25: {  	[sflag:s24] =	ssyncset.done $0x0  }
0x26: {  	s11 =	simm.s32 $0x0;
	[sflag:s24] =	ssyncadd.s32 $0xFFFFCE00  }
0x27: {  	v5 =	vld [tilespmem:s11+$0x2180]  }
0x28: {  	v6 =	vld [tilespmem:s11+$0x2190]  }
0x29: {  	v7 =	vld [tilespmem:s11+$0x21A0]  }
0x2a: {  	v8 =	vld [tilespmem:s11+$0x21B0]  }
0x2b: {  	v0 =	vld [tilespmem:s11+$0x21C0]  }
0x2c: {  	v1 =	vld [tilespmem:s11+$0x21D0]  }
0x2d: {  	v19 =	vld [tilespmem:s11+$0x2100]  }
0x2e: {  	v21 =	vld [tilespmem:s11+$0x2110]  }
0x2f: {  	v10 =	vld [tilespmem:s11+$0x2120]  }
0x30: {  	v20 =	vld [tilespmem:s11+$0x2130]  }
0x31: {  	v4 =	vld [tilespmem:s11+$0x2140]  }
0x32: {  	v2 =	vld [tilespmem:s11+$0x2080]  }
0x33: {  	v3 =	vld [tilespmem:s11+$0x2090]  }
0x34: {  	v9 =	vld [tilespmem:s11+$0x2000]  }
0x35: {  	v12 =	vld [tilespmem:s11+$0x2010]  }
0x36: {  	v13 =	vld [tilespmem:s11+$0x2020]  }
0x37: {  	v14 =	vld [tilespmem:s11+$0x2030]  }
0x38: {  	v16 =	vld [tilespmem:s11+$0x20A0]  }
0x39: {  	v17 =	vld [tilespmem:s11+$0x20B0]  }
0x3a: {  	v15 =	vimm.f32 $0.0e+00;
	v11 =	vld [tilespmem:s11+$0x2150]  }
0x3b: {  	v22 =	vld [tilespmem:s11+$0x20C0];
	v9 =	vadd.f32 v9, v15  }
0x3c: {  	v25 =	vld [tilespmem:s11+$0x20D0];
	v12 =	vadd.f32 v12, v15;
	v13 =	vadd.f32 v13, v15  }
0x3d: {  	v27 =	vld [tilespmem:s11+$0x2040];
	v14 =	vadd.f32 v14, v15;
	v30 =	vadd.f32 v2, v9  }
0x3e: {  	v18 =	vimm.f32 $0.0e+00;
	v28 =	vld [tilespmem:s11+$0x2050];
	v31 =	vadd.f32 v3, v12;
	v32 =	vadd.f32 v16, v13  }
0x3f: {  	s10 =	simm.s32 $0x800;
	v29 =	vld [tilespmem:s11+$0x2060];
	v33 =	vadd.f32 v17, v14;
	v16 =	vimm.f32 $0.0e+00;
	v17 =	vimm.f32 $0.0e+00  }
.LBB2_3:
0x40: {  	p0 =	sne.s32 s10, $0xC000;
	v2 =	vld [tilespmem:s11+$0x2070];
	v3 =	vadd.f32 v19, v30;
	v9 =	vadd.f32 v21, v31  }
0x41: {  	v12 =	vld [tilespmem:s11+$0x20E0];
	v10 =	vadd.f32 v10, v32;
	v13 =	vadd.f32 v20, v33  }
0x42: {  	v14 =	vld [tilespmem:s11+$0x20F0];
	v3 =	vadd.f32 v5, v3;
	v9 =	vadd.f32 v6, v9  }
0x43: {  	v19 =	vld [tilespmem:s11+$0x2160];
	v23 =	vadd.f32 v7, v10;
	v13 =	vadd.f32 v8, v13  }
0x44: {  	v5 =	vadd.f32 v27, v15;
	v6 =	vadd.f32 v28, v18;
	v8 =	vld [tilespmem:s11+$0x2170]  }
0x45: {  	v7 =	vadd.f32 v29, v16;
	v2 =	vadd.f32 v2, v17;
	v10 =	vld [tilespmem:s11+$0x21E0]  }
0x46: {  	v15 =	vadd.f32 v22, v5;
	v16 =	vadd.f32 v25, v6;
	v17 =	vld [tilespmem:s11+$0x21F0];
	s11 =	sshra.s32 s10, $0x2  }
0x47: {  	v12 =	vadd.f32 v12, v7;
	v5 =	vld [tilespmem:s11+$0x2180];
	v2 =	vadd.f32 v14, v2  }
0x48: {  	v4 =	vadd.f32 v4, v15;
	v11 =	vadd.f32 v11, v16;
	v6 =	vld [tilespmem:s11+$0x2190]  }
0x49: {  	v12 =	vadd.f32 v19, v12;
	v7 =	vld [tilespmem:s11+$0x21A0];
	v2 =	vadd.f32 v8, v2  }
0x4a: {  	v15 =	vadd.f32 v0, v4;
	v18 =	vadd.f32 v1, v11;
	v8 =	vld [tilespmem:s11+$0x21B0]  }
0x4b: {  	v16 =	vadd.f32 v10, v12;
	v0 =	vld [tilespmem:s11+$0x21C0];
	v17 =	vadd.f32 v17, v2  }
0x4c: {  	v1 =	vld [tilespmem:s11+$0x21D0]  }
0x4d: {  	v19 =	vld [tilespmem:s11+$0x2100]  }
0x4e: {  	v21 =	vld [tilespmem:s11+$0x2110]  }
0x4f: {  	v10 =	vld [tilespmem:s11+$0x2120]  }
0x50: {  	v20 =	vld [tilespmem:s11+$0x2130]  }
0x51: {  	v4 =	vld [tilespmem:s11+$0x2140]  }
0x52: {  	v11 =	vld [tilespmem:s11+$0x2150]  }
0x53: {  	v2 =	vld [tilespmem:s11+$0x2080]  }
0x54: {  	v12 =	vld [tilespmem:s11+$0x2090]  }
0x55: {  	v14 =	vld [tilespmem:s11+$0x2000]  }
0x56: {  	v24 =	vld [tilespmem:s11+$0x2010]  }
0x57: {  	v26 =	vld [tilespmem:s11+$0x2020]  }
0x58: {  	v27 =	vld [tilespmem:s11+$0x2030]  }
0x59: {  	v32 =	vld [tilespmem:s11+$0x20A0]  }
0x5a: {  	v33 =	vld [tilespmem:s11+$0x20B0]  }
.Ltmp0:
0x5b: {  	v22 =	vld [tilespmem:s11+$0x20C0];
	(pc) =	sbr.rel @p0 .LBB2_3-.Ltmp0, $4  }
0x5c: {  	v3 =	vadd.f32 v14, v3;
	v9 =	vadd.f32 v24, v9;
	v25 =	vld [tilespmem:s11+$0x20D0]  }
0x5d: {  	v14 =	vadd.f32 v26, v23;
	v13 =	vadd.f32 v27, v13;
	v27 =	vld [tilespmem:s11+$0x2040]  }
0x5e: {  	v30 =	vadd.f32 v2, v3;
	v31 =	vadd.f32 v12, v9;
	v28 =	vld [tilespmem:s11+$0x2050]  }
0x5f: {  	s10 =	sadd.s32 $0x800, s10;
	v32 =	vadd.f32 v32, v14;
	v29 =	vld [tilespmem:s11+$0x2060];
	v33 =	vadd.f32 v33, v13  }
0x60: {  	v34 =	vld [tilespmem:s11+$0x2070]  }
0x61: {  	v35 =	vld [tilespmem:s11+$0x20E0]  }
0x62: {  	v36 =	vld [tilespmem:s11+$0x20F0]  }
0x63: {  	v37 =	vld [tilespmem:s11+$0x2160]  }
0x64: {  	v38 =	vld [tilespmem:s11+$0x2170];
	s10 =	sadd.s32 $0x1, s12;
	p0 =	seq.s32 s12, $0x7  }
0x65: {  	v39 =	vld [tilespmem:s11+$0x21E0];
	s13 =	sshll.u32 @!p0 s10, $0xA  }
0x66: {  	v40 =	vld [tilespmem:s11+$0x21F0];
	s14 =	simm.s32 @!p0 $0x2000;
	s11 =	sand.u32 @!p0 $0x3FFFFC00, s13;
	s13 =	simm.s32 @!p0 $0x64  }
0x67: {  	[tilespmem:s14], [sflag:$0x1] =	stream.indirect.gather @!p0 [hbm4b:s2+s13], $0x80, s11, s13, $0xb8;
	[tilespmem:$0x1D000] =	vst v63  }
0x68: {  	_ =	swait.ge [sflag:s25], $0x3200  }
0x69: {  	[sflag:s25] =	ssyncset.done $0x0  }
0x6a: {  	s13 =	simm.s32 $0x0;
	[sflag:s25] =	ssyncadd.s32 $0xFFFFCE00  }
0x6b: {  	v9 =	vld [tilespmem:s13+$0x5580]  }
0x6c: {  	v12 =	vld [tilespmem:s13+$0x5590]  }
0x6d: {  	v13 =	vld [tilespmem:s13+$0x55A0]  }
0x6e: {  	v14 =	vld [tilespmem:s13+$0x55B0]  }
0x6f: {  	v2 =	vld [tilespmem:s13+$0x55C0]  }
0x70: {  	v3 =	vld [tilespmem:s13+$0x55D0]  }
0x71: {  	v24 =	vld [tilespmem:s13+$0x5500]  }
0x72: {  	v26 =	vld [tilespmem:s13+$0x5510]  }
0x73: {  	v23 =	vld [tilespmem:s13+$0x5520]  }
0x74: {  	v30 =	vadd.f32 v19, v30;
	v21 =	vadd.f32 v21, v31;
	v19 =	vld [tilespmem:s13+$0x5530]  }
0x75: {  	v61 =	vadd.f32 v10, v32;
	v20 =	vadd.f32 v20, v33;
	v10 =	vld [tilespmem:s13+$0x5540]  }
0x76: {  	v30 =	vadd.f32 v5, v30;
	v21 =	vadd.f32 v6, v21;
	v5 =	vld [tilespmem:s13+$0x5550]  }
0x77: {  	v6 =	vadd.f32 v27, v15;
	v31 =	vadd.f32 v7, v61;
	v62 =	vld [tilespmem:s13+$0x5480]  }
0x78: {  	v20 =	vadd.f32 v8, v20;
	v7 =	vadd.f32 v28, v18;
	v18 =	vld [tilespmem:s13+$0x5490]  }
0x79: {  	v8 =	vadd.f32 v29, v16;
	v15 =	vadd.f32 v34, v17;
	v16 =	vld [tilespmem:s13+$0x5400]  }
0x7a: {  	v6 =	vadd.f32 v22, v6;
	v7 =	vadd.f32 v25, v7;
	v17 =	vld [tilespmem:s13+$0x5410]  }
0x7b: {  	v8 =	vadd.f32 v35, v8;
	v15 =	vadd.f32 v36, v15;
	v22 =	vld [tilespmem:s13+$0x5420]  }
0x7c: {  	v4 =	vadd.f32 v4, v6;
	v7 =	vadd.f32 v11, v7;
	v11 =	vld [tilespmem:s13+$0x5430]  }
0x7d: {  	v25 =	vld [tilespmem:s13+$0x54A0];
	v8 =	vadd.f32 v37, v8;
	v15 =	vadd.f32 v38, v15  }
0x7e: {  	v27 =	vld [tilespmem:s13+$0x54B0];
	v6 =	vadd.f32 v0, v4;
	v1 =	vadd.f32 v1, v7  }
0x7f: {  	v7 =	vld [tilespmem:s13+$0x54C0];
	v4 =	vadd.f32 v39, v8;
	v0 =	vadd.f32 v40, v15  }
0x80: {  	v8 =	vld [tilespmem:s13+$0x54D0];
	v16 =	vadd.f32 v16, v30;
	v21 =	vadd.f32 v17, v21  }
0x81: {  	v15 =	vld [tilespmem:s13+$0x5440];
	v22 =	vadd.f32 v22, v31;
	v63 =	vadd.f32 v11, v20  }
0x82: {  	v11 =	vld [tilespmem:s13+$0x5450];
	v17 =	vadd.f32 v62, v16;
	v18 =	vadd.f32 v18, v21  }
0x83: {  	s14 =	simm.s32 $0x800;
	v16 =	vld [tilespmem:s13+$0x5460];
	v20 =	vadd.f32 v25, v22;
	v21 =	vadd.f32 v27, v63  }
.LBB2_5:
0x84: {  	p1 =	sne.s32 s14, $0xC000;
	v22 =	vld [tilespmem:s13+$0x5470];
	v17 =	vadd.f32 v24, v17;
	v18 =	vadd.f32 v26, v18  }
0x85: {  	v24 =	vld [tilespmem:s13+$0x54E0];
	v20 =	vadd.f32 v23, v20;
	v19 =	vadd.f32 v19, v21  }
0x86: {  	v21 =	vld [tilespmem:s13+$0x54F0];
	v17 =	vadd.f32 v9, v17;
	v18 =	vadd.f32 v12, v18  }
0x87: {  	v23 =	vld [tilespmem:s13+$0x5560];
	v20 =	vadd.f32 v13, v20;
	v25 =	vadd.f32 v14, v19  }
0x88: {  	v6 =	vadd.f32 v15, v6;
	v1 =	vadd.f32 v11, v1;
	v11 =	vld [tilespmem:s13+$0x5570]  }
0x89: {  	v4 =	vadd.f32 v16, v4;
	v0 =	vadd.f32 v22, v0;
	v15 =	vld [tilespmem:s13+$0x55E0]  }
0x8a: {  	v6 =	vadd.f32 v7, v6;
	v1 =	vadd.f32 v8, v1;
	v7 =	vld [tilespmem:s13+$0x55F0];
	s13 =	sshra.s32 s14, $0x2  }
0x8b: {  	v4 =	vadd.f32 v24, v4;
	v9 =	vld [tilespmem:s13+$0x5580];
	v0 =	vadd.f32 v21, v0  }
0x8c: {  	v6 =	vadd.f32 v10, v6;
	v1 =	vadd.f32 v5, v1;
	v12 =	vld [tilespmem:s13+$0x5590]  }
0x8d: {  	v4 =	vadd.f32 v23, v4;
	v13 =	vld [tilespmem:s13+$0x55A0];
	v0 =	vadd.f32 v11, v0  }
0x8e: {  	v6 =	vadd.f32 v2, v6;
	v1 =	vadd.f32 v3, v1;
	v14 =	vld [tilespmem:s13+$0x55B0]  }
0x8f: {  	v4 =	vadd.f32 v15, v4;
	v2 =	vld [tilespmem:s13+$0x55C0];
	v0 =	vadd.f32 v7, v0  }
0x90: {  	v3 =	vld [tilespmem:s13+$0x55D0]  }
0x91: {  	v24 =	vld [tilespmem:s13+$0x5500]  }
0x92: {  	v26 =	vld [tilespmem:s13+$0x5510]  }
0x93: {  	v23 =	vld [tilespmem:s13+$0x5520]  }
0x94: {  	v19 =	vld [tilespmem:s13+$0x5530]  }
0x95: {  	v10 =	vld [tilespmem:s13+$0x5540]  }
0x96: {  	v5 =	vld [tilespmem:s13+$0x5550]  }
0x97: {  	v16 =	vld [tilespmem:s13+$0x5480]  }
0x98: {  	v21 =	vld [tilespmem:s13+$0x5490]  }
0x99: {  	v8 =	vld [tilespmem:s13+$0x5400]  }
0x9a: {  	v11 =	vld [tilespmem:s13+$0x5410]  }
0x9b: {  	v15 =	vld [tilespmem:s13+$0x5420]  }
0x9c: {  	v22 =	vld [tilespmem:s13+$0x5430]  }
0x9d: {  	v27 =	vld [tilespmem:s13+$0x54A0]  }
0x9e: {  	v28 =	vld [tilespmem:s13+$0x54B0]  }
.Ltmp1:
0x9f: {  	v7 =	vld [tilespmem:s13+$0x54C0];
	(pc) =	sbr.rel @p1 .LBB2_5-.Ltmp1, $4  }
0xa0: {  	v17 =	vadd.f32 v8, v17;
	v18 =	vadd.f32 v11, v18;
	v8 =	vld [tilespmem:s13+$0x54D0]  }
0xa1: {  	v20 =	vadd.f32 v15, v20;
	v22 =	vadd.f32 v22, v25;
	v15 =	vld [tilespmem:s13+$0x5440]  }
0xa2: {  	v17 =	vadd.f32 v16, v17;
	v18 =	vadd.f32 v21, v18;
	v11 =	vld [tilespmem:s13+$0x5450]  }
0xa3: {  	s14 =	sadd.s32 $0x800, s14;
	v20 =	vadd.f32 v27, v20;
	v16 =	vld [tilespmem:s13+$0x5460];
	v21 =	vadd.f32 v28, v22  }
0xa4: {  	v17 =	vadd.f32 v24, v17;
	v18 =	vadd.f32 v26, v18  }
0xa5: {  	v22 =	vld [tilespmem:s13+$0x5470];
	v20 =	vadd.f32 v23, v20;
	v19 =	vadd.f32 v19, v21  }
0xa6: {  	v24 =	vld [tilespmem:s13+$0x54E0];
	v9 =	vadd.f32 v9, v17;
	v12 =	vadd.f32 v12, v18  }
0xa7: {  	v21 =	vld [tilespmem:s13+$0x54F0];
	v6 =	vadd.f32 v15, v6;
	v13 =	vadd.f32 v13, v20  }
0xa8: {  	v17 =	vld [tilespmem:s13+$0x5560];
	v14 =	vadd.f32 v14, v19;
	v1 =	vadd.f32 v11, v1  }
0xa9: {  	v15 =	vld [tilespmem:s13+$0x5570];
	v4 =	vadd.f32 v16, v4;
	v6 =	vadd.f32 v7, v6  }
0xaa: {  	s14 =	simm.s32 @!p0 $0x64;
	s12 =	sshll.u32 s12, $0x9;
	v11 =	vld [tilespmem:s13+$0x55E0];
	v0 =	vadd.f32 v22, v0;
	v1 =	vadd.f32 v8, v1  }
0xab: {  	s15 =	simm.s32 @!p0 $0x5400;
	s12 =	sand.u32 $0x3FFFFE00, s12;
	v7 =	vld [tilespmem:s13+$0x55F0];
	s13 =	sor.u32 @!p0 $0x80, s11;
	v8 =	vmul.f32 $4.999999890e-03, v9;
	v4 =	vadd.f32 v24, v4;
	v6 =	vadd.f32 v10, v6  }
0xac: {  	[tilespmem:s15], [sflag:$0x2] =	stream.indirect.gather @!p0 [hbm4b:s2+s14], $0x80, s13, s14, $0xb8;
	v0 =	vadd.f32 v21, v0;
	v1 =	vadd.f32 v5, v1;
	v5 =	vmul.f32 $4.999999890e-03, v12;
	[tilespmem:$0x1D000] =	vst v63  }
0xad: {  	[tilespmem:s12+$0x1C000] =	vst v8;
	v4 =	vadd.f32 v17, v4;
	v2 =	vadd.f32 v2, v6;
	v6 =	vmul.f32 $4.999999890e-03, v13  }
0xae: {  	v0 =	vadd.f32 v15, v0;
	v1 =	vadd.f32 v3, v1;
	[tilespmem:s12+$0x1C010] =	vst v5;
	v3 =	vmul.f32 $4.999999890e-03, v14  }
0xaf: {  	v4 =	vadd.f32 v11, v4;
	[tilespmem:s12+$0x1C020] =	vst v6;
	v2 =	vmul.f32 $4.999999890e-03, v2  }
0xb0: {  	v0 =	vadd.f32 v7, v0;
	[tilespmem:s12+$0x1C030] =	vst v3;
	v1 =	vmul.f32 $4.999999890e-03, v1  }
0xb1: {  	[tilespmem:s12+$0x1C040] =	vst v2;
	v2 =	vmul.f32 $4.999999890e-03, v4  }
0xb2: {  	[tilespmem:s12+$0x1C050] =	vst v1;
	v0 =	vmul.f32 $4.999999890e-03, v0  }
0xb3: {  	[tilespmem:s12+$0x1C060] =	vst v2  }
0xb4: {  	[tilespmem:s12+$0x1C070] =	vst v0  }
0xb5: {  	_ =	swait.ge [sflag:s26], $0x3200  }
0xb6: {  	[sflag:s26] =	ssyncset.done $0x0  }
0xb7: {  	s13 =	simm.s32 $0x0;
	[sflag:s26] =	ssyncadd.s32 $0xFFFFCE00  }
0xb8: {  	v5 =	vld [tilespmem:s13+$0x8980]  }
0xb9: {  	v6 =	vld [tilespmem:s13+$0x8990]  }
0xba: {  	v7 =	vld [tilespmem:s13+$0x89A0]  }
0xbb: {  	v9 =	vld [tilespmem:s13+$0x89B0]  }
0xbc: {  	v0 =	vld [tilespmem:s13+$0x89C0]  }
0xbd: {  	v3 =	vld [tilespmem:s13+$0x89D0]  }
0xbe: {  	v19 =	vld [tilespmem:s13+$0x8900]  }
0xbf: {  	v21 =	vld [tilespmem:s13+$0x8910]  }
0xc0: {  	v13 =	vld [tilespmem:s13+$0x8920]  }
0xc1: {  	v20 =	vld [tilespmem:s13+$0x8930]  }
0xc2: {  	v4 =	vld [tilespmem:s13+$0x8940]  }
0xc3: {  	v1 =	vld [tilespmem:s13+$0x8880]  }
0xc4: {  	v2 =	vld [tilespmem:s13+$0x8890]  }
0xc5: {  	v8 =	vld [tilespmem:s13+$0x8800]  }
0xc6: {  	v11 =	vld [tilespmem:s13+$0x8810]  }
0xc7: {  	v12 =	vld [tilespmem:s13+$0x8820]  }
0xc8: {  	v14 =	vld [tilespmem:s13+$0x8830]  }
0xc9: {  	v16 =	vld [tilespmem:s13+$0x88A0]  }
0xca: {  	v17 =	vld [tilespmem:s13+$0x88B0]  }
0xcb: {  	v15 =	vimm.f32 $0.0e+00;
	v10 =	vld [tilespmem:s13+$0x8950]  }
0xcc: {  	v22 =	vld [tilespmem:s13+$0x88C0];
	v8 =	vadd.f32 v8, v15  }
0xcd: {  	v26 =	vld [tilespmem:s13+$0x88D0];
	v11 =	vadd.f32 v11, v15;
	v12 =	vadd.f32 v12, v15  }
0xce: {  	v27 =	vld [tilespmem:s13+$0x8840];
	v14 =	vadd.f32 v14, v15;
	v30 =	vadd.f32 v1, v8  }
0xcf: {  	v18 =	vimm.f32 $0.0e+00;
	v28 =	vld [tilespmem:s13+$0x8850];
	v31 =	vadd.f32 v2, v11;
	v32 =	vadd.f32 v16, v12  }
0xd0: {  	s14 =	simm.s32 $0x800;
	v29 =	vld [tilespmem:s13+$0x8860];
	v33 =	vadd.f32 v17, v14;
	v16 =	vimm.f32 $0.0e+00;
	v17 =	vimm.f32 $0.0e+00  }
.LBB2_7:
0xd1: {  	p1 =	sne.s32 s14, $0xC000;
	v1 =	vld [tilespmem:s13+$0x8870];
	v2 =	vadd.f32 v19, v30;
	v8 =	vadd.f32 v21, v31  }
0xd2: {  	v11 =	vld [tilespmem:s13+$0x88E0];
	v12 =	vadd.f32 v13, v32;
	v13 =	vadd.f32 v20, v33  }
0xd3: {  	v14 =	vld [tilespmem:s13+$0x88F0];
	v2 =	vadd.f32 v5, v2;
	v8 =	vadd.f32 v6, v8  }
0xd4: {  	v19 =	vld [tilespmem:s13+$0x8960];
	v12 =	vadd.f32 v7, v12;
	v23 =	vadd.f32 v9, v13  }
0xd5: {  	v5 =	vadd.f32 v27, v15;
	v6 =	vadd.f32 v28, v18;
	v9 =	vld [tilespmem:s13+$0x8970]  }
0xd6: {  	v7 =	vadd.f32 v29, v16;
	v1 =	vadd.f32 v1, v17;
	v13 =	vld [tilespmem:s13+$0x89E0]  }
0xd7: {  	v15 =	vadd.f32 v22, v5;
	v16 =	vadd.f32 v26, v6;
	v17 =	vld [tilespmem:s13+$0x89F0];
	s13 =	sshra.s32 s14, $0x2  }
0xd8: {  	v11 =	vadd.f32 v11, v7;
	v5 =	vld [tilespmem:s13+$0x8980];
	v1 =	vadd.f32 v14, v1  }
0xd9: {  	v4 =	vadd.f32 v4, v15;
	v10 =	vadd.f32 v10, v16;
	v6 =	vld [tilespmem:s13+$0x8990]  }
0xda: {  	v11 =	vadd.f32 v19, v11;
	v7 =	vld [tilespmem:s13+$0x89A0];
	v1 =	vadd.f32 v9, v1  }
0xdb: {  	v15 =	vadd.f32 v0, v4;
	v18 =	vadd.f32 v3, v10;
	v9 =	vld [tilespmem:s13+$0x89B0]  }
0xdc: {  	v16 =	vadd.f32 v13, v11;
	v0 =	vld [tilespmem:s13+$0x89C0];
	v17 =	vadd.f32 v17, v1  }
0xdd: {  	v3 =	vld [tilespmem:s13+$0x89D0]  }
0xde: {  	v19 =	vld [tilespmem:s13+$0x8900]  }
0xdf: {  	v21 =	vld [tilespmem:s13+$0x8910]  }
0xe0: {  	v13 =	vld [tilespmem:s13+$0x8920]  }
0xe1: {  	v20 =	vld [tilespmem:s13+$0x8930]  }
0xe2: {  	v4 =	vld [tilespmem:s13+$0x8940]  }
0xe3: {  	v10 =	vld [tilespmem:s13+$0x8950]  }
0xe4: {  	v1 =	vld [tilespmem:s13+$0x8880]  }
0xe5: {  	v11 =	vld [tilespmem:s13+$0x8890]  }
0xe6: {  	v14 =	vld [tilespmem:s13+$0x8800]  }
0xe7: {  	v24 =	vld [tilespmem:s13+$0x8810]  }
0xe8: {  	v25 =	vld [tilespmem:s13+$0x8820]  }
0xe9: {  	v27 =	vld [tilespmem:s13+$0x8830]  }
0xea: {  	v32 =	vld [tilespmem:s13+$0x88A0]  }
0xeb: {  	v33 =	vld [tilespmem:s13+$0x88B0]  }
.Ltmp2:
0xec: {  	v22 =	vld [tilespmem:s13+$0x88C0];
	(pc) =	sbr.rel @p1 .LBB2_7-.Ltmp2, $4  }
0xed: {  	v2 =	vadd.f32 v14, v2;
	v8 =	vadd.f32 v24, v8;
	v26 =	vld [tilespmem:s13+$0x88D0]  }
0xee: {  	v12 =	vadd.f32 v25, v12;
	v14 =	vadd.f32 v27, v23;
	v27 =	vld [tilespmem:s13+$0x8840]  }
0xef: {  	v30 =	vadd.f32 v1, v2;
	v31 =	vadd.f32 v11, v8;
	v28 =	vld [tilespmem:s13+$0x8850]  }
0xf0: {  	s14 =	sadd.s32 $0x800, s14;
	v32 =	vadd.f32 v32, v12;
	v29 =	vld [tilespmem:s13+$0x8860];
	v33 =	vadd.f32 v33, v14  }
0xf1: {  	v34 =	vld [tilespmem:s13+$0x8870]  }
0xf2: {  	v35 =	vld [tilespmem:s13+$0x88E0]  }
0xf3: {  	v36 =	vld [tilespmem:s13+$0x88F0]  }
0xf4: {  	v37 =	vld [tilespmem:s13+$0x8960]  }
0xf5: {  	v38 =	vld [tilespmem:s13+$0x8970]  }
0xf6: {  	v39 =	vld [tilespmem:s13+$0x89E0]  }
0xf7: {  	v40 =	vld [tilespmem:s13+$0x89F0];
	s13 =	sor.u32 @!p0 $0x100, s11;
	s14 =	simm.s32 @!p0 $0x64;
	s15 =	simm.s32 @!p0 $0x8800  }
0xf8: {  	[tilespmem:s15], [sflag:$0x3] =	stream.indirect.gather @!p0 [hbm4b:s2+s14], $0x80, s13, s14, $0xb8;
	[tilespmem:$0x1D000] =	vst v63  }
0xf9: {  	_ =	swait.ge [sflag:s28], $0x3200  }
0xfa: {  	[sflag:s28] =	ssyncset.done $0x0  }
0xfb: {  	s13 =	simm.s32 $0x0;
	[sflag:s28] =	ssyncadd.s32 $0xFFFFCE00  }
0xfc: {  	v8 =	vld [tilespmem:s13+$0xBD80]  }
0xfd: {  	v11 =	vld [tilespmem:s13+$0xBD90]  }
0xfe: {  	v12 =	vld [tilespmem:s13+$0xBDA0]  }
0xff: {  	v14 =	vld [tilespmem:s13+$0xBDB0]  }
0x100: {  	v1 =	vld [tilespmem:s13+$0xBDC0]  }
0x101: {  	v2 =	vld [tilespmem:s13+$0xBDD0]  }
0x102: {  	v24 =	vld [tilespmem:s13+$0xBD00]  }
0x103: {  	v25 =	vld [tilespmem:s13+$0xBD10]  }
0x104: {  	v23 =	vld [tilespmem:s13+$0xBD20]  }
0x105: {  	v30 =	vadd.f32 v19, v30;
	v21 =	vadd.f32 v21, v31;
	v19 =	vld [tilespmem:s13+$0xBD30]  }
0x106: {  	v61 =	vadd.f32 v13, v32;
	v20 =	vadd.f32 v20, v33;
	v13 =	vld [tilespmem:s13+$0xBD40]  }
0x107: {  	v30 =	vadd.f32 v5, v30;
	v21 =	vadd.f32 v6, v21;
	v5 =	vld [tilespmem:s13+$0xBD50]  }
0x108: {  	v6 =	vadd.f32 v27, v15;
	v31 =	vadd.f32 v7, v61;
	v62 =	vld [tilespmem:s13+$0xBC80]  }
0x109: {  	v20 =	vadd.f32 v9, v20;
	v7 =	vadd.f32 v28, v18;
	v18 =	vld [tilespmem:s13+$0xBC90]  }
0x10a: {  	v9 =	vadd.f32 v29, v16;
	v6 =	vadd.f32 v22, v6;
	v16 =	vld [tilespmem:s13+$0xBC00]  }
0x10b: {  	v15 =	vadd.f32 v34, v17;
	v7 =	vadd.f32 v26, v7;
	v17 =	vld [tilespmem:s13+$0xBC10]  }
0x10c: {  	v22 =	vld [tilespmem:s13+$0xBC20];
	v9 =	vadd.f32 v35, v9;
	v4 =	vadd.f32 v4, v6  }
0x10d: {  	v15 =	vadd.f32 v36, v15;
	v7 =	vadd.f32 v10, v7;
	v10 =	vld [tilespmem:s13+$0xBC30]  }
0x10e: {  	v26 =	vld [tilespmem:s13+$0xBCA0];
	v9 =	vadd.f32 v37, v9;
	v6 =	vadd.f32 v0, v4  }
0x10f: {  	v27 =	vld [tilespmem:s13+$0xBCB0];
	v15 =	vadd.f32 v38, v15;
	v3 =	vadd.f32 v3, v7  }
0x110: {  	v7 =	vld [tilespmem:s13+$0xBCC0];
	v4 =	vadd.f32 v39, v9;
	v16 =	vadd.f32 v16, v30  }
0x111: {  	v21 =	vadd.f32 v17, v21;
	v9 =	vld [tilespmem:s13+$0xBCD0];
	v22 =	vadd.f32 v22, v31  }
0x112: {  	v0 =	vadd.f32 v40, v15;
	v15 =	vld [tilespmem:s13+$0xBC40];
	v63 =	vadd.f32 v10, v20  }
0x113: {  	v10 =	vld [tilespmem:s13+$0xBC50];
	v17 =	vadd.f32 v62, v16;
	v18 =	vadd.f32 v18, v21  }
0x114: {  	s14 =	simm.s32 $0x800;
	v16 =	vld [tilespmem:s13+$0xBC60];
	v20 =	vadd.f32 v26, v22;
	v21 =	vadd.f32 v27, v63  }
.LBB2_9:
0x115: {  	p1 =	sne.s32 s14, $0xC000;
	v22 =	vld [tilespmem:s13+$0xBC70];
	v17 =	vadd.f32 v24, v17;
	v18 =	vadd.f32 v25, v18  }
0x116: {  	v24 =	vld [tilespmem:s13+$0xBCE0];
	v20 =	vadd.f32 v23, v20;
	v19 =	vadd.f32 v19, v21  }
0x117: {  	v21 =	vld [tilespmem:s13+$0xBCF0];
	v17 =	vadd.f32 v8, v17;
	v18 =	vadd.f32 v11, v18  }
0x118: {  	v23 =	vld [tilespmem:s13+$0xBD60];
	v20 =	vadd.f32 v12, v20;
	v26 =	vadd.f32 v14, v19  }
0x119: {  	v6 =	vadd.f32 v15, v6;
	v3 =	vadd.f32 v10, v3;
	v10 =	vld [tilespmem:s13+$0xBD70]  }
0x11a: {  	v4 =	vadd.f32 v16, v4;
	v0 =	vadd.f32 v22, v0;
	v15 =	vld [tilespmem:s13+$0xBDE0]  }
0x11b: {  	v6 =	vadd.f32 v7, v6;
	v3 =	vadd.f32 v9, v3;
	v7 =	vld [tilespmem:s13+$0xBDF0];
	s13 =	sshra.s32 s14, $0x2  }
0x11c: {  	v4 =	vadd.f32 v24, v4;
	v8 =	vld [tilespmem:s13+$0xBD80];
	v0 =	vadd.f32 v21, v0  }
0x11d: {  	v6 =	vadd.f32 v13, v6;
	v3 =	vadd.f32 v5, v3;
	v11 =	vld [tilespmem:s13+$0xBD90]  }
0x11e: {  	v4 =	vadd.f32 v23, v4;
	v12 =	vld [tilespmem:s13+$0xBDA0];
	v0 =	vadd.f32 v10, v0  }
0x11f: {  	v6 =	vadd.f32 v1, v6;
	v3 =	vadd.f32 v2, v3;
	v14 =	vld [tilespmem:s13+$0xBDB0]  }
0x120: {  	v4 =	vadd.f32 v15, v4;
	v1 =	vld [tilespmem:s13+$0xBDC0];
	v0 =	vadd.f32 v7, v0  }
0x121: {  	v2 =	vld [tilespmem:s13+$0xBDD0]  }
0x122: {  	v24 =	vld [tilespmem:s13+$0xBD00]  }
0x123: {  	v25 =	vld [tilespmem:s13+$0xBD10]  }
0x124: {  	v23 =	vld [tilespmem:s13+$0xBD20]  }
0x125: {  	v19 =	vld [tilespmem:s13+$0xBD30]  }
0x126: {  	v13 =	vld [tilespmem:s13+$0xBD40]  }
0x127: {  	v5 =	vld [tilespmem:s13+$0xBD50]  }
0x128: {  	v16 =	vld [tilespmem:s13+$0xBC80]  }
0x129: {  	v21 =	vld [tilespmem:s13+$0xBC90]  }
0x12a: {  	v9 =	vld [tilespmem:s13+$0xBC00]  }
0x12b: {  	v10 =	vld [tilespmem:s13+$0xBC10]  }
0x12c: {  	v15 =	vld [tilespmem:s13+$0xBC20]  }
0x12d: {  	v22 =	vld [tilespmem:s13+$0xBC30]  }
0x12e: {  	v27 =	vld [tilespmem:s13+$0xBCA0]  }
0x12f: {  	v28 =	vld [tilespmem:s13+$0xBCB0]  }
.Ltmp3:
0x130: {  	v7 =	vld [tilespmem:s13+$0xBCC0];
	(pc) =	sbr.rel @p1 .LBB2_9-.Ltmp3, $4  }
0x131: {  	v17 =	vadd.f32 v9, v17;
	v18 =	vadd.f32 v10, v18;
	v9 =	vld [tilespmem:s13+$0xBCD0]  }
0x132: {  	v20 =	vadd.f32 v15, v20;
	v22 =	vadd.f32 v22, v26;
	v15 =	vld [tilespmem:s13+$0xBC40]  }
0x133: {  	v17 =	vadd.f32 v16, v17;
	v18 =	vadd.f32 v21, v18;
	v10 =	vld [tilespmem:s13+$0xBC50]  }
0x134: {  	s14 =	sadd.s32 $0x800, s14;
	v20 =	vadd.f32 v27, v20;
	v16 =	vld [tilespmem:s13+$0xBC60];
	v21 =	vadd.f32 v28, v22  }
0x135: {  	v17 =	vadd.f32 v24, v17;
	v18 =	vadd.f32 v25, v18  }
0x136: {  	v22 =	vld [tilespmem:s13+$0xBC70];
	v20 =	vadd.f32 v23, v20;
	v19 =	vadd.f32 v19, v21  }
0x137: {  	v21 =	vld [tilespmem:s13+$0xBCE0];
	v8 =	vadd.f32 v8, v17;
	v11 =	vadd.f32 v11, v18  }
0x138: {  	v17 =	vld [tilespmem:s13+$0xBCF0];
	v6 =	vadd.f32 v15, v6;
	v12 =	vadd.f32 v12, v20  }
0x139: {  	v15 =	vld [tilespmem:s13+$0xBD60];
	v14 =	vadd.f32 v14, v19;
	v3 =	vadd.f32 v10, v3  }
0x13a: {  	v10 =	vld [tilespmem:s13+$0xBD70];
	v4 =	vadd.f32 v16, v4;
	v6 =	vadd.f32 v7, v6  }
0x13b: {  	s14 =	simm.s32 @!p0 $0x64;
	v7 =	vld [tilespmem:s13+$0xBDE0];
	v0 =	vadd.f32 v22, v0;
	v3 =	vadd.f32 v9, v3  }
0x13c: {  	s15 =	simm.s32 @!p0 $0xBC00;
	v8 =	vmul.f32 $4.999999890e-03, v8;
	v9 =	vld [tilespmem:s13+$0xBDF0];
	s13 =	sor.u32 @!p0 $0x180, s11;
	v4 =	vadd.f32 v21, v4;
	v6 =	vadd.f32 v13, v6  }
0x13d: {  	[tilespmem:s15], [sflag:$0x4] =	stream.indirect.gather @!p0 [hbm4b:s2+s14], $0x80, s13, s14, $0xb8;
	v0 =	vadd.f32 v17, v0;
	v3 =	vadd.f32 v5, v3;
	v5 =	vmul.f32 $4.999999890e-03, v11;
	[tilespmem:$0x1D000] =	vst v63  }
0x13e: {  	[tilespmem:s12+$0x1C080] =	vst v8;
	v4 =	vadd.f32 v15, v4;
	v1 =	vadd.f32 v1, v6;
	v6 =	vmul.f32 $4.999999890e-03, v12  }
0x13f: {  	v0 =	vadd.f32 v10, v0;
	v2 =	vadd.f32 v2, v3;
	[tilespmem:s12+$0x1C090] =	vst v5;
	v3 =	vmul.f32 $4.999999890e-03, v14  }
0x140: {  	v4 =	vadd.f32 v7, v4;
	[tilespmem:s12+$0x1C0A0] =	vst v6;
	v1 =	vmul.f32 $4.999999890e-03, v1  }
0x141: {  	v0 =	vadd.f32 v9, v0;
	[tilespmem:s12+$0x1C0B0] =	vst v3;
	v2 =	vmul.f32 $4.999999890e-03, v2  }
0x142: {  	[tilespmem:s12+$0x1C0C0] =	vst v1;
	v1 =	vmul.f32 $4.999999890e-03, v4  }
0x143: {  	[tilespmem:s12+$0x1C0D0] =	vst v2;
	v0 =	vmul.f32 $4.999999890e-03, v0  }
0x144: {  	[tilespmem:s12+$0x1C0E0] =	vst v1  }
0x145: {  	[tilespmem:s12+$0x1C0F0] =	vst v0  }
0x146: {  	_ =	swait.ge [sflag:s29], $0x3200  }
0x147: {  	[sflag:s29] =	ssyncset.done $0x0  }
0x148: {  	s13 =	simm.s32 $0x0;
	[sflag:s29] =	ssyncadd.s32 $0xFFFFCE00  }
0x149: {  	v5 =	vld [tilespmem:s13+$0xF180]  }
0x14a: {  	v6 =	vld [tilespmem:s13+$0xF190]  }
0x14b: {  	v7 =	vld [tilespmem:s13+$0xF1A0]  }
0x14c: {  	v9 =	vld [tilespmem:s13+$0xF1B0]  }
0x14d: {  	v0 =	vld [tilespmem:s13+$0xF1C0]  }
0x14e: {  	v3 =	vld [tilespmem:s13+$0xF1D0]  }
0x14f: {  	v19 =	vld [tilespmem:s13+$0xF100]  }
0x150: {  	v21 =	vld [tilespmem:s13+$0xF110]  }
0x151: {  	v13 =	vld [tilespmem:s13+$0xF120]  }
0x152: {  	v20 =	vld [tilespmem:s13+$0xF130]  }
0x153: {  	v4 =	vld [tilespmem:s13+$0xF140]  }
0x154: {  	v1 =	vld [tilespmem:s13+$0xF080]  }
0x155: {  	v2 =	vld [tilespmem:s13+$0xF090]  }
0x156: {  	v8 =	vld [tilespmem:s13+$0xF000]  }
0x157: {  	v11 =	vld [tilespmem:s13+$0xF010]  }
0x158: {  	v12 =	vld [tilespmem:s13+$0xF020]  }
0x159: {  	v14 =	vld [tilespmem:s13+$0xF030]  }
0x15a: {  	v16 =	vld [tilespmem:s13+$0xF0A0]  }
0x15b: {  	v17 =	vld [tilespmem:s13+$0xF0B0]  }
0x15c: {  	v15 =	vimm.f32 $0.0e+00;
	v10 =	vld [tilespmem:s13+$0xF150]  }
0x15d: {  	v22 =	vld [tilespmem:s13+$0xF0C0];
	v8 =	vadd.f32 v8, v15  }
0x15e: {  	v26 =	vld [tilespmem:s13+$0xF0D0];
	v11 =	vadd.f32 v11, v15;
	v12 =	vadd.f32 v12, v15  }
0x15f: {  	v27 =	vld [tilespmem:s13+$0xF040];
	v14 =	vadd.f32 v14, v15;
	v30 =	vadd.f32 v1, v8  }
0x160: {  	v18 =	vimm.f32 $0.0e+00;
	v28 =	vld [tilespmem:s13+$0xF050];
	v31 =	vadd.f32 v2, v11;
	v32 =	vadd.f32 v16, v12  }
0x161: {  	s14 =	simm.s32 $0x800;
	v29 =	vld [tilespmem:s13+$0xF060];
	v33 =	vadd.f32 v17, v14;
	v16 =	vimm.f32 $0.0e+00;
	v17 =	vimm.f32 $0.0e+00  }
.LBB2_11:
0x162: {  	p1 =	sne.s32 s14, $0xC000;
	v1 =	vld [tilespmem:s13+$0xF070];
	v2 =	vadd.f32 v19, v30;
	v8 =	vadd.f32 v21, v31  }
0x163: {  	v11 =	vld [tilespmem:s13+$0xF0E0];
	v12 =	vadd.f32 v13, v32;
	v13 =	vadd.f32 v20, v33  }
0x164: {  	v14 =	vld [tilespmem:s13+$0xF0F0];
	v2 =	vadd.f32 v5, v2;
	v8 =	vadd.f32 v6, v8  }
0x165: {  	v19 =	vld [tilespmem:s13+$0xF160];
	v12 =	vadd.f32 v7, v12;
	v23 =	vadd.f32 v9, v13  }
0x166: {  	v5 =	vadd.f32 v27, v15;
	v6 =	vadd.f32 v28, v18;
	v9 =	vld [tilespmem:s13+$0xF170]  }
0x167: {  	v7 =	vadd.f32 v29, v16;
	v1 =	vadd.f32 v1, v17;
	v13 =	vld [tilespmem:s13+$0xF1E0]  }
0x168: {  	v15 =	vadd.f32 v22, v5;
	v16 =	vadd.f32 v26, v6;
	v17 =	vld [tilespmem:s13+$0xF1F0];
	s13 =	sshra.s32 s14, $0x2  }
0x169: {  	v11 =	vadd.f32 v11, v7;
	v5 =	vld [tilespmem:s13+$0xF180];
	v1 =	vadd.f32 v14, v1  }
0x16a: {  	v4 =	vadd.f32 v4, v15;
	v10 =	vadd.f32 v10, v16;
	v6 =	vld [tilespmem:s13+$0xF190]  }
0x16b: {  	v11 =	vadd.f32 v19, v11;
	v7 =	vld [tilespmem:s13+$0xF1A0];
	v1 =	vadd.f32 v9, v1  }
0x16c: {  	v15 =	vadd.f32 v0, v4;
	v18 =	vadd.f32 v3, v10;
	v9 =	vld [tilespmem:s13+$0xF1B0]  }
0x16d: {  	v16 =	vadd.f32 v13, v11;
	v0 =	vld [tilespmem:s13+$0xF1C0];
	v17 =	vadd.f32 v17, v1  }
0x16e: {  	v3 =	vld [tilespmem:s13+$0xF1D0]  }
0x16f: {  	v19 =	vld [tilespmem:s13+$0xF100]  }
0x170: {  	v21 =	vld [tilespmem:s13+$0xF110]  }
0x171: {  	v13 =	vld [tilespmem:s13+$0xF120]  }
0x172: {  	v20 =	vld [tilespmem:s13+$0xF130]  }
0x173: {  	v4 =	vld [tilespmem:s13+$0xF140]  }
0x174: {  	v10 =	vld [tilespmem:s13+$0xF150]  }
0x175: {  	v1 =	vld [tilespmem:s13+$0xF080]  }
0x176: {  	v11 =	vld [tilespmem:s13+$0xF090]  }
0x177: {  	v14 =	vld [tilespmem:s13+$0xF000]  }
0x178: {  	v24 =	vld [tilespmem:s13+$0xF010]  }
0x179: {  	v25 =	vld [tilespmem:s13+$0xF020]  }
0x17a: {  	v27 =	vld [tilespmem:s13+$0xF030]  }
0x17b: {  	v32 =	vld [tilespmem:s13+$0xF0A0]  }
0x17c: {  	v33 =	vld [tilespmem:s13+$0xF0B0]  }
.Ltmp4:
0x17d: {  	v22 =	vld [tilespmem:s13+$0xF0C0];
	(pc) =	sbr.rel @p1 .LBB2_11-.Ltmp4, $4  }
0x17e: {  	v2 =	vadd.f32 v14, v2;
	v8 =	vadd.f32 v24, v8;
	v26 =	vld [tilespmem:s13+$0xF0D0]  }
0x17f: {  	v12 =	vadd.f32 v25, v12;
	v14 =	vadd.f32 v27, v23;
	v27 =	vld [tilespmem:s13+$0xF040]  }
0x180: {  	v30 =	vadd.f32 v1, v2;
	v31 =	vadd.f32 v11, v8;
	v28 =	vld [tilespmem:s13+$0xF050]  }
0x181: {  	s14 =	sadd.s32 $0x800, s14;
	v32 =	vadd.f32 v32, v12;
	v29 =	vld [tilespmem:s13+$0xF060];
	v33 =	vadd.f32 v33, v14  }
0x182: {  	v34 =	vld [tilespmem:s13+$0xF070]  }
0x183: {  	v35 =	vld [tilespmem:s13+$0xF0E0]  }
0x184: {  	v36 =	vld [tilespmem:s13+$0xF0F0]  }
0x185: {  	v37 =	vld [tilespmem:s13+$0xF160]  }
0x186: {  	v38 =	vld [tilespmem:s13+$0xF170]  }
0x187: {  	v39 =	vld [tilespmem:s13+$0xF1E0]  }
0x188: {  	v40 =	vld [tilespmem:s13+$0xF1F0];
	s13 =	sor.u32 @!p0 $0x200, s11;
	s14 =	simm.s32 @!p0 $0x64;
	s15 =	simm.s32 @!p0 $0xF000  }
0x189: {  	[tilespmem:s15], [sflag:$0x5] =	stream.indirect.gather @!p0 [hbm4b:s2+s14], $0x80, s13, s14, $0xb8;
	[tilespmem:$0x1D000] =	vst v63  }
0x18a: {  	_ =	swait.ge [sflag:s30], $0x3200  }
0x18b: {  	[sflag:s30] =	ssyncset.done $0x0  }
0x18c: {  	s13 =	simm.s32 $0x0;
	[sflag:s30] =	ssyncadd.s32 $0xFFFFCE00  }
0x18d: {  	v8 =	vld [tilespmem:s13+$0x12580]  }
0x18e: {  	v11 =	vld [tilespmem:s13+$0x12590]  }
0x18f: {  	v12 =	vld [tilespmem:s13+$0x125A0]  }
0x190: {  	v14 =	vld [tilespmem:s13+$0x125B0]  }
0x191: {  	v1 =	vld [tilespmem:s13+$0x125C0]  }
0x192: {  	v2 =	vld [tilespmem:s13+$0x125D0]  }
0x193: {  	v24 =	vld [tilespmem:s13+$0x12500]  }
0x194: {  	v25 =	vld [tilespmem:s13+$0x12510]  }
0x195: {  	v23 =	vld [tilespmem:s13+$0x12520]  }
0x196: {  	v30 =	vadd.f32 v19, v30;
	v21 =	vadd.f32 v21, v31;
	v19 =	vld [tilespmem:s13+$0x12530]  }
0x197: {  	v61 =	vadd.f32 v13, v32;
	v20 =	vadd.f32 v20, v33;
	v13 =	vld [tilespmem:s13+$0x12540]  }
0x198: {  	v30 =	vadd.f32 v5, v30;
	v21 =	vadd.f32 v6, v21;
	v5 =	vld [tilespmem:s13+$0x12550]  }
0x199: {  	v6 =	vadd.f32 v27, v15;
	v31 =	vadd.f32 v7, v61;
	v62 =	vld [tilespmem:s13+$0x12480]  }
0x19a: {  	v20 =	vadd.f32 v9, v20;
	v7 =	vadd.f32 v28, v18;
	v18 =	vld [tilespmem:s13+$0x12490]  }
0x19b: {  	v9 =	vadd.f32 v29, v16;
	v6 =	vadd.f32 v22, v6;
	v16 =	vld [tilespmem:s13+$0x12400]  }
0x19c: {  	v15 =	vadd.f32 v34, v17;
	v7 =	vadd.f32 v26, v7;
	v17 =	vld [tilespmem:s13+$0x12410]  }
0x19d: {  	v22 =	vld [tilespmem:s13+$0x12420];
	v9 =	vadd.f32 v35, v9;
	v4 =	vadd.f32 v4, v6  }
0x19e: {  	v15 =	vadd.f32 v36, v15;
	v7 =	vadd.f32 v10, v7;
	v10 =	vld [tilespmem:s13+$0x12430]  }
0x19f: {  	v26 =	vld [tilespmem:s13+$0x124A0];
	v9 =	vadd.f32 v37, v9;
	v6 =	vadd.f32 v0, v4  }
0x1a0: {  	v27 =	vld [tilespmem:s13+$0x124B0];
	v15 =	vadd.f32 v38, v15;
	v3 =	vadd.f32 v3, v7  }
0x1a1: {  	v7 =	vld [tilespmem:s13+$0x124C0];
	v4 =	vadd.f32 v39, v9;
	v16 =	vadd.f32 v16, v30  }
0x1a2: {  	v21 =	vadd.f32 v17, v21;
	v9 =	vld [tilespmem:s13+$0x124D0];
	v22 =	vadd.f32 v22, v31  }
0x1a3: {  	v0 =	vadd.f32 v40, v15;
	v15 =	vld [tilespmem:s13+$0x12440];
	v63 =	vadd.f32 v10, v20  }
0x1a4: {  	v10 =	vld [tilespmem:s13+$0x12450];
	v17 =	vadd.f32 v62, v16;
	v18 =	vadd.f32 v18, v21  }
0x1a5: {  	s14 =	simm.s32 $0x800;
	v16 =	vld [tilespmem:s13+$0x12460];
	v20 =	vadd.f32 v26, v22;
	v21 =	vadd.f32 v27, v63  }
.LBB2_13:
0x1a6: {  	p1 =	sne.s32 s14, $0xC000;
	v22 =	vld [tilespmem:s13+$0x12470];
	v17 =	vadd.f32 v24, v17;
	v18 =	vadd.f32 v25, v18  }
0x1a7: {  	v24 =	vld [tilespmem:s13+$0x124E0];
	v20 =	vadd.f32 v23, v20;
	v19 =	vadd.f32 v19, v21  }
0x1a8: {  	v21 =	vld [tilespmem:s13+$0x124F0];
	v17 =	vadd.f32 v8, v17;
	v18 =	vadd.f32 v11, v18  }
0x1a9: {  	v23 =	vld [tilespmem:s13+$0x12560];
	v20 =	vadd.f32 v12, v20;
	v26 =	vadd.f32 v14, v19  }
0x1aa: {  	v6 =	vadd.f32 v15, v6;
	v3 =	vadd.f32 v10, v3;
	v10 =	vld [tilespmem:s13+$0x12570]  }
0x1ab: {  	v4 =	vadd.f32 v16, v4;
	v0 =	vadd.f32 v22, v0;
	v15 =	vld [tilespmem:s13+$0x125E0]  }
0x1ac: {  	v6 =	vadd.f32 v7, v6;
	v3 =	vadd.f32 v9, v3;
	v7 =	vld [tilespmem:s13+$0x125F0];
	s13 =	sshra.s32 s14, $0x2  }
0x1ad: {  	v4 =	vadd.f32 v24, v4;
	v8 =	vld [tilespmem:s13+$0x12580];
	v0 =	vadd.f32 v21, v0  }
0x1ae: {  	v6 =	vadd.f32 v13, v6;
	v3 =	vadd.f32 v5, v3;
	v11 =	vld [tilespmem:s13+$0x12590]  }
0x1af: {  	v4 =	vadd.f32 v23, v4;
	v12 =	vld [tilespmem:s13+$0x125A0];
	v0 =	vadd.f32 v10, v0  }
0x1b0: {  	v6 =	vadd.f32 v1, v6;
	v3 =	vadd.f32 v2, v3;
	v14 =	vld [tilespmem:s13+$0x125B0]  }
0x1b1: {  	v4 =	vadd.f32 v15, v4;
	v1 =	vld [tilespmem:s13+$0x125C0];
	v0 =	vadd.f32 v7, v0  }
0x1b2: {  	v2 =	vld [tilespmem:s13+$0x125D0]  }
0x1b3: {  	v24 =	vld [tilespmem:s13+$0x12500]  }
0x1b4: {  	v25 =	vld [tilespmem:s13+$0x12510]  }
0x1b5: {  	v23 =	vld [tilespmem:s13+$0x12520]  }
0x1b6: {  	v19 =	vld [tilespmem:s13+$0x12530]  }
0x1b7: {  	v13 =	vld [tilespmem:s13+$0x12540]  }
0x1b8: {  	v5 =	vld [tilespmem:s13+$0x12550]  }
0x1b9: {  	v16 =	vld [tilespmem:s13+$0x12480]  }
0x1ba: {  	v21 =	vld [tilespmem:s13+$0x12490]  }
0x1bb: {  	v9 =	vld [tilespmem:s13+$0x12400]  }
0x1bc: {  	v10 =	vld [tilespmem:s13+$0x12410]  }
0x1bd: {  	v15 =	vld [tilespmem:s13+$0x12420]  }
0x1be: {  	v22 =	vld [tilespmem:s13+$0x12430]  }
0x1bf: {  	v27 =	vld [tilespmem:s13+$0x124A0]  }
0x1c0: {  	v28 =	vld [tilespmem:s13+$0x124B0]  }
.Ltmp5:
0x1c1: {  	v7 =	vld [tilespmem:s13+$0x124C0];
	(pc) =	sbr.rel @p1 .LBB2_13-.Ltmp5, $4  }
0x1c2: {  	v17 =	vadd.f32 v9, v17;
	v18 =	vadd.f32 v10, v18;
	v9 =	vld [tilespmem:s13+$0x124D0]  }
0x1c3: {  	v20 =	vadd.f32 v15, v20;
	v22 =	vadd.f32 v22, v26;
	v15 =	vld [tilespmem:s13+$0x12440]  }
0x1c4: {  	v17 =	vadd.f32 v16, v17;
	v18 =	vadd.f32 v21, v18;
	v10 =	vld [tilespmem:s13+$0x12450]  }
0x1c5: {  	s14 =	sadd.s32 $0x800, s14;
	v20 =	vadd.f32 v27, v20;
	v16 =	vld [tilespmem:s13+$0x12460];
	v21 =	vadd.f32 v28, v22  }
0x1c6: {  	v17 =	vadd.f32 v24, v17;
	v18 =	vadd.f32 v25, v18  }
0x1c7: {  	v22 =	vld [tilespmem:s13+$0x12470];
	v20 =	vadd.f32 v23, v20;
	v19 =	vadd.f32 v19, v21  }
0x1c8: {  	v21 =	vld [tilespmem:s13+$0x124E0];
	v8 =	vadd.f32 v8, v17;
	v11 =	vadd.f32 v11, v18  }
0x1c9: {  	v17 =	vld [tilespmem:s13+$0x124F0];
	v6 =	vadd.f32 v15, v6;
	v12 =	vadd.f32 v12, v20  }
0x1ca: {  	v15 =	vld [tilespmem:s13+$0x12560];
	v14 =	vadd.f32 v14, v19;
	v3 =	vadd.f32 v10, v3  }
0x1cb: {  	v10 =	vld [tilespmem:s13+$0x12570];
	v4 =	vadd.f32 v16, v4;
	v6 =	vadd.f32 v7, v6  }
0x1cc: {  	s14 =	simm.s32 @!p0 $0x64;
	v7 =	vld [tilespmem:s13+$0x125E0];
	v0 =	vadd.f32 v22, v0;
	v3 =	vadd.f32 v9, v3  }
0x1cd: {  	s15 =	simm.s32 @!p0 $0x12400;
	v8 =	vmul.f32 $4.999999890e-03, v8;
	v9 =	vld [tilespmem:s13+$0x125F0];
	s13 =	sor.u32 @!p0 $0x280, s11;
	v4 =	vadd.f32 v21, v4;
	v6 =	vadd.f32 v13, v6  }
0x1ce: {  	[tilespmem:s15], [sflag:$0x6] =	stream.indirect.gather @!p0 [hbm4b:s2+s14], $0x80, s13, s14, $0xb8;
	v0 =	vadd.f32 v17, v0;
	v3 =	vadd.f32 v5, v3;
	v5 =	vmul.f32 $4.999999890e-03, v11;
	[tilespmem:$0x1D000] =	vst v63  }
0x1cf: {  	[tilespmem:s12+$0x1C100] =	vst v8;
	v4 =	vadd.f32 v15, v4;
	v1 =	vadd.f32 v1, v6;
	v6 =	vmul.f32 $4.999999890e-03, v12  }
0x1d0: {  	v0 =	vadd.f32 v10, v0;
	v2 =	vadd.f32 v2, v3;
	[tilespmem:s12+$0x1C110] =	vst v5;
	v3 =	vmul.f32 $4.999999890e-03, v14  }
0x1d1: {  	v4 =	vadd.f32 v7, v4;
	[tilespmem:s12+$0x1C120] =	vst v6;
	v1 =	vmul.f32 $4.999999890e-03, v1  }
0x1d2: {  	v0 =	vadd.f32 v9, v0;
	[tilespmem:s12+$0x1C130] =	vst v3;
	v2 =	vmul.f32 $4.999999890e-03, v2  }
0x1d3: {  	[tilespmem:s12+$0x1C140] =	vst v1;
	v1 =	vmul.f32 $4.999999890e-03, v4  }
0x1d4: {  	[tilespmem:s12+$0x1C150] =	vst v2;
	v0 =	vmul.f32 $4.999999890e-03, v0  }
0x1d5: {  	[tilespmem:s12+$0x1C160] =	vst v1  }
0x1d6: {  	[tilespmem:s12+$0x1C170] =	vst v0  }
0x1d7: {  	_ =	swait.ge [sflag:s31], $0x3200  }
0x1d8: {  	[sflag:s31] =	ssyncset.done $0x0  }
0x1d9: {  	s13 =	simm.s32 $0x0;
	[sflag:s31] =	ssyncadd.s32 $0xFFFFCE00  }
0x1da: {  	v5 =	vld [tilespmem:s13+$0x15980]  }
0x1db: {  	v6 =	vld [tilespmem:s13+$0x15990]  }
0x1dc: {  	v7 =	vld [tilespmem:s13+$0x159A0]  }
0x1dd: {  	v9 =	vld [tilespmem:s13+$0x159B0]  }
0x1de: {  	v0 =	vld [tilespmem:s13+$0x159C0]  }
0x1df: {  	v3 =	vld [tilespmem:s13+$0x159D0]  }
0x1e0: {  	v19 =	vld [tilespmem:s13+$0x15900]  }
0x1e1: {  	v21 =	vld [tilespmem:s13+$0x15910]  }
0x1e2: {  	v13 =	vld [tilespmem:s13+$0x15920]  }
0x1e3: {  	v20 =	vld [tilespmem:s13+$0x15930]  }
0x1e4: {  	v4 =	vld [tilespmem:s13+$0x15940]  }
0x1e5: {  	v1 =	vld [tilespmem:s13+$0x15880]  }
0x1e6: {  	v2 =	vld [tilespmem:s13+$0x15890]  }
0x1e7: {  	v8 =	vld [tilespmem:s13+$0x15800]  }
0x1e8: {  	v11 =	vld [tilespmem:s13+$0x15810]  }
0x1e9: {  	v12 =	vld [tilespmem:s13+$0x15820]  }
0x1ea: {  	v14 =	vld [tilespmem:s13+$0x15830]  }
0x1eb: {  	v16 =	vld [tilespmem:s13+$0x158A0]  }
0x1ec: {  	v17 =	vld [tilespmem:s13+$0x158B0]  }
0x1ed: {  	v15 =	vimm.f32 $0.0e+00;
	v10 =	vld [tilespmem:s13+$0x15950]  }
0x1ee: {  	v22 =	vld [tilespmem:s13+$0x158C0];
	v8 =	vadd.f32 v8, v15  }
0x1ef: {  	v26 =	vld [tilespmem:s13+$0x158D0];
	v11 =	vadd.f32 v11, v15;
	v12 =	vadd.f32 v12, v15  }
0x1f0: {  	v27 =	vld [tilespmem:s13+$0x15840];
	v14 =	vadd.f32 v14, v15;
	v30 =	vadd.f32 v1, v8  }
0x1f1: {  	v18 =	vimm.f32 $0.0e+00;
	v28 =	vld [tilespmem:s13+$0x15850];
	v31 =	vadd.f32 v2, v11;
	v32 =	vadd.f32 v16, v12  }
0x1f2: {  	s14 =	simm.s32 $0x800;
	v29 =	vld [tilespmem:s13+$0x15860];
	v33 =	vadd.f32 v17, v14;
	v16 =	vimm.f32 $0.0e+00;
	v17 =	vimm.f32 $0.0e+00  }
.LBB2_15:
0x1f3: {  	p1 =	sne.s32 s14, $0xC000;
	v1 =	vld [tilespmem:s13+$0x15870];
	v2 =	vadd.f32 v19, v30;
	v8 =	vadd.f32 v21, v31  }
0x1f4: {  	v11 =	vld [tilespmem:s13+$0x158E0];
	v12 =	vadd.f32 v13, v32;
	v13 =	vadd.f32 v20, v33  }
0x1f5: {  	v14 =	vld [tilespmem:s13+$0x158F0];
	v2 =	vadd.f32 v5, v2;
	v8 =	vadd.f32 v6, v8  }
0x1f6: {  	v19 =	vld [tilespmem:s13+$0x15960];
	v12 =	vadd.f32 v7, v12;
	v23 =	vadd.f32 v9, v13  }
0x1f7: {  	v5 =	vadd.f32 v27, v15;
	v6 =	vadd.f32 v28, v18;
	v9 =	vld [tilespmem:s13+$0x15970]  }
0x1f8: {  	v7 =	vadd.f32 v29, v16;
	v1 =	vadd.f32 v1, v17;
	v13 =	vld [tilespmem:s13+$0x159E0]  }
0x1f9: {  	v15 =	vadd.f32 v22, v5;
	v16 =	vadd.f32 v26, v6;
	v17 =	vld [tilespmem:s13+$0x159F0];
	s13 =	sshra.s32 s14, $0x2  }
0x1fa: {  	v11 =	vadd.f32 v11, v7;
	v5 =	vld [tilespmem:s13+$0x15980];
	v1 =	vadd.f32 v14, v1  }
0x1fb: {  	v4 =	vadd.f32 v4, v15;
	v10 =	vadd.f32 v10, v16;
	v6 =	vld [tilespmem:s13+$0x15990]  }
0x1fc: {  	v11 =	vadd.f32 v19, v11;
	v7 =	vld [tilespmem:s13+$0x159A0];
	v1 =	vadd.f32 v9, v1  }
0x1fd: {  	v15 =	vadd.f32 v0, v4;
	v18 =	vadd.f32 v3, v10;
	v9 =	vld [tilespmem:s13+$0x159B0]  }
0x1fe: {  	v16 =	vadd.f32 v13, v11;
	v0 =	vld [tilespmem:s13+$0x159C0];
	v17 =	vadd.f32 v17, v1  }
0x1ff: {  	v3 =	vld [tilespmem:s13+$0x159D0]  }
0x200: {  	v19 =	vld [tilespmem:s13+$0x15900]  }
0x201: {  	v21 =	vld [tilespmem:s13+$0x15910]  }
0x202: {  	v13 =	vld [tilespmem:s13+$0x15920]  }
0x203: {  	v20 =	vld [tilespmem:s13+$0x15930]  }
0x204: {  	v4 =	vld [tilespmem:s13+$0x15940]  }
0x205: {  	v10 =	vld [tilespmem:s13+$0x15950]  }
0x206: {  	v1 =	vld [tilespmem:s13+$0x15880]  }
0x207: {  	v11 =	vld [tilespmem:s13+$0x15890]  }
0x208: {  	v14 =	vld [tilespmem:s13+$0x15800]  }
0x209: {  	v24 =	vld [tilespmem:s13+$0x15810]  }
0x20a: {  	v25 =	vld [tilespmem:s13+$0x15820]  }
0x20b: {  	v27 =	vld [tilespmem:s13+$0x15830]  }
0x20c: {  	v32 =	vld [tilespmem:s13+$0x158A0]  }
0x20d: {  	v33 =	vld [tilespmem:s13+$0x158B0]  }
.Ltmp6:
0x20e: {  	v22 =	vld [tilespmem:s13+$0x158C0];
	(pc) =	sbr.rel @p1 .LBB2_15-.Ltmp6, $4  }
0x20f: {  	v2 =	vadd.f32 v14, v2;
	v8 =	vadd.f32 v24, v8;
	v26 =	vld [tilespmem:s13+$0x158D0]  }
0x210: {  	v12 =	vadd.f32 v25, v12;
	v14 =	vadd.f32 v27, v23;
	v27 =	vld [tilespmem:s13+$0x15840]  }
0x211: {  	v30 =	vadd.f32 v1, v2;
	v31 =	vadd.f32 v11, v8;
	v28 =	vld [tilespmem:s13+$0x15850]  }
0x212: {  	s14 =	sadd.s32 $0x800, s14;
	v32 =	vadd.f32 v32, v12;
	v29 =	vld [tilespmem:s13+$0x15860];
	v33 =	vadd.f32 v33, v14  }
0x213: {  	v34 =	vld [tilespmem:s13+$0x15870]  }
0x214: {  	v35 =	vld [tilespmem:s13+$0x158E0]  }
0x215: {  	v36 =	vld [tilespmem:s13+$0x158F0]  }
0x216: {  	v37 =	vld [tilespmem:s13+$0x15960]  }
0x217: {  	v38 =	vld [tilespmem:s13+$0x15970]  }
0x218: {  	v39 =	vld [tilespmem:s13+$0x159E0]  }
0x219: {  	v40 =	vld [tilespmem:s13+$0x159F0];
	s13 =	sor.u32 @!p0 $0x300, s11;
	s14 =	simm.s32 @!p0 $0x64;
	s15 =	simm.s32 @!p0 $0x15800  }
0x21a: {  	[tilespmem:s15], [sflag:$0x7] =	stream.indirect.gather @!p0 [hbm4b:s2+s14], $0x80, s13, s14, $0xb8;
	[tilespmem:$0x1D000] =	vst v63  }
0x21b: {  	_ =	swait.ge [sflag:s0], $0x3200  }
0x21c: {  	[sflag:s0] =	ssyncset.done $0x0  }
0x21d: {  	s13 =	simm.s32 $0x0;
	[sflag:s0] =	ssyncadd.s32 $0xFFFFCE00  }
0x21e: {  	v8 =	vld [tilespmem:s13+$0x18D80]  }
0x21f: {  	v11 =	vld [tilespmem:s13+$0x18D90]  }
0x220: {  	v12 =	vld [tilespmem:s13+$0x18DA0]  }
0x221: {  	v14 =	vld [tilespmem:s13+$0x18DB0]  }
0x222: {  	v1 =	vld [tilespmem:s13+$0x18DC0]  }
0x223: {  	v2 =	vld [tilespmem:s13+$0x18DD0]  }
0x224: {  	v24 =	vld [tilespmem:s13+$0x18D00]  }
0x225: {  	v25 =	vld [tilespmem:s13+$0x18D10]  }
0x226: {  	v23 =	vld [tilespmem:s13+$0x18D20]  }
0x227: {  	v30 =	vadd.f32 v19, v30;
	v21 =	vadd.f32 v21, v31;
	v19 =	vld [tilespmem:s13+$0x18D30]  }
0x228: {  	v61 =	vadd.f32 v13, v32;
	v20 =	vadd.f32 v20, v33;
	v13 =	vld [tilespmem:s13+$0x18D40]  }
0x229: {  	v30 =	vadd.f32 v5, v30;
	v21 =	vadd.f32 v6, v21;
	v5 =	vld [tilespmem:s13+$0x18D50]  }
0x22a: {  	v6 =	vadd.f32 v27, v15;
	v31 =	vadd.f32 v7, v61;
	v62 =	vld [tilespmem:s13+$0x18C80]  }
0x22b: {  	v20 =	vadd.f32 v9, v20;
	v7 =	vadd.f32 v28, v18;
	v18 =	vld [tilespmem:s13+$0x18C90]  }
0x22c: {  	v9 =	vadd.f32 v29, v16;
	v6 =	vadd.f32 v22, v6;
	v16 =	vld [tilespmem:s13+$0x18C00]  }
0x22d: {  	v15 =	vadd.f32 v34, v17;
	v7 =	vadd.f32 v26, v7;
	v17 =	vld [tilespmem:s13+$0x18C10]  }
0x22e: {  	v22 =	vld [tilespmem:s13+$0x18C20];
	v9 =	vadd.f32 v35, v9;
	v4 =	vadd.f32 v4, v6  }
0x22f: {  	v15 =	vadd.f32 v36, v15;
	v7 =	vadd.f32 v10, v7;
	v10 =	vld [tilespmem:s13+$0x18C30]  }
0x230: {  	v26 =	vld [tilespmem:s13+$0x18CA0];
	v9 =	vadd.f32 v37, v9;
	v6 =	vadd.f32 v0, v4  }
0x231: {  	v27 =	vld [tilespmem:s13+$0x18CB0];
	v15 =	vadd.f32 v38, v15;
	v3 =	vadd.f32 v3, v7  }
0x232: {  	v7 =	vld [tilespmem:s13+$0x18CC0];
	v4 =	vadd.f32 v39, v9;
	v16 =	vadd.f32 v16, v30  }
0x233: {  	v21 =	vadd.f32 v17, v21;
	v9 =	vld [tilespmem:s13+$0x18CD0];
	v22 =	vadd.f32 v22, v31  }
0x234: {  	v0 =	vadd.f32 v40, v15;
	v15 =	vld [tilespmem:s13+$0x18C40];
	v63 =	vadd.f32 v10, v20  }
0x235: {  	v10 =	vld [tilespmem:s13+$0x18C50];
	v17 =	vadd.f32 v62, v16;
	v18 =	vadd.f32 v18, v21  }
0x236: {  	s14 =	simm.s32 $0x800;
	v16 =	vld [tilespmem:s13+$0x18C60];
	v20 =	vadd.f32 v26, v22;
	v21 =	vadd.f32 v27, v63  }
.LBB2_17:
0x237: {  	p1 =	sne.s32 s14, $0xC000;
	v22 =	vld [tilespmem:s13+$0x18C70];
	v17 =	vadd.f32 v24, v17;
	v18 =	vadd.f32 v25, v18  }
0x238: {  	v24 =	vld [tilespmem:s13+$0x18CE0];
	v20 =	vadd.f32 v23, v20;
	v19 =	vadd.f32 v19, v21  }
0x239: {  	v21 =	vld [tilespmem:s13+$0x18CF0];
	v17 =	vadd.f32 v8, v17;
	v18 =	vadd.f32 v11, v18  }
0x23a: {  	v23 =	vld [tilespmem:s13+$0x18D60];
	v20 =	vadd.f32 v12, v20;
	v26 =	vadd.f32 v14, v19  }
0x23b: {  	v6 =	vadd.f32 v15, v6;
	v3 =	vadd.f32 v10, v3;
	v10 =	vld [tilespmem:s13+$0x18D70]  }
0x23c: {  	v4 =	vadd.f32 v16, v4;
	v0 =	vadd.f32 v22, v0;
	v15 =	vld [tilespmem:s13+$0x18DE0]  }
0x23d: {  	v6 =	vadd.f32 v7, v6;
	v3 =	vadd.f32 v9, v3;
	v7 =	vld [tilespmem:s13+$0x18DF0];
	s13 =	sshra.s32 s14, $0x2  }
0x23e: {  	v4 =	vadd.f32 v24, v4;
	v8 =	vld [tilespmem:s13+$0x18D80];
	v0 =	vadd.f32 v21, v0  }
0x23f: {  	v6 =	vadd.f32 v13, v6;
	v3 =	vadd.f32 v5, v3;
	v11 =	vld [tilespmem:s13+$0x18D90]  }
0x240: {  	v4 =	vadd.f32 v23, v4;
	v12 =	vld [tilespmem:s13+$0x18DA0];
	v0 =	vadd.f32 v10, v0  }
0x241: {  	v6 =	vadd.f32 v1, v6;
	v3 =	vadd.f32 v2, v3;
	v14 =	vld [tilespmem:s13+$0x18DB0]  }
0x242: {  	v4 =	vadd.f32 v15, v4;
	v1 =	vld [tilespmem:s13+$0x18DC0];
	v0 =	vadd.f32 v7, v0  }
0x243: {  	v2 =	vld [tilespmem:s13+$0x18DD0]  }
0x244: {  	v24 =	vld [tilespmem:s13+$0x18D00]  }
0x245: {  	v25 =	vld [tilespmem:s13+$0x18D10]  }
0x246: {  	v23 =	vld [tilespmem:s13+$0x18D20]  }
0x247: {  	v19 =	vld [tilespmem:s13+$0x18D30]  }
0x248: {  	v13 =	vld [tilespmem:s13+$0x18D40]  }
0x249: {  	v5 =	vld [tilespmem:s13+$0x18D50]  }
0x24a: {  	v16 =	vld [tilespmem:s13+$0x18C80]  }
0x24b: {  	v21 =	vld [tilespmem:s13+$0x18C90]  }
0x24c: {  	v9 =	vld [tilespmem:s13+$0x18C00]  }
0x24d: {  	v10 =	vld [tilespmem:s13+$0x18C10]  }
0x24e: {  	v15 =	vld [tilespmem:s13+$0x18C20]  }
0x24f: {  	v22 =	vld [tilespmem:s13+$0x18C30]  }
0x250: {  	v27 =	vld [tilespmem:s13+$0x18CA0]  }
0x251: {  	v28 =	vld [tilespmem:s13+$0x18CB0]  }
.Ltmp7:
0x252: {  	v7 =	vld [tilespmem:s13+$0x18CC0];
	(pc) =	sbr.rel @p1 .LBB2_17-.Ltmp7, $4  }
0x253: {  	v17 =	vadd.f32 v9, v17;
	v18 =	vadd.f32 v10, v18;
	v9 =	vld [tilespmem:s13+$0x18CD0]  }
0x254: {  	v20 =	vadd.f32 v15, v20;
	v22 =	vadd.f32 v22, v26;
	v15 =	vld [tilespmem:s13+$0x18C40]  }
0x255: {  	v17 =	vadd.f32 v16, v17;
	v18 =	vadd.f32 v21, v18;
	v10 =	vld [tilespmem:s13+$0x18C50]  }
0x256: {  	s14 =	sadd.s32 $0x800, s14;
	v20 =	vadd.f32 v27, v20;
	v16 =	vld [tilespmem:s13+$0x18C60];
	v21 =	vadd.f32 v28, v22  }
0x257: {  	v17 =	vadd.f32 v24, v17;
	v18 =	vadd.f32 v25, v18  }
0x258: {  	v22 =	vld [tilespmem:s13+$0x18C70];
	v20 =	vadd.f32 v23, v20;
	v19 =	vadd.f32 v19, v21  }
0x259: {  	v54 =	vld [tilespmem:s13+$0x18CE0];
	v8 =	vadd.f32 v8, v17;
	v11 =	vadd.f32 v11, v18  }
0x25a: {  	v55 =	vld [tilespmem:s13+$0x18CF0];
	v6 =	vadd.f32 v15, v6;
	v12 =	vadd.f32 v12, v20  }
0x25b: {  	v56 =	vld [tilespmem:s13+$0x18D60];
	v14 =	vadd.f32 v14, v19;
	v3 =	vadd.f32 v10, v3  }
0x25c: {  	v57 =	vld [tilespmem:s13+$0x18D70];
	v4 =	vadd.f32 v16, v4;
	v6 =	vadd.f32 v7, v6  }
0x25d: {  	v58 =	vld [tilespmem:s13+$0x18DE0];
	v0 =	vadd.f32 v22, v0;
	v3 =	vadd.f32 v9, v3  }
0x25e: {  	v59 =	vld [tilespmem:s13+$0x18DF0];
	s11 =	sor.u32 @!p0 $0x380, s11;
	s13 =	simm.s32 @!p0 $0x64;
	s14 =	simm.s32 @!p0 $0x18C00;
	v8 =	vmul.f32 $4.999999890e-03, v8;
	v4 =	vadd.f32 v54, v4;
	v6 =	vadd.f32 v13, v6  }
0x25f: {  	[tilespmem:s14], [sflag:$0x8] =	stream.indirect.gather @!p0 [hbm4b:s2+s13], $0x80, s11, s13, $0xb8;
	v60 =	vmul.f32 $4.999999890e-03, v11;
	v0 =	vadd.f32 v55, v0;
	v3 =	vadd.f32 v5, v3;
	[tilespmem:$0x1D000] =	vst v63  }
0x260: {  	v61 =	vmul.f32 $4.999999890e-03, v12;
	[tilespmem:s12+$0x1C180] =	vst v8;
	v4 =	vadd.f32 v56, v4;
	v1 =	vadd.f32 v1, v6  }
0x261: {  	v62 =	vmul.f32 $4.999999890e-03, v14;
	[tilespmem:s12+$0x1C190] =	vst v60;
	v0 =	vadd.f32 v57, v0;
	v2 =	vadd.f32 v2, v3  }
0x262: {  	p0 =	sne.s32 s10, $0x8;
	[tilespmem:s12+$0x1C1A0] =	vst v61;
	v4 =	vadd.f32 v58, v4;
	v1 =	vmul.f32 $4.999999890e-03, v1  }
.Ltmp8:
0x263: {  	[tilespmem:s12+$0x1C1B0] =	vst v62;
	v0 =	vadd.f32 v59, v0;
	v2 =	vmul.f32 $4.999999890e-03, v2;
	(pc) =	sbr.rel @p0 .LBB2_2-.Ltmp8, $4  }
0x264: {  	[tilespmem:s12+$0x1C1C0] =	vst v1;
	v63 =	vmul.f32 $4.999999890e-03, v4  }
0x265: {  	[tilespmem:s12+$0x1C1D0] =	vst v2;
	v0 =	vmul.f32 $4.999999890e-03, v0  }
0x266: {  	[tilespmem:s12+$0x1C1E0] =	vst v63  }
0x267: {  	[tilespmem:s12+$0x1C1F0] =	vst v0;
	s12 =	smov.u32 s10  }
0x268: {  	s9 =	sadd.s32 $0x1, s9  }
0x269: {  	p0 =	sne.s32 s9, s6  }
.Ltmp9:
0x26a: {  	_ = 	snop;
	(pc) =	sbr.rel @p0 .LBB2_1-.Ltmp9, $4  }
0x26b: {  	[hbm4b:s5+s3] =	stream.linear.scatter [tilespmem:s1], [sflag:$0x9], $0x1000, $0x38;
	[tilespmem:$0x1D000] =	vst v63  }
0x26c: {  	_ =	swait.ge [sflag:s7], $0x1000  }
0x26d: {  	[sflag:s7] =	ssyncset.done $0x0  }
0x26e: {  	[sflag:s7] =	ssyncadd.s32 $0xFFFFF000  }
0x26f: {  	_ =	sfence.sel $0x180000  }
0x270: {  	[bflag:$0x0] =	sbarrier.arrive $0xFFFF  }
0x271: {  	_ =	strace $0x90000047  }
0x272: {  	s0 =	stileid.u32;
	[bflag:$0x2] =	sbarrier.arrive $0xFFFF  }
0x273: {  	p0 =	sne.s32 s0, $0x0;
	s0 =	rddreg [dreg:$0x3]  }
0x274: {  	s0 =	sadd.s32 @!p0 $0x100000, s0  }
0x275: {  	[sflag:s0] =	ssyncadd.tile.s32 @!p0 $0x1;
	_ =	shalt  }
.Lfunc_end2:
_tile_overlayer_lowered:
.L_overlay_start_2:
0x276: {  	(tag) =	ssettag $0x2  }
0x277: {  	s0 =	rddreg [dreg:$0x0];
	s2 =	stileid.u32  }
0x278: {  	s1 =	rddreg [dreg:$0x1];
	p0 =	sne.s32 s2, $0x0  }
0x279: {  	s3 =	rddreg [dreg:$0x2];
	[bflag:$0x3] =	sbarrier.arrive $0xFFFF;
	s2 =	simm.s32 @!p0 $0x1C09  }
0x27a: {  	[timem:s3], [sflag:s2] =	dma.local @!p0 [hbm:s0], s1  }
0x27b: {  	s0 =	simm.s32 @!p0 $0x9  }
0x27c: {  	_ =	swait.ge @!p0 [sflag:s0], s1  }
0x27d: {  	s1 =	ssub.s32 @!p0 $0x0, s1;
	[sflag:s0] =	ssyncset.done @!p0 $0x0  }
0x27e: {  	[sflag:s0] =	ssyncadd.s32 @!p0 s1  }
0x27f: {  	[bflag:$0x3] =	sbarrier.arrive $0xFFFF  }
0x280: {  	_ =	shalt  }

</sc_bundles>
